<compile_context>
chip_gen: v7x
topology: tpu7x:2x2x1
jax: 0.10.2.dev20260603
libtpu: 0.0.44.dev20260713+nightly
codegen_flags: <defaults>
</compile_context>

<pallas_src>
import jax
import jax.numpy as jnp
from jax import lax
from jax.experimental import pallas as pl
from jax.experimental.pallas import tpu as pltpu
from jax.experimental.pallas import tpu_sc as plsc

VOCAB = 1000000
EMBED_DIM = 32
BATCH = 16384
HIST = 50
B = BATCH * HIST

NUM_CORES = 2
NUM_SUBCORES = 16
NW = NUM_CORES * NUM_SUBCORES
BW = BATCH // NW
IDXW = BW * HIST
NBT = BW // 128
NJT = EMBED_DIM // 8


def _gather_body(idx_hbm, table_hbm, o5_hbm,
                 idxblk_v, gidx_v, rows_v, tiles_v, gsem, wsem):
    wid = lax.axis_index("s") * NUM_CORES + lax.axis_index("c")
    tb0 = wid * NBT
    iota = lax.iota(jnp.int32, 16)
    iota50 = iota * HIST
    rot = [lax.bitwise_and(iota + d, 15) for d in range(16)]

    pltpu.sync_copy(idx_hbm.at[pl.ds(wid * IDXW, IDXW)], idxblk_v)

    def _extract_and_fire(h, off):
        for k in range(BW // 16):
            ids = iota50 + (k * 16 * HIST + h)
            vals = plsc.load_gather(idxblk_v, [ids])
            gidx_v[pl.ds(off + k * 16, 16)] = vals
        pltpu.async_copy(
            table_hbm.at[gidx_v.at[pl.ds(off, BW)]],
            rows_v.at[pl.ds(off, BW)], gsem)

    _extract_and_fire(0, 0)

    @pl.loop(0, HIST)
    def _h_step(h):
        b = lax.rem(h, 2)
        nb = 1 - b
        roff = b * BW

        pltpu.make_async_copy(
            table_hbm.at[gidx_v.at[pl.ds(roff, BW)]],
            rows_v.at[pl.ds(roff, BW)], gsem).wait()

        @pl.when(h + 1 < HIST)
        def _():
            _extract_and_fire(h + 1, nb * BW)

        zero16 = jnp.zeros((16,), jnp.int32)

        @pl.loop(0, BW // 16)
        def _rblk(R):
            r0loc = R * 16
            tb = lax.shift_right_logical(R, 3)
            vb = zero16 + b
            vtb = zero16 + tb
            lanevec = iota + lax.bitwise_and(r0loc, 127)
            rvec = iota + (roff + r0loc)
            for C in range(2):
                for d in range(16):
                    cvec = rot[d] + C * 16
                    vals = plsc.load_gather(rows_v, [rvec, cvec])
                    vtj = lax.shift_right_logical(cvec, 3)
                    i3 = lax.bitwise_and(cvec, 7) * 128 + lanevec
                    plsc.store_scatter(tiles_v, [vb, vtj, vtb, i3], vals)

        @pl.when(h >= 1)
        def _():
            pltpu.make_async_copy(
                tiles_v.at[0], o5_hbm.at[0, :, pl.ds(0, NBT)], wsem).wait()

        pltpu.async_copy(
            tiles_v.at[b], o5_hbm.at[h, :, pl.ds(tb0, NBT)], wsem)

    pltpu.make_async_copy(
        tiles_v.at[0], o5_hbm.at[0, :, pl.ds(0, NBT)], wsem).wait()


def _build_kernel():
    mesh = plsc.VectorSubcoreMesh(
        core_axis_name="c", subcore_axis_name="s",
        num_cores=NUM_CORES, num_subcores=NUM_SUBCORES)
    return pl.kernel(
        _gather_body,
        out_type=jax.ShapeDtypeStruct((HIST, NJT, BATCH // 128, 1024),
                                      jnp.float32),
        mesh=mesh,
        scratch_types=[
            pltpu.VMEM((IDXW,), jnp.int32),
            pltpu.VMEM((2 * BW,), jnp.int32),
            pltpu.VMEM((2 * BW, EMBED_DIM), jnp.float32),
            pltpu.VMEM((2, NJT, NBT, 1024), jnp.float32),
            pltpu.SemaphoreType.DMA,
            pltpu.SemaphoreType.DMA,
        ],
        compiler_params=pltpu.CompilerParams(
            use_tc_tiling_on_sc=False, needs_layout_passes=False),
    )


def kernel(x, table):
    idx = x.reshape(-1).astype(jnp.int32)
    o5 = _build_kernel()(idx, table)
    o6 = o5.reshape(HIST, NJT, BATCH // 128, 8, 128)
    out = o6.transpose(2, 4, 0, 1, 3).reshape(BATCH, HIST, EMBED_DIM)
    return out

# --- scband reference (transcript-rebuilt; emitter-appended) ---
"""Pipeline reference for scband-word2-vec-embedding-38903813767772 (READ-ONLY COPY).

The authoritative reference and input builder live on the scoring server;
editing this copy changes nothing except your own understanding.
"""

import jax, jax.numpy as jnp
import numpy as np

VOCAB = 1000000
EMBED_DIM = 32
BATCH = 16384
HIST = 50

def setup_inputs(seed: int = 0) -> dict:
    key = jax.random.key(seed)
    k_idx, k_tab = jax.random.split(key)
    x = jax.random.randint(k_idx, (BATCH, HIST), 0, VOCAB, dtype=jnp.int64 if jax.config.jax_enable_x64 else jnp.int32)
    table = jax.random.normal(k_tab, (VOCAB, EMBED_DIM), dtype=jnp.float32) * 0.02
    return {"x": x, "table": table}

def reference(x, table):
    # Word2VecEmbedding.forward: nn.Embedding lookup on pretrained table
    return jnp.take(table, x, axis=0)

if __name__ == "__main__":
    import jax
    _d = setup_inputs()
    print(jax.jit(kernel)(*tuple(_d.values())))

</pallas_src>

<mosaic_0001>
#map = affine_map<(d0, d1) -> (0)>
#map1 = affine_map<(d0, d1) -> (0, 0)>
#map2 = affine_map<(d0, d1) -> (0, 0, 0, 0)>
module attributes {stable_mosaic.version = 14 : i64} {
  func.func @_gather_body(%arg0: i32, %arg1: i32, %arg2: memref<819200xi32, #tpu.memory_space<hbm>>, %arg3: memref<1000000x32xf32, #tpu.memory_space<hbm>>, %arg4: memref<50x4x128x1024xf32, #tpu.memory_space<hbm>>, %arg5: memref<25600xi32, #tpu.memory_space<vmem>>, %arg6: memref<1024xi32, #tpu.memory_space<vmem>>, %arg7: memref<1024x32xf32, #tpu.memory_space<vmem>>, %arg8: memref<2x4x4x1024xf32, #tpu.memory_space<vmem>>, %arg9: memref<!tpu.dma_semaphore, #tpu.memory_space<semaphore_mem>>, %arg10: memref<!tpu.dma_semaphore, #tpu.memory_space<semaphore_mem>>) attributes {dimension_semantics = [#tpu.dimension_semantics<core_parallel>, #tpu.dimension_semantics<subcore_parallel>], iteration_bounds = array<i64: 2, 16>, scalar_prefetch = 0 : i64, scratch_operands = 6 : i64, tpu.core_type = #tpu.core_type<sc_vector_subcore>, window_params = [{transform_indices = #map}, {transform_indices = #map1}, {transform_indices = #map2}]} {
    %mul3A = arith.constant 2 : i32
    %mul3A_0 = arith.muli %arg1, %mul3A : i32
    %add3A = arith.addi %mul3A_0, %arg0 : i32
    %mul3A_1 = arith.constant 4 : i32
    %mul3A_2 = arith.muli %add3A, %mul3A_1 : i32
    %iota3A = tpu.iota {dimensions = array<i32: 0>} : vector<16xi32>
    %mul3A_3 = arith.constant 50 : i32
    %mul3A_4 = vector.broadcast %mul3A_3 : i32 to vector<16xi32>
    %mul3A_5 = arith.muli %iota3A, %mul3A_4 : vector<16xi32>
    %add3A_6 = arith.constant 0 : i32
    %add3A_7 = vector.broadcast %add3A_6 : i32 to vector<16xi32>
    %add3A_8 = arith.addi %iota3A, %add3A_7 : vector<16xi32>
    %and3A = arith.constant 15 : i32
    %and3A_9 = vector.broadcast %and3A : i32 to vector<16xi32>
    %and3A_10 = arith.andi %add3A_8, %and3A_9 : vector<16xi32>
    %add3A_11 = arith.constant 1 : i32
    %add3A_12 = vector.broadcast %add3A_11 : i32 to vector<16xi32>
    %add3A_13 = arith.addi %iota3A, %add3A_12 : vector<16xi32>
    %and3A_14 = arith.constant 15 : i32
    %and3A_15 = vector.broadcast %and3A_14 : i32 to vector<16xi32>
    %and3A_16 = arith.andi %add3A_13, %and3A_15 : vector<16xi32>
    %add3A_17 = arith.constant 2 : i32
    %add3A_18 = vector.broadcast %add3A_17 : i32 to vector<16xi32>
    %add3A_19 = arith.addi %iota3A, %add3A_18 : vector<16xi32>
    %and3A_20 = arith.constant 15 : i32
    %and3A_21 = vector.broadcast %and3A_20 : i32 to vector<16xi32>
    %and3A_22 = arith.andi %add3A_19, %and3A_21 : vector<16xi32>
    %add3A_23 = arith.constant 3 : i32
    %add3A_24 = vector.broadcast %add3A_23 : i32 to vector<16xi32>
    %add3A_25 = arith.addi %iota3A, %add3A_24 : vector<16xi32>
    %and3A_26 = arith.constant 15 : i32
    %and3A_27 = vector.broadcast %and3A_26 : i32 to vector<16xi32>
    %and3A_28 = arith.andi %add3A_25, %and3A_27 : vector<16xi32>
    %add3A_29 = arith.constant 4 : i32
    %add3A_30 = vector.broadcast %add3A_29 : i32 to vector<16xi32>
    %add3A_31 = arith.addi %iota3A, %add3A_30 : vector<16xi32>
    %and3A_32 = arith.constant 15 : i32
    %and3A_33 = vector.broadcast %and3A_32 : i32 to vector<16xi32>
    %and3A_34 = arith.andi %add3A_31, %and3A_33 : vector<16xi32>
    %add3A_35 = arith.constant 5 : i32
    %add3A_36 = vector.broadcast %add3A_35 : i32 to vector<16xi32>
    %add3A_37 = arith.addi %iota3A, %add3A_36 : vector<16xi32>
    %and3A_38 = arith.constant 15 : i32
    %and3A_39 = vector.broadcast %and3A_38 : i32 to vector<16xi32>
    %and3A_40 = arith.andi %add3A_37, %and3A_39 : vector<16xi32>
    %add3A_41 = arith.constant 6 : i32
    %add3A_42 = vector.broadcast %add3A_41 : i32 to vector<16xi32>
    %add3A_43 = arith.addi %iota3A, %add3A_42 : vector<16xi32>
    %and3A_44 = arith.constant 15 : i32
    %and3A_45 = vector.broadcast %and3A_44 : i32 to vector<16xi32>
    %and3A_46 = arith.andi %add3A_43, %and3A_45 : vector<16xi32>
    %add3A_47 = arith.constant 7 : i32
    %add3A_48 = vector.broadcast %add3A_47 : i32 to vector<16xi32>
    %add3A_49 = arith.addi %iota3A, %add3A_48 : vector<16xi32>
    %and3A_50 = arith.constant 15 : i32
    %and3A_51 = vector.broadcast %and3A_50 : i32 to vector<16xi32>
    %and3A_52 = arith.andi %add3A_49, %and3A_51 : vector<16xi32>
    %add3A_53 = arith.constant 8 : i32
    %add3A_54 = vector.broadcast %add3A_53 : i32 to vector<16xi32>
    %add3A_55 = arith.addi %iota3A, %add3A_54 : vector<16xi32>
    %and3A_56 = arith.constant 15 : i32
    %and3A_57 = vector.broadcast %and3A_56 : i32 to vector<16xi32>
    %and3A_58 = arith.andi %add3A_55, %and3A_57 : vector<16xi32>
    %add3A_59 = arith.constant 9 : i32
    %add3A_60 = vector.broadcast %add3A_59 : i32 to vector<16xi32>
    %add3A_61 = arith.addi %iota3A, %add3A_60 : vector<16xi32>
    %and3A_62 = arith.constant 15 : i32
    %and3A_63 = vector.broadcast %and3A_62 : i32 to vector<16xi32>
    %and3A_64 = arith.andi %add3A_61, %and3A_63 : vector<16xi32>
    %add3A_65 = arith.constant 10 : i32
    %add3A_66 = vector.broadcast %add3A_65 : i32 to vector<16xi32>
    %add3A_67 = arith.addi %iota3A, %add3A_66 : vector<16xi32>
    %and3A_68 = arith.constant 15 : i32
    %and3A_69 = vector.broadcast %and3A_68 : i32 to vector<16xi32>
    %and3A_70 = arith.andi %add3A_67, %and3A_69 : vector<16xi32>
    %add3A_71 = arith.constant 11 : i32
    %add3A_72 = vector.broadcast %add3A_71 : i32 to vector<16xi32>
    %add3A_73 = arith.addi %iota3A, %add3A_72 : vector<16xi32>
    %and3A_74 = arith.constant 15 : i32
    %and3A_75 = vector.broadcast %and3A_74 : i32 to vector<16xi32>
    %and3A_76 = arith.andi %add3A_73, %and3A_75 : vector<16xi32>
    %add3A_77 = arith.constant 12 : i32
    %add3A_78 = vector.broadcast %add3A_77 : i32 to vector<16xi32>
    %add3A_79 = arith.addi %iota3A, %add3A_78 : vector<16xi32>
    %and3A_80 = arith.constant 15 : i32
    %and3A_81 = vector.broadcast %and3A_80 : i32 to vector<16xi32>
    %and3A_82 = arith.andi %add3A_79, %and3A_81 : vector<16xi32>
    %add3A_83 = arith.constant 13 : i32
    %add3A_84 = vector.broadcast %add3A_83 : i32 to vector<16xi32>
    %add3A_85 = arith.addi %iota3A, %add3A_84 : vector<16xi32>
    %and3A_86 = arith.constant 15 : i32
    %and3A_87 = vector.broadcast %and3A_86 : i32 to vector<16xi32>
    %and3A_88 = arith.andi %add3A_85, %and3A_87 : vector<16xi32>
    %add3A_89 = arith.constant 14 : i32
    %add3A_90 = vector.broadcast %add3A_89 : i32 to vector<16xi32>
    %add3A_91 = arith.addi %iota3A, %add3A_90 : vector<16xi32>
    %and3A_92 = arith.constant 15 : i32
    %and3A_93 = vector.broadcast %and3A_92 : i32 to vector<16xi32>
    %and3A_94 = arith.andi %add3A_91, %and3A_93 : vector<16xi32>
    %add3A_95 = arith.constant 15 : i32
    %add3A_96 = vector.broadcast %add3A_95 : i32 to vector<16xi32>
    %add3A_97 = arith.addi %iota3A, %add3A_96 : vector<16xi32>
    %and3A_98 = arith.constant 15 : i32
    %and3A_99 = vector.broadcast %and3A_98 : i32 to vector<16xi32>
    %and3A_100 = arith.andi %add3A_97, %and3A_99 : vector<16xi32>
    %mul3A_101 = arith.constant 25600 : i32
    %mul3A_102 = arith.muli %add3A, %mul3A_101 : i32
    "tpu.region"() ({
      %run_scoped3A = tpu.sem_alloc : memref<!tpu.dma_semaphore, #tpu.memory_space<semaphore_mem>>
      %dma_start3A_325 = tpu.memref_slice %arg2[%mul3A_102] : memref<819200xi32, #tpu.memory_space<hbm>> -> memref<25600xi32, #tpu.memory_space<hbm>>
      %dma_start3A_326 = tpu.memref_slice %arg2[%mul3A_102] : memref<819200xi32, #tpu.memory_space<hbm>> -> memref<25600xi32, #tpu.memory_space<hbm>>
      tpu.enqueue_dma source(%dma_start3A_326 : memref<25600xi32, #tpu.memory_space<hbm>>) target(%arg5 : memref<25600xi32, #tpu.memory_space<vmem>>) target_semaphore(%run_scoped3A : memref<!tpu.dma_semaphore, #tpu.memory_space<semaphore_mem>>)
      %dma_wait3A_327 = tpu.memref_slice %arg2[%mul3A_102] : memref<819200xi32, #tpu.memory_space<hbm>> -> memref<25600xi32, #tpu.memory_space<hbm>>
      %dma_wait3A_328 = tpu.memref_slice %arg2[%mul3A_102] : memref<819200xi32, #tpu.memory_space<hbm>> -> memref<25600xi32, #tpu.memory_space<hbm>>
      tpu.wait_dma2 semaphore(%run_scoped3A : memref<!tpu.dma_semaphore, #tpu.memory_space<semaphore_mem>>) src(%dma_wait3A_328 : memref<25600xi32, #tpu.memory_space<hbm>>) dst(%arg5 : memref<25600xi32, #tpu.memory_space<vmem>>)
      tpu.yield
    }) : () -> ()
    %add3A_103 = arith.constant 0 : i32
    %add3A_104 = vector.broadcast %add3A_103 : i32 to vector<16xi32>
    %add3A_105 = arith.addi %mul3A_5, %add3A_104 : vector<16xi32>
    %gather3A = tpu.vector_load_idx %arg5[%add3A_105] : memref<25600xi32, #tpu.memory_space<vmem>>[vector<16xi32>], vector<16xi32>,
    %swap3A = arith.constant 0 : index
    %swap3A_106 = tpu.vector_load %arg6[%swap3A] {strides = array<i32>} : memref<1024xi32, #tpu.memory_space<vmem>>, vector<16xi32>,
    tpu.vector_store %arg6[%swap3A], %gather3A {strides = array<i32>} : memref<1024xi32, #tpu.memory_space<vmem>>, vector<16xi32>,
    %add3A_107 = arith.constant 800 : i32
    %add3A_108 = vector.broadcast %add3A_107 : i32 to vector<16xi32>
    %add3A_109 = arith.addi %mul3A_5, %add3A_108 : vector<16xi32>
    %gather3A_110 = tpu.vector_load_idx %arg5[%add3A_109] : memref<25600xi32, #tpu.memory_space<vmem>>[vector<16xi32>], vector<16xi32>,
    %swap3A_111 = arith.constant 16 : index
    %swap3A_112 = tpu.vector_load %arg6[%swap3A_111] {strides = array<i32>} : memref<1024xi32, #tpu.memory_space<vmem>>, vector<16xi32>,
    tpu.vector_store %arg6[%swap3A_111], %gather3A_110 {strides = array<i32>} : memref<1024xi32, #tpu.memory_space<vmem>>, vector<16xi32>,
    %add3A_113 = arith.constant 1600 : i32
    %add3A_114 = vector.broadcast %add3A_113 : i32 to vector<16xi32>
    %add3A_115 = arith.addi %mul3A_5, %add3A_114 : vector<16xi32>
    %gather3A_116 = tpu.vector_load_idx %arg5[%add3A_115] : memref<25600xi32, #tpu.memory_space<vmem>>[vector<16xi32>], vector<16xi32>,
    %swap3A_117 = arith.constant 32 : index
    %swap3A_118 = tpu.vector_load %arg6[%swap3A_117] {strides = array<i32>} : memref<1024xi32, #tpu.memory_space<vmem>>, vector<16xi32>,
    tpu.vector_store %arg6[%swap3A_117], %gather3A_116 {strides = array<i32>} : memref<1024xi32, #tpu.memory_space<vmem>>, vector<16xi32>,
    %add3A_119 = arith.constant 2400 : i32
    %add3A_120 = vector.broadcast %add3A_119 : i32 to vector<16xi32>
    %add3A_121 = arith.addi %mul3A_5, %add3A_120 : vector<16xi32>
    %gather3A_122 = tpu.vector_load_idx %arg5[%add3A_121] : memref<25600xi32, #tpu.memory_space<vmem>>[vector<16xi32>], vector<16xi32>,
    %swap3A_123 = arith.constant 48 : index
    %swap3A_124 = tpu.vector_load %arg6[%swap3A_123] {strides = array<i32>} : memref<1024xi32, #tpu.memory_space<vmem>>, vector<16xi32>,
    tpu.vector_store %arg6[%swap3A_123], %gather3A_122 {strides = array<i32>} : memref<1024xi32, #tpu.memory_space<vmem>>, vector<16xi32>,
    %add3A_125 = arith.constant 3200 : i32
    %add3A_126 = vector.broadcast %add3A_125 : i32 to vector<16xi32>
    %add3A_127 = arith.addi %mul3A_5, %add3A_126 : vector<16xi32>
    %gather3A_128 = tpu.vector_load_idx %arg5[%add3A_127] : memref<25600xi32, #tpu.memory_space<vmem>>[vector<16xi32>], vector<16xi32>,
    %swap3A_129 = arith.constant 64 : index
    %swap3A_130 = tpu.vector_load %arg6[%swap3A_129] {strides = array<i32>} : memref<1024xi32, #tpu.memory_space<vmem>>, vector<16xi32>,
    tpu.vector_store %arg6[%swap3A_129], %gather3A_128 {strides = array<i32>} : memref<1024xi32, #tpu.memory_space<vmem>>, vector<16xi32>,
    %add3A_131 = arith.constant 4000 : i32
    %add3A_132 = vector.broadcast %add3A_131 : i32 to vector<16xi32>
    %add3A_133 = arith.addi %mul3A_5, %add3A_132 : vector<16xi32>
    %gather3A_134 = tpu.vector_load_idx %arg5[%add3A_133] : memref<25600xi32, #tpu.memory_space<vmem>>[vector<16xi32>], vector<16xi32>,
    %swap3A_135 = arith.constant 80 : index
    %swap3A_136 = tpu.vector_load %arg6[%swap3A_135] {strides = array<i32>} : memref<1024xi32, #tpu.memory_space<vmem>>, vector<16xi32>,
    tpu.vector_store %arg6[%swap3A_135], %gather3A_134 {strides = array<i32>} : memref<1024xi32, #tpu.memory_space<vmem>>, vector<16xi32>,
    %add3A_137 = arith.constant 4800 : i32
    %add3A_138 = vector.broadcast %add3A_137 : i32 to vector<16xi32>
    %add3A_139 = arith.addi %mul3A_5, %add3A_138 : vector<16xi32>
    %gather3A_140 = tpu.vector_load_idx %arg5[%add3A_139] : memref<25600xi32, #tpu.memory_space<vmem>>[vector<16xi32>], vector<16xi32>,
    %swap3A_141 = arith.constant 96 : index
    %swap3A_142 = tpu.vector_load %arg6[%swap3A_141] {strides = array<i32>} : memref<1024xi32, #tpu.memory_space<vmem>>, vector<16xi32>,
    tpu.vector_store %arg6[%swap3A_141], %gather3A_140 {strides = array<i32>} : memref<1024xi32, #tpu.memory_space<vmem>>, vector<16xi32>,
    %add3A_143 = arith.constant 5600 : i32
    %add3A_144 = vector.broadcast %add3A_143 : i32 to vector<16xi32>
    %add3A_145 = arith.addi %mul3A_5, %add3A_144 : vector<16xi32>
    %gather3A_146 = tpu.vector_load_idx %arg5[%add3A_145] : memref<25600xi32, #tpu.memory_space<vmem>>[vector<16xi32>], vector<16xi32>,
    %swap3A_147 = arith.constant 112 : index
    %swap3A_148 = tpu.vector_load %arg6[%swap3A_147] {strides = array<i32>} : memref<1024xi32, #tpu.memory_space<vmem>>, vector<16xi32>,
    tpu.vector_store %arg6[%swap3A_147], %gather3A_146 {strides = array<i32>} : memref<1024xi32, #tpu.memory_space<vmem>>, vector<16xi32>,
    %add3A_149 = arith.constant 6400 : i32
    %add3A_150 = vector.broadcast %add3A_149 : i32 to vector<16xi32>
    %add3A_151 = arith.addi %mul3A_5, %add3A_150 : vector<16xi32>
    %gather3A_152 = tpu.vector_load_idx %arg5[%add3A_151] : memref<25600xi32, #tpu.memory_space<vmem>>[vector<16xi32>], vector<16xi32>,
    %swap3A_153 = arith.constant 128 : index
    %swap3A_154 = tpu.vector_load %arg6[%swap3A_153] {strides = array<i32>} : memref<1024xi32, #tpu.memory_space<vmem>>, vector<16xi32>,
    tpu.vector_store %arg6[%swap3A_153], %gather3A_152 {strides = array<i32>} : memref<1024xi32, #tpu.memory_space<vmem>>, vector<16xi32>,
    %add3A_155 = arith.constant 7200 : i32
    %add3A_156 = vector.broadcast %add3A_155 : i32 to vector<16xi32>
    %add3A_157 = arith.addi %mul3A_5, %add3A_156 : vector<16xi32>
    %gather3A_158 = tpu.vector_load_idx %arg5[%add3A_157] : memref<25600xi32, #tpu.memory_space<vmem>>[vector<16xi32>], vector<16xi32>,
    %swap3A_159 = arith.constant 144 : index
    %swap3A_160 = tpu.vector_load %arg6[%swap3A_159] {strides = array<i32>} : memref<1024xi32, #tpu.memory_space<vmem>>, vector<16xi32>,
    tpu.vector_store %arg6[%swap3A_159], %gather3A_158 {strides = array<i32>} : memref<1024xi32, #tpu.memory_space<vmem>>, vector<16xi32>,
    %add3A_161 = arith.constant 8000 : i32
    %add3A_162 = vector.broadcast %add3A_161 : i32 to vector<16xi32>
    %add3A_163 = arith.addi %mul3A_5, %add3A_162 : vector<16xi32>
    %gather3A_164 = tpu.vector_load_idx %arg5[%add3A_163] : memref<25600xi32, #tpu.memory_space<vmem>>[vector<16xi32>], vector<16xi32>,
    %swap3A_165 = arith.constant 160 : index
    %swap3A_166 = tpu.vector_load %arg6[%swap3A_165] {strides = array<i32>} : memref<1024xi32, #tpu.memory_space<vmem>>, vector<16xi32>,
    tpu.vector_store %arg6[%swap3A_165], %gather3A_164 {strides = array<i32>} : memref<1024xi32, #tpu.memory_space<vmem>>, vector<16xi32>,
    %add3A_167 = arith.constant 8800 : i32
    %add3A_168 = vector.broadcast %add3A_167 : i32 to vector<16xi32>
    %add3A_169 = arith.addi %mul3A_5, %add3A_168 : vector<16xi32>
    %gather3A_170 = tpu.vector_load_idx %arg5[%add3A_169] : memref<25600xi32, #tpu.memory_space<vmem>>[vector<16xi32>], vector<16xi32>,
    %swap3A_171 = arith.constant 176 : index
    %swap3A_172 = tpu.vector_load %arg6[%swap3A_171] {strides = array<i32>} : memref<1024xi32, #tpu.memory_space<vmem>>, vector<16xi32>,
    tpu.vector_store %arg6[%swap3A_171], %gather3A_170 {strides = array<i32>} : memref<1024xi32, #tpu.memory_space<vmem>>, vector<16xi32>,
    %add3A_173 = arith.constant 9600 : i32
    %add3A_174 = vector.broadcast %add3A_173 : i32 to vector<16xi32>
    %add3A_175 = arith.addi %mul3A_5, %add3A_174 : vector<16xi32>
    %gather3A_176 = tpu.vector_load_idx %arg5[%add3A_175] : memref<25600xi32, #tpu.memory_space<vmem>>[vector<16xi32>], vector<16xi32>,
    %swap3A_177 = arith.constant 192 : index
    %swap3A_178 = tpu.vector_load %arg6[%swap3A_177] {strides = array<i32>} : memref<1024xi32, #tpu.memory_space<vmem>>, vector<16xi32>,
    tpu.vector_store %arg6[%swap3A_177], %gather3A_176 {strides = array<i32>} : memref<1024xi32, #tpu.memory_space<vmem>>, vector<16xi32>,
    %add3A_179 = arith.constant 10400 : i32
    %add3A_180 = vector.broadcast %add3A_179 : i32 to vector<16xi32>
    %add3A_181 = arith.addi %mul3A_5, %add3A_180 : vector<16xi32>
    %gather3A_182 = tpu.vector_load_idx %arg5[%add3A_181] : memref<25600xi32, #tpu.memory_space<vmem>>[vector<16xi32>], vector<16xi32>,
    %swap3A_183 = arith.constant 208 : index
    %swap3A_184 = tpu.vector_load %arg6[%swap3A_183] {strides = array<i32>} : memref<1024xi32, #tpu.memory_space<vmem>>, vector<16xi32>,
    tpu.vector_store %arg6[%swap3A_183], %gather3A_182 {strides = array<i32>} : memref<1024xi32, #tpu.memory_space<vmem>>, vector<16xi32>,
    %add3A_185 = arith.constant 11200 : i32
    %add3A_186 = vector.broadcast %add3A_185 : i32 to vector<16xi32>
    %add3A_187 = arith.addi %mul3A_5, %add3A_186 : vector<16xi32>
    %gather3A_188 = tpu.vector_load_idx %arg5[%add3A_187] : memref<25600xi32, #tpu.memory_space<vmem>>[vector<16xi32>], vector<16xi32>,
    %swap3A_189 = arith.constant 224 : index
    %swap3A_190 = tpu.vector_load %arg6[%swap3A_189] {strides = array<i32>} : memref<1024xi32, #tpu.memory_space<vmem>>, vector<16xi32>,
    tpu.vector_store %arg6[%swap3A_189], %gather3A_188 {strides = array<i32>} : memref<1024xi32, #tpu.memory_space<vmem>>, vector<16xi32>,
    %add3A_191 = arith.constant 12000 : i32
    %add3A_192 = vector.broadcast %add3A_191 : i32 to vector<16xi32>
    %add3A_193 = arith.addi %mul3A_5, %add3A_192 : vector<16xi32>
    %gather3A_194 = tpu.vector_load_idx %arg5[%add3A_193] : memref<25600xi32, #tpu.memory_space<vmem>>[vector<16xi32>], vector<16xi32>,
    %swap3A_195 = arith.constant 240 : index
    %swap3A_196 = tpu.vector_load %arg6[%swap3A_195] {strides = array<i32>} : memref<1024xi32, #tpu.memory_space<vmem>>, vector<16xi32>,
    tpu.vector_store %arg6[%swap3A_195], %gather3A_194 {strides = array<i32>} : memref<1024xi32, #tpu.memory_space<vmem>>, vector<16xi32>,
    %add3A_197 = arith.constant 12800 : i32
    %add3A_198 = vector.broadcast %add3A_197 : i32 to vector<16xi32>
    %add3A_199 = arith.addi %mul3A_5, %add3A_198 : vector<16xi32>
    %gather3A_200 = tpu.vector_load_idx %arg5[%add3A_199] : memref<25600xi32, #tpu.memory_space<vmem>>[vector<16xi32>], vector<16xi32>,
    %swap3A_201 = arith.constant 256 : index
    %swap3A_202 = tpu.vector_load %arg6[%swap3A_201] {strides = array<i32>} : memref<1024xi32, #tpu.memory_space<vmem>>, vector<16xi32>,
    tpu.vector_store %arg6[%swap3A_201], %gather3A_200 {strides = array<i32>} : memref<1024xi32, #tpu.memory_space<vmem>>, vector<16xi32>,
    %add3A_203 = arith.constant 13600 : i32
    %add3A_204 = vector.broadcast %add3A_203 : i32 to vector<16xi32>
    %add3A_205 = arith.addi %mul3A_5, %add3A_204 : vector<16xi32>
    %gather3A_206 = tpu.vector_load_idx %arg5[%add3A_205] : memref<25600xi32, #tpu.memory_space<vmem>>[vector<16xi32>], vector<16xi32>,
    %swap3A_207 = arith.constant 272 : index
    %swap3A_208 = tpu.vector_load %arg6[%swap3A_207] {strides = array<i32>} : memref<1024xi32, #tpu.memory_space<vmem>>, vector<16xi32>,
    tpu.vector_store %arg6[%swap3A_207], %gather3A_206 {strides = array<i32>} : memref<1024xi32, #tpu.memory_space<vmem>>, vector<16xi32>,
    %add3A_209 = arith.constant 14400 : i32
    %add3A_210 = vector.broadcast %add3A_209 : i32 to vector<16xi32>
    %add3A_211 = arith.addi %mul3A_5, %add3A_210 : vector<16xi32>
    %gather3A_212 = tpu.vector_load_idx %arg5[%add3A_211] : memref<25600xi32, #tpu.memory_space<vmem>>[vector<16xi32>], vector<16xi32>,
    %swap3A_213 = arith.constant 288 : index
    %swap3A_214 = tpu.vector_load %arg6[%swap3A_213] {strides = array<i32>} : memref<1024xi32, #tpu.memory_space<vmem>>, vector<16xi32>,
    tpu.vector_store %arg6[%swap3A_213], %gather3A_212 {strides = array<i32>} : memref<1024xi32, #tpu.memory_space<vmem>>, vector<16xi32>,
    %add3A_215 = arith.constant 15200 : i32
    %add3A_216 = vector.broadcast %add3A_215 : i32 to vector<16xi32>
    %add3A_217 = arith.addi %mul3A_5, %add3A_216 : vector<16xi32>
    %gather3A_218 = tpu.vector_load_idx %arg5[%add3A_217] : memref<25600xi32, #tpu.memory_space<vmem>>[vector<16xi32>], vector<16xi32>,
    %swap3A_219 = arith.constant 304 : index
    %swap3A_220 = tpu.vector_load %arg6[%swap3A_219] {strides = array<i32>} : memref<1024xi32, #tpu.memory_space<vmem>>, vector<16xi32>,
    tpu.vector_store %arg6[%swap3A_219], %gather3A_218 {strides = array<i32>} : memref<1024xi32, #tpu.memory_space<vmem>>, vector<16xi32>,
    %add3A_221 = arith.constant 16000 : i32
    %add3A_222 = vector.broadcast %add3A_221 : i32 to vector<16xi32>
    %add3A_223 = arith.addi %mul3A_5, %add3A_222 : vector<16xi32>
    %gather3A_224 = tpu.vector_load_idx %arg5[%add3A_223] : memref<25600xi32, #tpu.memory_space<vmem>>[vector<16xi32>], vector<16xi32>,
    %swap3A_225 = arith.constant 320 : index
    %swap3A_226 = tpu.vector_load %arg6[%swap3A_225] {strides = array<i32>} : memref<1024xi32, #tpu.memory_space<vmem>>, vector<16xi32>,
    tpu.vector_store %arg6[%swap3A_225], %gather3A_224 {strides = array<i32>} : memref<1024xi32, #tpu.memory_space<vmem>>, vector<16xi32>,
    %add3A_227 = arith.constant 16800 : i32
    %add3A_228 = vector.broadcast %add3A_227 : i32 to vector<16xi32>
    %add3A_229 = arith.addi %mul3A_5, %add3A_228 : vector<16xi32>
    %gather3A_230 = tpu.vector_load_idx %arg5[%add3A_229] : memref<25600xi32, #tpu.memory_space<vmem>>[vector<16xi32>], vector<16xi32>,
    %swap3A_231 = arith.constant 336 : index
    %swap3A_232 = tpu.vector_load %arg6[%swap3A_231] {strides = array<i32>} : memref<1024xi32, #tpu.memory_space<vmem>>, vector<16xi32>,
    tpu.vector_store %arg6[%swap3A_231], %gather3A_230 {strides = array<i32>} : memref<1024xi32, #tpu.memory_space<vmem>>, vector<16xi32>,
    %add3A_233 = arith.constant 17600 : i32
    %add3A_234 = vector.broadcast %add3A_233 : i32 to vector<16xi32>
    %add3A_235 = arith.addi %mul3A_5, %add3A_234 : vector<16xi32>
    %gather3A_236 = tpu.vector_load_idx %arg5[%add3A_235] : memref<25600xi32, #tpu.memory_space<vmem>>[vector<16xi32>], vector<16xi32>,
    %swap3A_237 = arith.constant 352 : index
    %swap3A_238 = tpu.vector_load %arg6[%swap3A_237] {strides = array<i32>} : memref<1024xi32, #tpu.memory_space<vmem>>, vector<16xi32>,
    tpu.vector_store %arg6[%swap3A_237], %gather3A_236 {strides = array<i32>} : memref<1024xi32, #tpu.memory_space<vmem>>, vector<16xi32>,
    %add3A_239 = arith.constant 18400 : i32
    %add3A_240 = vector.broadcast %add3A_239 : i32 to vector<16xi32>
    %add3A_241 = arith.addi %mul3A_5, %add3A_240 : vector<16xi32>
    %gather3A_242 = tpu.vector_load_idx %arg5[%add3A_241] : memref<25600xi32, #tpu.memory_space<vmem>>[vector<16xi32>], vector<16xi32>,
    %swap3A_243 = arith.constant 368 : index
    %swap3A_244 = tpu.vector_load %arg6[%swap3A_243] {strides = array<i32>} : memref<1024xi32, #tpu.memory_space<vmem>>, vector<16xi32>,
    tpu.vector_store %arg6[%swap3A_243], %gather3A_242 {strides = array<i32>} : memref<1024xi32, #tpu.memory_space<vmem>>, vector<16xi32>,
    %add3A_245 = arith.constant 19200 : i32
    %add3A_246 = vector.broadcast %add3A_245 : i32 to vector<16xi32>
    %add3A_247 = arith.addi %mul3A_5, %add3A_246 : vector<16xi32>
    %gather3A_248 = tpu.vector_load_idx %arg5[%add3A_247] : memref<25600xi32, #tpu.memory_space<vmem>>[vector<16xi32>], vector<16xi32>,
    %swap3A_249 = arith.constant 384 : index
    %swap3A_250 = tpu.vector_load %arg6[%swap3A_249] {strides = array<i32>} : memref<1024xi32, #tpu.memory_space<vmem>>, vector<16xi32>,
    tpu.vector_store %arg6[%swap3A_249], %gather3A_248 {strides = array<i32>} : memref<1024xi32, #tpu.memory_space<vmem>>, vector<16xi32>,
    %add3A_251 = arith.constant 20000 : i32
    %add3A_252 = vector.broadcast %add3A_251 : i32 to vector<16xi32>
    %add3A_253 = arith.addi %mul3A_5, %add3A_252 : vector<16xi32>
    %gather3A_254 = tpu.vector_load_idx %arg5[%add3A_253] : memref<25600xi32, #tpu.memory_space<vmem>>[vector<16xi32>], vector<16xi32>,
    %swap3A_255 = arith.constant 400 : index
    %swap3A_256 = tpu.vector_load %arg6[%swap3A_255] {strides = array<i32>} : memref<1024xi32, #tpu.memory_space<vmem>>, vector<16xi32>,
    tpu.vector_store %arg6[%swap3A_255], %gather3A_254 {strides = array<i32>} : memref<1024xi32, #tpu.memory_space<vmem>>, vector<16xi32>,
    %add3A_257 = arith.constant 20800 : i32
    %add3A_258 = vector.broadcast %add3A_257 : i32 to vector<16xi32>
    %add3A_259 = arith.addi %mul3A_5, %add3A_258 : vector<16xi32>
    %gather3A_260 = tpu.vector_load_idx %arg5[%add3A_259] : memref<25600xi32, #tpu.memory_space<vmem>>[vector<16xi32>], vector<16xi32>,
    %swap3A_261 = arith.constant 416 : index
    %swap3A_262 = tpu.vector_load %arg6[%swap3A_261] {strides = array<i32>} : memref<1024xi32, #tpu.memory_space<vmem>>, vector<16xi32>,
    tpu.vector_store %arg6[%swap3A_261], %gather3A_260 {strides = array<i32>} : memref<1024xi32, #tpu.memory_space<vmem>>, vector<16xi32>,
    %add3A_263 = arith.constant 21600 : i32
    %add3A_264 = vector.broadcast %add3A_263 : i32 to vector<16xi32>
    %add3A_265 = arith.addi %mul3A_5, %add3A_264 : vector<16xi32>
    %gather3A_266 = tpu.vector_load_idx %arg5[%add3A_265] : memref<25600xi32, #tpu.memory_space<vmem>>[vector<16xi32>], vector<16xi32>,
    %swap3A_267 = arith.constant 432 : index
    %swap3A_268 = tpu.vector_load %arg6[%swap3A_267] {strides = array<i32>} : memref<1024xi32, #tpu.memory_space<vmem>>, vector<16xi32>,
    tpu.vector_store %arg6[%swap3A_267], %gather3A_266 {strides = array<i32>} : memref<1024xi32, #tpu.memory_space<vmem>>, vector<16xi32>,
    %add3A_269 = arith.constant 22400 : i32
    %add3A_270 = vector.broadcast %add3A_269 : i32 to vector<16xi32>
    %add3A_271 = arith.addi %mul3A_5, %add3A_270 : vector<16xi32>
    %gather3A_272 = tpu.vector_load_idx %arg5[%add3A_271] : memref<25600xi32, #tpu.memory_space<vmem>>[vector<16xi32>], vector<16xi32>,
    %swap3A_273 = arith.constant 448 : index
    %swap3A_274 = tpu.vector_load %arg6[%swap3A_273] {strides = array<i32>} : memref<1024xi32, #tpu.memory_space<vmem>>, vector<16xi32>,
    tpu.vector_store %arg6[%swap3A_273], %gather3A_272 {strides = array<i32>} : memref<1024xi32, #tpu.memory_space<vmem>>, vector<16xi32>,
    %add3A_275 = arith.constant 23200 : i32
    %add3A_276 = vector.broadcast %add3A_275 : i32 to vector<16xi32>
    %add3A_277 = arith.addi %mul3A_5, %add3A_276 : vector<16xi32>
    %gather3A_278 = tpu.vector_load_idx %arg5[%add3A_277] : memref<25600xi32, #tpu.memory_space<vmem>>[vector<16xi32>], vector<16xi32>,
    %swap3A_279 = arith.constant 464 : index
    %swap3A_280 = tpu.vector_load %arg6[%swap3A_279] {strides = array<i32>} : memref<1024xi32, #tpu.memory_space<vmem>>, vector<16xi32>,
    tpu.vector_store %arg6[%swap3A_279], %gather3A_278 {strides = array<i32>} : memref<1024xi32, #tpu.memory_space<vmem>>, vector<16xi32>,
    %add3A_281 = arith.constant 24000 : i32
    %add3A_282 = vector.broadcast %add3A_281 : i32 to vector<16xi32>
    %add3A_283 = arith.addi %mul3A_5, %add3A_282 : vector<16xi32>
    %gather3A_284 = tpu.vector_load_idx %arg5[%add3A_283] : memref<25600xi32, #tpu.memory_space<vmem>>[vector<16xi32>], vector<16xi32>,
    %swap3A_285 = arith.constant 480 : index
    %swap3A_286 = tpu.vector_load %arg6[%swap3A_285] {strides = array<i32>} : memref<1024xi32, #tpu.memory_space<vmem>>, vector<16xi32>,
    tpu.vector_store %arg6[%swap3A_285], %gather3A_284 {strides = array<i32>} : memref<1024xi32, #tpu.memory_space<vmem>>, vector<16xi32>,
    %add3A_287 = arith.constant 24800 : i32
    %add3A_288 = vector.broadcast %add3A_287 : i32 to vector<16xi32>
    %add3A_289 = arith.addi %mul3A_5, %add3A_288 : vector<16xi32>
    %gather3A_290 = tpu.vector_load_idx %arg5[%add3A_289] : memref<25600xi32, #tpu.memory_space<vmem>>[vector<16xi32>], vector<16xi32>,
    %swap3A_291 = arith.constant 496 : index
    %swap3A_292 = tpu.vector_load %arg6[%swap3A_291] {strides = array<i32>} : memref<1024xi32, #tpu.memory_space<vmem>>, vector<16xi32>,
    tpu.vector_store %arg6[%swap3A_291], %gather3A_290 {strides = array<i32>} : memref<1024xi32, #tpu.memory_space<vmem>>, vector<16xi32>,
    %dma_start3A = arith.constant 0 : i32
    %dma_start3A_293 = arith.constant 0 : i32
    %dma_start3A_294 = tpu.memref_slice %arg7[%dma_start3A, %dma_start3A_293] : memref<1024x32xf32, #tpu.memory_space<vmem>> -> memref<512x32xf32, #tpu.memory_space<vmem>>
    %dma_start3A_295 = arith.constant 0 : i32
    %dma_start3A_296 = tpu.memref_slice %arg6[%dma_start3A_295] : memref<1024xi32, #tpu.memory_space<vmem>> -> memref<512xi32, #tpu.memory_space<vmem>>
    %dma_start3A_297 = arith.constant 0 : i32
    %dma_start3A_298 = arith.constant 0 : i32
    %dma_start3A_299 = tpu.memref_slice %arg3[%dma_start3A_297, %dma_start3A_298] : memref<1000000x32xf32, #tpu.memory_space<hbm>> -> memref<1000000x32xf32, #tpu.memory_space<hbm>>
    tpu.enqueue_indirect_dma source(%dma_start3A_299 : memref<1000000x32xf32, #tpu.memory_space<hbm>>) target(%dma_start3A_294 : memref<512x32xf32, #tpu.memory_space<vmem>>) offsets(%dma_start3A_296 : memref<512xi32, #tpu.memory_space<vmem>>) semaphore(%arg9 : memref<!tpu.dma_semaphore, #tpu.memory_space<semaphore_mem>>)
    %scan3A = arith.constant 0 : i32
    %scan3A_300 = arith.constant 50 : i32
    %scan3A_301 = arith.addi %scan3A, %scan3A_300 : i32
    %scan3A_302 = arith.constant 1 : i32
    scf.for %scan3A_325 = %scan3A to %scan3A_301 step %scan3A_302  : i32 {
      %mul3A_326 = arith.constant 1 : i32
      %mul3A_327 = arith.muli %scan3A_325, %mul3A_326 : i32
      %add3A_328 = arith.constant 0 : i32
      %add3A_329 = arith.addi %add3A_328, %mul3A_327 : i32
      %rem3A = arith.constant 2 : i32
      %rem3A_330 = arith.remsi %add3A_329, %rem3A : i32
      %sub3A = arith.constant 1 : i32
      %sub3A_331 = arith.subi %sub3A, %rem3A_330 : i32
      %mul3A_332 = arith.constant 512 : i32
      %mul3A_333 = arith.muli %rem3A_330, %mul3A_332 : i32
      %dma_wait3A_334 = arith.constant 0 : i32
      %dma_wait3A_335 = tpu.memref_slice %arg7[%mul3A_333, %dma_wait3A_334] : memref<1024x32xf32, #tpu.memory_space<vmem>> -> memref<512x32xf32, #tpu.memory_space<vmem>>
      %dma_wait3A_336 = tpu.memref_slice %arg6[%mul3A_333] : memref<1024xi32, #tpu.memory_space<vmem>> -> memref<512xi32, #tpu.memory_space<vmem>>
      %dma_wait3A_337 = arith.constant 0 : i32
      %dma_wait3A_338 = arith.constant 0 : i32
      %dma_wait3A_339 = tpu.memref_slice %arg3[%dma_wait3A_337, %dma_wait3A_338] : memref<1000000x32xf32, #tpu.memory_space<hbm>> -> memref<1000000x32xf32, #tpu.memory_space<hbm>>
      tpu.wait_indirect_dma semaphore(%arg9 : memref<!tpu.dma_semaphore, #tpu.memory_space<semaphore_mem>>) src(%dma_wait3A_339 : memref<1000000x32xf32, #tpu.memory_space<hbm>>) dst(%dma_wait3A_335 : memref<512x32xf32, #tpu.memory_space<vmem>>)
      %add3A_340 = arith.constant 1 : i32
      %add3A_341 = arith.addi %add3A_329, %add3A_340 : i32
      %lt3A = arith.constant 50 : i32
      %lt3A_342 = arith.cmpi slt, %add3A_341, %lt3A : i32
      %convert_element_type3A = arith.extui %lt3A_342 : i1 to i32
      %cond3A = arith.constant 0 : i32
      %cond3A_343 = arith.cmpi ne, %convert_element_type3A, %cond3A : i32
      scf.if %cond3A_343 {
        %add3A_372 = arith.constant 1 : i32
        %add3A_373 = arith.addi %add3A_329, %add3A_372 : i32
        %mul3A_374 = arith.constant 512 : i32
        %mul3A_375 = arith.muli %sub3A_331, %mul3A_374 : i32
        %add3A_376 = arith.constant 0 : i32
        %add3A_377 = arith.addi %add3A_376, %add3A_373 : i32
        %add3A_378 = vector.broadcast %add3A_377 : i32 to vector<16xi32>
        %add3A_379 = arith.addi %mul3A_5, %add3A_378 : vector<16xi32>
        %gather3A_380 = tpu.vector_load_idx %arg5[%add3A_379] : memref<25600xi32, #tpu.memory_space<vmem>>[vector<16xi32>], vector<16xi32>,
        %add3A_381 = arith.constant 0 : i32
        %add3A_382 = arith.addi %mul3A_375, %add3A_381 : i32
        %swap3A_383 = arith.index_cast %add3A_382 : i32 to index
        %swap3A_384 = tpu.vector_load %arg6[%swap3A_383] {strides = array<i32>} : memref<1024xi32, #tpu.memory_space<vmem>>, vector<16xi32>,
        tpu.vector_store %arg6[%swap3A_383], %gather3A_380 {strides = array<i32>} : memref<1024xi32, #tpu.memory_space<vmem>>, vector<16xi32>,
        %add3A_385 = arith.constant 800 : i32
        %add3A_386 = arith.addi %add3A_385, %add3A_373 : i32
        %add3A_387 = vector.broadcast %add3A_386 : i32 to vector<16xi32>
        %add3A_388 = arith.addi %mul3A_5, %add3A_387 : vector<16xi32>
        %gather3A_389 = tpu.vector_load_idx %arg5[%add3A_388] : memref<25600xi32, #tpu.memory_space<vmem>>[vector<16xi32>], vector<16xi32>,
        %add3A_390 = arith.constant 16 : i32
        %add3A_391 = arith.addi %mul3A_375, %add3A_390 : i32
        %swap3A_392 = arith.index_cast %add3A_391 : i32 to index
        %swap3A_393 = tpu.vector_load %arg6[%swap3A_392] {strides = array<i32>} : memref<1024xi32, #tpu.memory_space<vmem>>, vector<16xi32>,
        tpu.vector_store %arg6[%swap3A_392], %gather3A_389 {strides = array<i32>} : memref<1024xi32, #tpu.memory_space<vmem>>, vector<16xi32>,
        %add3A_394 = arith.constant 1600 : i32
        %add3A_395 = arith.addi %add3A_394, %add3A_373 : i32
        %add3A_396 = vector.broadcast %add3A_395 : i32 to vector<16xi32>
        %add3A_397 = arith.addi %mul3A_5, %add3A_396 : vector<16xi32>
        %gather3A_398 = tpu.vector_load_idx %arg5[%add3A_397] : memref<25600xi32, #tpu.memory_space<vmem>>[vector<16xi32>], vector<16xi32>,
        %add3A_399 = arith.constant 32 : i32
        %add3A_400 = arith.addi %mul3A_375, %add3A_399 : i32
        %swap3A_401 = arith.index_cast %add3A_400 : i32 to index
        %swap3A_402 = tpu.vector_load %arg6[%swap3A_401] {strides = array<i32>} : memref<1024xi32, #tpu.memory_space<vmem>>, vector<16xi32>,
        tpu.vector_store %arg6[%swap3A_401], %gather3A_398 {strides = array<i32>} : memref<1024xi32, #tpu.memory_space<vmem>>, vector<16xi32>,
        %add3A_403 = arith.constant 2400 : i32
        %add3A_404 = arith.addi %add3A_403, %add3A_373 : i32
        %add3A_405 = vector.broadcast %add3A_404 : i32 to vector<16xi32>
        %add3A_406 = arith.addi %mul3A_5, %add3A_405 : vector<16xi32>
        %gather3A_407 = tpu.vector_load_idx %arg5[%add3A_406] : memref<25600xi32, #tpu.memory_space<vmem>>[vector<16xi32>], vector<16xi32>,
        %add3A_408 = arith.constant 48 : i32
        %add3A_409 = arith.addi %mul3A_375, %add3A_408 : i32
        %swap3A_410 = arith.index_cast %add3A_409 : i32 to index
        %swap3A_411 = tpu.vector_load %arg6[%swap3A_410] {strides = array<i32>} : memref<1024xi32, #tpu.memory_space<vmem>>, vector<16xi32>,
        tpu.vector_store %arg6[%swap3A_410], %gather3A_407 {strides = array<i32>} : memref<1024xi32, #tpu.memory_space<vmem>>, vector<16xi32>,
        %add3A_412 = arith.constant 3200 : i32
        %add3A_413 = arith.addi %add3A_412, %add3A_373 : i32
        %add3A_414 = vector.broadcast %add3A_413 : i32 to vector<16xi32>
        %add3A_415 = arith.addi %mul3A_5, %add3A_414 : vector<16xi32>
        %gather3A_416 = tpu.vector_load_idx %arg5[%add3A_415] : memref<25600xi32, #tpu.memory_space<vmem>>[vector<16xi32>], vector<16xi32>,
        %add3A_417 = arith.constant 64 : i32
        %add3A_418 = arith.addi %mul3A_375, %add3A_417 : i32
        %swap3A_419 = arith.index_cast %add3A_418 : i32 to index
        %swap3A_420 = tpu.vector_load %arg6[%swap3A_419] {strides = array<i32>} : memref<1024xi32, #tpu.memory_space<vmem>>, vector<16xi32>,
        tpu.vector_store %arg6[%swap3A_419], %gather3A_416 {strides = array<i32>} : memref<1024xi32, #tpu.memory_space<vmem>>, vector<16xi32>,
        %add3A_421 = arith.constant 4000 : i32
        %add3A_422 = arith.addi %add3A_421, %add3A_373 : i32
        %add3A_423 = vector.broadcast %add3A_422 : i32 to vector<16xi32>
        %add3A_424 = arith.addi %mul3A_5, %add3A_423 : vector<16xi32>
        %gather3A_425 = tpu.vector_load_idx %arg5[%add3A_424] : memref<25600xi32, #tpu.memory_space<vmem>>[vector<16xi32>], vector<16xi32>,
        %add3A_426 = arith.constant 80 : i32
        %add3A_427 = arith.addi %mul3A_375, %add3A_426 : i32
        %swap3A_428 = arith.index_cast %add3A_427 : i32 to index
        %swap3A_429 = tpu.vector_load %arg6[%swap3A_428] {strides = array<i32>} : memref<1024xi32, #tpu.memory_space<vmem>>, vector<16xi32>,
        tpu.vector_store %arg6[%swap3A_428], %gather3A_425 {strides = array<i32>} : memref<1024xi32, #tpu.memory_space<vmem>>, vector<16xi32>,
        %add3A_430 = arith.constant 4800 : i32
        %add3A_431 = arith.addi %add3A_430, %add3A_373 : i32
        %add3A_432 = vector.broadcast %add3A_431 : i32 to vector<16xi32>
        %add3A_433 = arith.addi %mul3A_5, %add3A_432 : vector<16xi32>
        %gather3A_434 = tpu.vector_load_idx %arg5[%add3A_433] : memref<25600xi32, #tpu.memory_space<vmem>>[vector<16xi32>], vector<16xi32>,
        %add3A_435 = arith.constant 96 : i32
        %add3A_436 = arith.addi %mul3A_375, %add3A_435 : i32
        %swap3A_437 = arith.index_cast %add3A_436 : i32 to index
        %swap3A_438 = tpu.vector_load %arg6[%swap3A_437] {strides = array<i32>} : memref<1024xi32, #tpu.memory_space<vmem>>, vector<16xi32>,
        tpu.vector_store %arg6[%swap3A_437], %gather3A_434 {strides = array<i32>} : memref<1024xi32, #tpu.memory_space<vmem>>, vector<16xi32>,
        %add3A_439 = arith.constant 5600 : i32
        %add3A_440 = arith.addi %add3A_439, %add3A_373 : i32
        %add3A_441 = vector.broadcast %add3A_440 : i32 to vector<16xi32>
        %add3A_442 = arith.addi %mul3A_5, %add3A_441 : vector<16xi32>
        %gather3A_443 = tpu.vector_load_idx %arg5[%add3A_442] : memref<25600xi32, #tpu.memory_space<vmem>>[vector<16xi32>], vector<16xi32>,
        %add3A_444 = arith.constant 112 : i32
        %add3A_445 = arith.addi %mul3A_375, %add3A_444 : i32
        %swap3A_446 = arith.index_cast %add3A_445 : i32 to index
        %swap3A_447 = tpu.vector_load %arg6[%swap3A_446] {strides = array<i32>} : memref<1024xi32, #tpu.memory_space<vmem>>, vector<16xi32>,
        tpu.vector_store %arg6[%swap3A_446], %gather3A_443 {strides = array<i32>} : memref<1024xi32, #tpu.memory_space<vmem>>, vector<16xi32>,
        %add3A_448 = arith.constant 6400 : i32
        %add3A_449 = arith.addi %add3A_448, %add3A_373 : i32
        %add3A_450 = vector.broadcast %add3A_449 : i32 to vector<16xi32>
        %add3A_451 = arith.addi %mul3A_5, %add3A_450 : vector<16xi32>
        %gather3A_452 = tpu.vector_load_idx %arg5[%add3A_451] : memref<25600xi32, #tpu.memory_space<vmem>>[vector<16xi32>], vector<16xi32>,
        %add3A_453 = arith.constant 128 : i32
        %add3A_454 = arith.addi %mul3A_375, %add3A_453 : i32
        %swap3A_455 = arith.index_cast %add3A_454 : i32 to index
        %swap3A_456 = tpu.vector_load %arg6[%swap3A_455] {strides = array<i32>} : memref<1024xi32, #tpu.memory_space<vmem>>, vector<16xi32>,
        tpu.vector_store %arg6[%swap3A_455], %gather3A_452 {strides = array<i32>} : memref<1024xi32, #tpu.memory_space<vmem>>, vector<16xi32>,
        %add3A_457 = arith.constant 7200 : i32
        %add3A_458 = arith.addi %add3A_457, %add3A_373 : i32
        %add3A_459 = vector.broadcast %add3A_458 : i32 to vector<16xi32>
        %add3A_460 = arith.addi %mul3A_5, %add3A_459 : vector<16xi32>
        %gather3A_461 = tpu.vector_load_idx %arg5[%add3A_460] : memref<25600xi32, #tpu.memory_space<vmem>>[vector<16xi32>], vector<16xi32>,
        %add3A_462 = arith.constant 144 : i32
        %add3A_463 = arith.addi %mul3A_375, %add3A_462 : i32
        %swap3A_464 = arith.index_cast %add3A_463 : i32 to index
        %swap3A_465 = tpu.vector_load %arg6[%swap3A_464] {strides = array<i32>} : memref<1024xi32, #tpu.memory_space<vmem>>, vector<16xi32>,
        tpu.vector_store %arg6[%swap3A_464], %gather3A_461 {strides = array<i32>} : memref<1024xi32, #tpu.memory_space<vmem>>, vector<16xi32>,
        %add3A_466 = arith.constant 8000 : i32
        %add3A_467 = arith.addi %add3A_466, %add3A_373 : i32
        %add3A_468 = vector.broadcast %add3A_467 : i32 to vector<16xi32>
        %add3A_469 = arith.addi %mul3A_5, %add3A_468 : vector<16xi32>
        %gather3A_470 = tpu.vector_load_idx %arg5[%add3A_469] : memref<25600xi32, #tpu.memory_space<vmem>>[vector<16xi32>], vector<16xi32>,
        %add3A_471 = arith.constant 160 : i32
        %add3A_472 = arith.addi %mul3A_375, %add3A_471 : i32
        %swap3A_473 = arith.index_cast %add3A_472 : i32 to index
        %swap3A_474 = tpu.vector_load %arg6[%swap3A_473] {strides = array<i32>} : memref<1024xi32, #tpu.memory_space<vmem>>, vector<16xi32>,
        tpu.vector_store %arg6[%swap3A_473], %gather3A_470 {strides = array<i32>} : memref<1024xi32, #tpu.memory_space<vmem>>, vector<16xi32>,
        %add3A_475 = arith.constant 8800 : i32
        %add3A_476 = arith.addi %add3A_475, %add3A_373 : i32
        %add3A_477 = vector.broadcast %add3A_476 : i32 to vector<16xi32>
        %add3A_478 = arith.addi %mul3A_5, %add3A_477 : vector<16xi32>
        %gather3A_479 = tpu.vector_load_idx %arg5[%add3A_478] : memref<25600xi32, #tpu.memory_space<vmem>>[vector<16xi32>], vector<16xi32>,
        %add3A_480 = arith.constant 176 : i32
        %add3A_481 = arith.addi %mul3A_375, %add3A_480 : i32
        %swap3A_482 = arith.index_cast %add3A_481 : i32 to index
        %swap3A_483 = tpu.vector_load %arg6[%swap3A_482] {strides = array<i32>} : memref<1024xi32, #tpu.memory_space<vmem>>, vector<16xi32>,
        tpu.vector_store %arg6[%swap3A_482], %gather3A_479 {strides = array<i32>} : memref<1024xi32, #tpu.memory_space<vmem>>, vector<16xi32>,
        %add3A_484 = arith.constant 9600 : i32
        %add3A_485 = arith.addi %add3A_484, %add3A_373 : i32
        %add3A_486 = vector.broadcast %add3A_485 : i32 to vector<16xi32>
        %add3A_487 = arith.addi %mul3A_5, %add3A_486 : vector<16xi32>
        %gather3A_488 = tpu.vector_load_idx %arg5[%add3A_487] : memref<25600xi32, #tpu.memory_space<vmem>>[vector<16xi32>], vector<16xi32>,
        %add3A_489 = arith.constant 192 : i32
        %add3A_490 = arith.addi %mul3A_375, %add3A_489 : i32
        %swap3A_491 = arith.index_cast %add3A_490 : i32 to index
        %swap3A_492 = tpu.vector_load %arg6[%swap3A_491] {strides = array<i32>} : memref<1024xi32, #tpu.memory_space<vmem>>, vector<16xi32>,
        tpu.vector_store %arg6[%swap3A_491], %gather3A_488 {strides = array<i32>} : memref<1024xi32, #tpu.memory_space<vmem>>, vector<16xi32>,
        %add3A_493 = arith.constant 10400 : i32
        %add3A_494 = arith.addi %add3A_493, %add3A_373 : i32
        %add3A_495 = vector.broadcast %add3A_494 : i32 to vector<16xi32>
        %add3A_496 = arith.addi %mul3A_5, %add3A_495 : vector<16xi32>
        %gather3A_497 = tpu.vector_load_idx %arg5[%add3A_496] : memref<25600xi32, #tpu.memory_space<vmem>>[vector<16xi32>], vector<16xi32>,
        %add3A_498 = arith.constant 208 : i32
        %add3A_499 = arith.addi %mul3A_375, %add3A_498 : i32
        %swap3A_500 = arith.index_cast %add3A_499 : i32 to index
        %swap3A_501 = tpu.vector_load %arg6[%swap3A_500] {strides = array<i32>} : memref<1024xi32, #tpu.memory_space<vmem>>, vector<16xi32>,
        tpu.vector_store %arg6[%swap3A_500], %gather3A_497 {strides = array<i32>} : memref<1024xi32, #tpu.memory_space<vmem>>, vector<16xi32>,
        %add3A_502 = arith.constant 11200 : i32
        %add3A_503 = arith.addi %add3A_502, %add3A_373 : i32
        %add3A_504 = vector.broadcast %add3A_503 : i32 to vector<16xi32>
        %add3A_505 = arith.addi %mul3A_5, %add3A_504 : vector<16xi32>
        %gather3A_506 = tpu.vector_load_idx %arg5[%add3A_505] : memref<25600xi32, #tpu.memory_space<vmem>>[vector<16xi32>], vector<16xi32>,
        %add3A_507 = arith.constant 224 : i32
        %add3A_508 = arith.addi %mul3A_375, %add3A_507 : i32
        %swap3A_509 = arith.index_cast %add3A_508 : i32 to index
        %swap3A_510 = tpu.vector_load %arg6[%swap3A_509] {strides = array<i32>} : memref<1024xi32, #tpu.memory_space<vmem>>, vector<16xi32>,
        tpu.vector_store %arg6[%swap3A_509], %gather3A_506 {strides = array<i32>} : memref<1024xi32, #tpu.memory_space<vmem>>, vector<16xi32>,
        %add3A_511 = arith.constant 12000 : i32
        %add3A_512 = arith.addi %add3A_511, %add3A_373 : i32
        %add3A_513 = vector.broadcast %add3A_512 : i32 to vector<16xi32>
        %add3A_514 = arith.addi %mul3A_5, %add3A_513 : vector<16xi32>
        %gather3A_515 = tpu.vector_load_idx %arg5[%add3A_514] : memref<25600xi32, #tpu.memory_space<vmem>>[vector<16xi32>], vector<16xi32>,
        %add3A_516 = arith.constant 240 : i32
        %add3A_517 = arith.addi %mul3A_375, %add3A_516 : i32
        %swap3A_518 = arith.index_cast %add3A_517 : i32 to index
        %swap3A_519 = tpu.vector_load %arg6[%swap3A_518] {strides = array<i32>} : memref<1024xi32, #tpu.memory_space<vmem>>, vector<16xi32>,
        tpu.vector_store %arg6[%swap3A_518], %gather3A_515 {strides = array<i32>} : memref<1024xi32, #tpu.memory_space<vmem>>, vector<16xi32>,
        %add3A_520 = arith.constant 12800 : i32
        %add3A_521 = arith.addi %add3A_520, %add3A_373 : i32
        %add3A_522 = vector.broadcast %add3A_521 : i32 to vector<16xi32>
        %add3A_523 = arith.addi %mul3A_5, %add3A_522 : vector<16xi32>
        %gather3A_524 = tpu.vector_load_idx %arg5[%add3A_523] : memref<25600xi32, #tpu.memory_space<vmem>>[vector<16xi32>], vector<16xi32>,
        %add3A_525 = arith.constant 256 : i32
        %add3A_526 = arith.addi %mul3A_375, %add3A_525 : i32
        %swap3A_527 = arith.index_cast %add3A_526 : i32 to index
        %swap3A_528 = tpu.vector_load %arg6[%swap3A_527] {strides = array<i32>} : memref<1024xi32, #tpu.memory_space<vmem>>, vector<16xi32>,
        tpu.vector_store %arg6[%swap3A_527], %gather3A_524 {strides = array<i32>} : memref<1024xi32, #tpu.memory_space<vmem>>, vector<16xi32>,
        %add3A_529 = arith.constant 13600 : i32
        %add3A_530 = arith.addi %add3A_529, %add3A_373 : i32
        %add3A_531 = vector.broadcast %add3A_530 : i32 to vector<16xi32>
        %add3A_532 = arith.addi %mul3A_5, %add3A_531 : vector<16xi32>
        %gather3A_533 = tpu.vector_load_idx %arg5[%add3A_532] : memref<25600xi32, #tpu.memory_space<vmem>>[vector<16xi32>], vector<16xi32>,
        %add3A_534 = arith.constant 272 : i32
        %add3A_535 = arith.addi %mul3A_375, %add3A_534 : i32
        %swap3A_536 = arith.index_cast %add3A_535 : i32 to index
        %swap3A_537 = tpu.vector_load %arg6[%swap3A_536] {strides = array<i32>} : memref<1024xi32, #tpu.memory_space<vmem>>, vector<16xi32>,
        tpu.vector_store %arg6[%swap3A_536], %gather3A_533 {strides = array<i32>} : memref<1024xi32, #tpu.memory_space<vmem>>, vector<16xi32>,
        %add3A_538 = arith.constant 14400 : i32
        %add3A_539 = arith.addi %add3A_538, %add3A_373 : i32
        %add3A_540 = vector.broadcast %add3A_539 : i32 to vector<16xi32>
        %add3A_541 = arith.addi %mul3A_5, %add3A_540 : vector<16xi32>
        %gather3A_542 = tpu.vector_load_idx %arg5[%add3A_541] : memref<25600xi32, #tpu.memory_space<vmem>>[vector<16xi32>], vector<16xi32>,
        %add3A_543 = arith.constant 288 : i32
        %add3A_544 = arith.addi %mul3A_375, %add3A_543 : i32
        %swap3A_545 = arith.index_cast %add3A_544 : i32 to index
        %swap3A_546 = tpu.vector_load %arg6[%swap3A_545] {strides = array<i32>} : memref<1024xi32, #tpu.memory_space<vmem>>, vector<16xi32>,
        tpu.vector_store %arg6[%swap3A_545], %gather3A_542 {strides = array<i32>} : memref<1024xi32, #tpu.memory_space<vmem>>, vector<16xi32>,
        %add3A_547 = arith.constant 15200 : i32
        %add3A_548 = arith.addi %add3A_547, %add3A_373 : i32
        %add3A_549 = vector.broadcast %add3A_548 : i32 to vector<16xi32>
        %add3A_550 = arith.addi %mul3A_5, %add3A_549 : vector<16xi32>
        %gather3A_551 = tpu.vector_load_idx %arg5[%add3A_550] : memref<25600xi32, #tpu.memory_space<vmem>>[vector<16xi32>], vector<16xi32>,
        %add3A_552 = arith.constant 304 : i32
        %add3A_553 = arith.addi %mul3A_375, %add3A_552 : i32
        %swap3A_554 = arith.index_cast %add3A_553 : i32 to index
        %swap3A_555 = tpu.vector_load %arg6[%swap3A_554] {strides = array<i32>} : memref<1024xi32, #tpu.memory_space<vmem>>, vector<16xi32>,
        tpu.vector_store %arg6[%swap3A_554], %gather3A_551 {strides = array<i32>} : memref<1024xi32, #tpu.memory_space<vmem>>, vector<16xi32>,
        %add3A_556 = arith.constant 16000 : i32
        %add3A_557 = arith.addi %add3A_556, %add3A_373 : i32
        %add3A_558 = vector.broadcast %add3A_557 : i32 to vector<16xi32>
        %add3A_559 = arith.addi %mul3A_5, %add3A_558 : vector<16xi32>
        %gather3A_560 = tpu.vector_load_idx %arg5[%add3A_559] : memref<25600xi32, #tpu.memory_space<vmem>>[vector<16xi32>], vector<16xi32>,
        %add3A_561 = arith.constant 320 : i32
        %add3A_562 = arith.addi %mul3A_375, %add3A_561 : i32
        %swap3A_563 = arith.index_cast %add3A_562 : i32 to index
        %swap3A_564 = tpu.vector_load %arg6[%swap3A_563] {strides = array<i32>} : memref<1024xi32, #tpu.memory_space<vmem>>, vector<16xi32>,
        tpu.vector_store %arg6[%swap3A_563], %gather3A_560 {strides = array<i32>} : memref<1024xi32, #tpu.memory_space<vmem>>, vector<16xi32>,
        %add3A_565 = arith.constant 16800 : i32
        %add3A_566 = arith.addi %add3A_565, %add3A_373 : i32
        %add3A_567 = vector.broadcast %add3A_566 : i32 to vector<16xi32>
        %add3A_568 = arith.addi %mul3A_5, %add3A_567 : vector<16xi32>
        %gather3A_569 = tpu.vector_load_idx %arg5[%add3A_568] : memref<25600xi32, #tpu.memory_space<vmem>>[vector<16xi32>], vector<16xi32>,
        %add3A_570 = arith.constant 336 : i32
        %add3A_571 = arith.addi %mul3A_375, %add3A_570 : i32
        %swap3A_572 = arith.index_cast %add3A_571 : i32 to index
        %swap3A_573 = tpu.vector_load %arg6[%swap3A_572] {strides = array<i32>} : memref<1024xi32, #tpu.memory_space<vmem>>, vector<16xi32>,
        tpu.vector_store %arg6[%swap3A_572], %gather3A_569 {strides = array<i32>} : memref<1024xi32, #tpu.memory_space<vmem>>, vector<16xi32>,
        %add3A_574 = arith.constant 17600 : i32
        %add3A_575 = arith.addi %add3A_574, %add3A_373 : i32
        %add3A_576 = vector.broadcast %add3A_575 : i32 to vector<16xi32>
        %add3A_577 = arith.addi %mul3A_5, %add3A_576 : vector<16xi32>
        %gather3A_578 = tpu.vector_load_idx %arg5[%add3A_577] : memref<25600xi32, #tpu.memory_space<vmem>>[vector<16xi32>], vector<16xi32>,
        %add3A_579 = arith.constant 352 : i32
        %add3A_580 = arith.addi %mul3A_375, %add3A_579 : i32
        %swap3A_581 = arith.index_cast %add3A_580 : i32 to index
        %swap3A_582 = tpu.vector_load %arg6[%swap3A_581] {strides = array<i32>} : memref<1024xi32, #tpu.memory_space<vmem>>, vector<16xi32>,
        tpu.vector_store %arg6[%swap3A_581], %gather3A_578 {strides = array<i32>} : memref<1024xi32, #tpu.memory_space<vmem>>, vector<16xi32>,
        %add3A_583 = arith.constant 18400 : i32
        %add3A_584 = arith.addi %add3A_583, %add3A_373 : i32
        %add3A_585 = vector.broadcast %add3A_584 : i32 to vector<16xi32>
        %add3A_586 = arith.addi %mul3A_5, %add3A_585 : vector<16xi32>
        %gather3A_587 = tpu.vector_load_idx %arg5[%add3A_586] : memref<25600xi32, #tpu.memory_space<vmem>>[vector<16xi32>], vector<16xi32>,
        %add3A_588 = arith.constant 368 : i32
        %add3A_589 = arith.addi %mul3A_375, %add3A_588 : i32
        %swap3A_590 = arith.index_cast %add3A_589 : i32 to index
        %swap3A_591 = tpu.vector_load %arg6[%swap3A_590] {strides = array<i32>} : memref<1024xi32, #tpu.memory_space<vmem>>, vector<16xi32>,
        tpu.vector_store %arg6[%swap3A_590], %gather3A_587 {strides = array<i32>} : memref<1024xi32, #tpu.memory_space<vmem>>, vector<16xi32>,
        %add3A_592 = arith.constant 19200 : i32
        %add3A_593 = arith.addi %add3A_592, %add3A_373 : i32
        %add3A_594 = vector.broadcast %add3A_593 : i32 to vector<16xi32>
        %add3A_595 = arith.addi %mul3A_5, %add3A_594 : vector<16xi32>
        %gather3A_596 = tpu.vector_load_idx %arg5[%add3A_595] : memref<25600xi32, #tpu.memory_space<vmem>>[vector<16xi32>], vector<16xi32>,
        %add3A_597 = arith.constant 384 : i32
        %add3A_598 = arith.addi %mul3A_375, %add3A_597 : i32
        %swap3A_599 = arith.index_cast %add3A_598 : i32 to index
        %swap3A_600 = tpu.vector_load %arg6[%swap3A_599] {strides = array<i32>} : memref<1024xi32, #tpu.memory_space<vmem>>, vector<16xi32>,
        tpu.vector_store %arg6[%swap3A_599], %gather3A_596 {strides = array<i32>} : memref<1024xi32, #tpu.memory_space<vmem>>, vector<16xi32>,
        %add3A_601 = arith.constant 20000 : i32
        %add3A_602 = arith.addi %add3A_601, %add3A_373 : i32
        %add3A_603 = vector.broadcast %add3A_602 : i32 to vector<16xi32>
        %add3A_604 = arith.addi %mul3A_5, %add3A_603 : vector<16xi32>
        %gather3A_605 = tpu.vector_load_idx %arg5[%add3A_604] : memref<25600xi32, #tpu.memory_space<vmem>>[vector<16xi32>], vector<16xi32>,
        %add3A_606 = arith.constant 400 : i32
        %add3A_607 = arith.addi %mul3A_375, %add3A_606 : i32
        %swap3A_608 = arith.index_cast %add3A_607 : i32 to index
        %swap3A_609 = tpu.vector_load %arg6[%swap3A_608] {strides = array<i32>} : memref<1024xi32, #tpu.memory_space<vmem>>, vector<16xi32>,
        tpu.vector_store %arg6[%swap3A_608], %gather3A_605 {strides = array<i32>} : memref<1024xi32, #tpu.memory_space<vmem>>, vector<16xi32>,
        %add3A_610 = arith.constant 20800 : i32
        %add3A_611 = arith.addi %add3A_610, %add3A_373 : i32
        %add3A_612 = vector.broadcast %add3A_611 : i32 to vector<16xi32>
        %add3A_613 = arith.addi %mul3A_5, %add3A_612 : vector<16xi32>
        %gather3A_614 = tpu.vector_load_idx %arg5[%add3A_613] : memref<25600xi32, #tpu.memory_space<vmem>>[vector<16xi32>], vector<16xi32>,
        %add3A_615 = arith.constant 416 : i32
        %add3A_616 = arith.addi %mul3A_375, %add3A_615 : i32
        %swap3A_617 = arith.index_cast %add3A_616 : i32 to index
        %swap3A_618 = tpu.vector_load %arg6[%swap3A_617] {strides = array<i32>} : memref<1024xi32, #tpu.memory_space<vmem>>, vector<16xi32>,
        tpu.vector_store %arg6[%swap3A_617], %gather3A_614 {strides = array<i32>} : memref<1024xi32, #tpu.memory_space<vmem>>, vector<16xi32>,
        %add3A_619 = arith.constant 21600 : i32
        %add3A_620 = arith.addi %add3A_619, %add3A_373 : i32
        %add3A_621 = vector.broadcast %add3A_620 : i32 to vector<16xi32>
        %add3A_622 = arith.addi %mul3A_5, %add3A_621 : vector<16xi32>
        %gather3A_623 = tpu.vector_load_idx %arg5[%add3A_622] : memref<25600xi32, #tpu.memory_space<vmem>>[vector<16xi32>], vector<16xi32>,
        %add3A_624 = arith.constant 432 : i32
        %add3A_625 = arith.addi %mul3A_375, %add3A_624 : i32
        %swap3A_626 = arith.index_cast %add3A_625 : i32 to index
        %swap3A_627 = tpu.vector_load %arg6[%swap3A_626] {strides = array<i32>} : memref<1024xi32, #tpu.memory_space<vmem>>, vector<16xi32>,
        tpu.vector_store %arg6[%swap3A_626], %gather3A_623 {strides = array<i32>} : memref<1024xi32, #tpu.memory_space<vmem>>, vector<16xi32>,
        %add3A_628 = arith.constant 22400 : i32
        %add3A_629 = arith.addi %add3A_628, %add3A_373 : i32
        %add3A_630 = vector.broadcast %add3A_629 : i32 to vector<16xi32>
        %add3A_631 = arith.addi %mul3A_5, %add3A_630 : vector<16xi32>
        %gather3A_632 = tpu.vector_load_idx %arg5[%add3A_631] : memref<25600xi32, #tpu.memory_space<vmem>>[vector<16xi32>], vector<16xi32>,
        %add3A_633 = arith.constant 448 : i32
        %add3A_634 = arith.addi %mul3A_375, %add3A_633 : i32
        %swap3A_635 = arith.index_cast %add3A_634 : i32 to index
        %swap3A_636 = tpu.vector_load %arg6[%swap3A_635] {strides = array<i32>} : memref<1024xi32, #tpu.memory_space<vmem>>, vector<16xi32>,
        tpu.vector_store %arg6[%swap3A_635], %gather3A_632 {strides = array<i32>} : memref<1024xi32, #tpu.memory_space<vmem>>, vector<16xi32>,
        %add3A_637 = arith.constant 23200 : i32
        %add3A_638 = arith.addi %add3A_637, %add3A_373 : i32
        %add3A_639 = vector.broadcast %add3A_638 : i32 to vector<16xi32>
        %add3A_640 = arith.addi %mul3A_5, %add3A_639 : vector<16xi32>
        %gather3A_641 = tpu.vector_load_idx %arg5[%add3A_640] : memref<25600xi32, #tpu.memory_space<vmem>>[vector<16xi32>], vector<16xi32>,
        %add3A_642 = arith.constant 464 : i32
        %add3A_643 = arith.addi %mul3A_375, %add3A_642 : i32
        %swap3A_644 = arith.index_cast %add3A_643 : i32 to index
        %swap3A_645 = tpu.vector_load %arg6[%swap3A_644] {strides = array<i32>} : memref<1024xi32, #tpu.memory_space<vmem>>, vector<16xi32>,
        tpu.vector_store %arg6[%swap3A_644], %gather3A_641 {strides = array<i32>} : memref<1024xi32, #tpu.memory_space<vmem>>, vector<16xi32>,
        %add3A_646 = arith.constant 24000 : i32
        %add3A_647 = arith.addi %add3A_646, %add3A_373 : i32
        %add3A_648 = vector.broadcast %add3A_647 : i32 to vector<16xi32>
        %add3A_649 = arith.addi %mul3A_5, %add3A_648 : vector<16xi32>
        %gather3A_650 = tpu.vector_load_idx %arg5[%add3A_649] : memref<25600xi32, #tpu.memory_space<vmem>>[vector<16xi32>], vector<16xi32>,
        %add3A_651 = arith.constant 480 : i32
        %add3A_652 = arith.addi %mul3A_375, %add3A_651 : i32
        %swap3A_653 = arith.index_cast %add3A_652 : i32 to index
        %swap3A_654 = tpu.vector_load %arg6[%swap3A_653] {strides = array<i32>} : memref<1024xi32, #tpu.memory_space<vmem>>, vector<16xi32>,
        tpu.vector_store %arg6[%swap3A_653], %gather3A_650 {strides = array<i32>} : memref<1024xi32, #tpu.memory_space<vmem>>, vector<16xi32>,
        %add3A_655 = arith.constant 24800 : i32
        %add3A_656 = arith.addi %add3A_655, %add3A_373 : i32
        %add3A_657 = vector.broadcast %add3A_656 : i32 to vector<16xi32>
        %add3A_658 = arith.addi %mul3A_5, %add3A_657 : vector<16xi32>
        %gather3A_659 = tpu.vector_load_idx %arg5[%add3A_658] : memref<25600xi32, #tpu.memory_space<vmem>>[vector<16xi32>], vector<16xi32>,
        %add3A_660 = arith.constant 496 : i32
        %add3A_661 = arith.addi %mul3A_375, %add3A_660 : i32
        %swap3A_662 = arith.index_cast %add3A_661 : i32 to index
        %swap3A_663 = tpu.vector_load %arg6[%swap3A_662] {strides = array<i32>} : memref<1024xi32, #tpu.memory_space<vmem>>, vector<16xi32>,
        tpu.vector_store %arg6[%swap3A_662], %gather3A_659 {strides = array<i32>} : memref<1024xi32, #tpu.memory_space<vmem>>, vector<16xi32>,
        %dma_start3A_664 = arith.constant 0 : i32
        %dma_start3A_665 = tpu.memref_slice %arg7[%mul3A_375, %dma_start3A_664] : memref<1024x32xf32, #tpu.memory_space<vmem>> -> memref<512x32xf32, #tpu.memory_space<vmem>>
        %dma_start3A_666 = tpu.memref_slice %arg6[%mul3A_375] : memref<1024xi32, #tpu.memory_space<vmem>> -> memref<512xi32, #tpu.memory_space<vmem>>
        %dma_start3A_667 = arith.constant 0 : i32
        %dma_start3A_668 = arith.constant 0 : i32
        %dma_start3A_669 = tpu.memref_slice %arg3[%dma_start3A_667, %dma_start3A_668] : memref<1000000x32xf32, #tpu.memory_space<hbm>> -> memref<1000000x32xf32, #tpu.memory_space<hbm>>
        tpu.enqueue_indirect_dma source(%dma_start3A_669 : memref<1000000x32xf32, #tpu.memory_space<hbm>>) target(%dma_start3A_665 : memref<512x32xf32, #tpu.memory_space<vmem>>) offsets(%dma_start3A_666 : memref<512xi32, #tpu.memory_space<vmem>>) semaphore(%arg9 : memref<!tpu.dma_semaphore, #tpu.memory_space<semaphore_mem>>)
      } else {
      }
      %broadcast_in_dim3A = arith.constant 0 : i32
      %broadcast_in_dim3A_344 = vector.broadcast %broadcast_in_dim3A : i32 to vector<16xi32>
      %scan3A_345 = arith.constant 0 : i32
      %scan3A_346 = arith.constant 32 : i32
      %scan3A_347 = arith.addi %scan3A_345, %scan3A_346 : i32
      %scan3A_348 = arith.constant 1 : i32
      scf.for %scan3A_372 = %scan3A_345 to %scan3A_347 step %scan3A_348  : i32 {
        %mul3A_373 = arith.constant 1 : i32
        %mul3A_374 = arith.muli %scan3A_372, %mul3A_373 : i32
        %add3A_375 = arith.constant 0 : i32
        %add3A_376 = arith.addi %add3A_375, %mul3A_374 : i32
        %mul3A_377 = arith.constant 16 : i32
        %mul3A_378 = arith.muli %add3A_376, %mul3A_377 : i32
        %shift_right_logical3A = arith.constant 3 : i32
        %shift_right_logical3A_379 = arith.shrui %add3A_376, %shift_right_logical3A : i32
        %add3A_380 = vector.broadcast %rem3A_330 : i32 to vector<16xi32>
        %add3A_381 = arith.addi %broadcast_in_dim3A_344, %add3A_380 : vector<16xi32>
        %add3A_382 = vector.broadcast %shift_right_logical3A_379 : i32 to vector<16xi32>
        %add3A_383 = arith.addi %broadcast_in_dim3A_344, %add3A_382 : vector<16xi32>
        %and3A_384 = arith.constant 127 : i32
        %and3A_385 = arith.andi %mul3A_378, %and3A_384 : i32
        %add3A_386 = vector.broadcast %and3A_385 : i32 to vector<16xi32>
        %add3A_387 = arith.addi %iota3A, %add3A_386 : vector<16xi32>
        %add3A_388 = arith.addi %mul3A_333, %mul3A_378 : i32
        %add3A_389 = vector.broadcast %add3A_388 : i32 to vector<16xi32>
        %add3A_390 = arith.addi %iota3A, %add3A_389 : vector<16xi32>
        %add3A_391 = arith.constant 0 : i32
        %add3A_392 = vector.broadcast %add3A_391 : i32 to vector<16xi32>
        %add3A_393 = arith.addi %and3A_10, %add3A_392 : vector<16xi32>
        %gather3A_394 = tpu.vector_load_idx %arg7[%add3A_390, %add3A_393] : memref<1024x32xf32, #tpu.memory_space<vmem>>[vector<16xi32>, vector<16xi32>], vector<16xf32>,
        %shift_right_logical3A_395 = arith.constant 3 : i32
        %shift_right_logical3A_396 = vector.broadcast %shift_right_logical3A_395 : i32 to vector<16xi32>
        %shift_right_logical3A_397 = arith.shrui %add3A_393, %shift_right_logical3A_396 : vector<16xi32>
        %and3A_398 = arith.constant 7 : i32
        %and3A_399 = vector.broadcast %and3A_398 : i32 to vector<16xi32>
        %and3A_400 = arith.andi %add3A_393, %and3A_399 : vector<16xi32>
        %mul3A_401 = arith.constant 128 : i32
        %mul3A_402 = vector.broadcast %mul3A_401 : i32 to vector<16xi32>
        %mul3A_403 = arith.muli %and3A_400, %mul3A_402 : vector<16xi32>
        %add3A_404 = arith.addi %mul3A_403, %add3A_387 : vector<16xi32>
        tpu.vector_store_idx %arg8[%add3A_381, %shift_right_logical3A_397, %add3A_383, %add3A_404], %gather3A_394 : memref<2x4x4x1024xf32, #tpu.memory_space<vmem>>[vector<16xi32>, vector<16xi32>, vector<16xi32>, vector<16xi32>], vector<16xf32>,
        %add3A_405 = arith.constant 0 : i32
        %add3A_406 = vector.broadcast %add3A_405 : i32 to vector<16xi32>
        %add3A_407 = arith.addi %and3A_16, %add3A_406 : vector<16xi32>
        %gather3A_408 = tpu.vector_load_idx %arg7[%add3A_390, %add3A_407] : memref<1024x32xf32, #tpu.memory_space<vmem>>[vector<16xi32>, vector<16xi32>], vector<16xf32>,
        %shift_right_logical3A_409 = arith.constant 3 : i32
        %shift_right_logical3A_410 = vector.broadcast %shift_right_logical3A_409 : i32 to vector<16xi32>
        %shift_right_logical3A_411 = arith.shrui %add3A_407, %shift_right_logical3A_410 : vector<16xi32>
        %and3A_412 = arith.constant 7 : i32
        %and3A_413 = vector.broadcast %and3A_412 : i32 to vector<16xi32>
        %and3A_414 = arith.andi %add3A_407, %and3A_413 : vector<16xi32>
        %mul3A_415 = arith.constant 128 : i32
        %mul3A_416 = vector.broadcast %mul3A_415 : i32 to vector<16xi32>
        %mul3A_417 = arith.muli %and3A_414, %mul3A_416 : vector<16xi32>
        %add3A_418 = arith.addi %mul3A_417, %add3A_387 : vector<16xi32>
        tpu.vector_store_idx %arg8[%add3A_381, %shift_right_logical3A_411, %add3A_383, %add3A_418], %gather3A_408 : memref<2x4x4x1024xf32, #tpu.memory_space<vmem>>[vector<16xi32>, vector<16xi32>, vector<16xi32>, vector<16xi32>], vector<16xf32>,
        %add3A_419 = arith.constant 0 : i32
        %add3A_420 = vector.broadcast %add3A_419 : i32 to vector<16xi32>
        %add3A_421 = arith.addi %and3A_22, %add3A_420 : vector<16xi32>
        %gather3A_422 = tpu.vector_load_idx %arg7[%add3A_390, %add3A_421] : memref<1024x32xf32, #tpu.memory_space<vmem>>[vector<16xi32>, vector<16xi32>], vector<16xf32>,
        %shift_right_logical3A_423 = arith.constant 3 : i32
        %shift_right_logical3A_424 = vector.broadcast %shift_right_logical3A_423 : i32 to vector<16xi32>
        %shift_right_logical3A_425 = arith.shrui %add3A_421, %shift_right_logical3A_424 : vector<16xi32>
        %and3A_426 = arith.constant 7 : i32
        %and3A_427 = vector.broadcast %and3A_426 : i32 to vector<16xi32>
        %and3A_428 = arith.andi %add3A_421, %and3A_427 : vector<16xi32>
        %mul3A_429 = arith.constant 128 : i32
        %mul3A_430 = vector.broadcast %mul3A_429 : i32 to vector<16xi32>
        %mul3A_431 = arith.muli %and3A_428, %mul3A_430 : vector<16xi32>
        %add3A_432 = arith.addi %mul3A_431, %add3A_387 : vector<16xi32>
        tpu.vector_store_idx %arg8[%add3A_381, %shift_right_logical3A_425, %add3A_383, %add3A_432], %gather3A_422 : memref<2x4x4x1024xf32, #tpu.memory_space<vmem>>[vector<16xi32>, vector<16xi32>, vector<16xi32>, vector<16xi32>], vector<16xf32>,
        %add3A_433 = arith.constant 0 : i32
        %add3A_434 = vector.broadcast %add3A_433 : i32 to vector<16xi32>
        %add3A_435 = arith.addi %and3A_28, %add3A_434 : vector<16xi32>
        %gather3A_436 = tpu.vector_load_idx %arg7[%add3A_390, %add3A_435] : memref<1024x32xf32, #tpu.memory_space<vmem>>[vector<16xi32>, vector<16xi32>], vector<16xf32>,
        %shift_right_logical3A_437 = arith.constant 3 : i32
        %shift_right_logical3A_438 = vector.broadcast %shift_right_logical3A_437 : i32 to vector<16xi32>
        %shift_right_logical3A_439 = arith.shrui %add3A_435, %shift_right_logical3A_438 : vector<16xi32>
        %and3A_440 = arith.constant 7 : i32
        %and3A_441 = vector.broadcast %and3A_440 : i32 to vector<16xi32>
        %and3A_442 = arith.andi %add3A_435, %and3A_441 : vector<16xi32>
        %mul3A_443 = arith.constant 128 : i32
        %mul3A_444 = vector.broadcast %mul3A_443 : i32 to vector<16xi32>
        %mul3A_445 = arith.muli %and3A_442, %mul3A_444 : vector<16xi32>
        %add3A_446 = arith.addi %mul3A_445, %add3A_387 : vector<16xi32>
        tpu.vector_store_idx %arg8[%add3A_381, %shift_right_logical3A_439, %add3A_383, %add3A_446], %gather3A_436 : memref<2x4x4x1024xf32, #tpu.memory_space<vmem>>[vector<16xi32>, vector<16xi32>, vector<16xi32>, vector<16xi32>], vector<16xf32>,
        %add3A_447 = arith.constant 0 : i32
        %add3A_448 = vector.broadcast %add3A_447 : i32 to vector<16xi32>
        %add3A_449 = arith.addi %and3A_34, %add3A_448 : vector<16xi32>
        %gather3A_450 = tpu.vector_load_idx %arg7[%add3A_390, %add3A_449] : memref<1024x32xf32, #tpu.memory_space<vmem>>[vector<16xi32>, vector<16xi32>], vector<16xf32>,
        %shift_right_logical3A_451 = arith.constant 3 : i32
        %shift_right_logical3A_452 = vector.broadcast %shift_right_logical3A_451 : i32 to vector<16xi32>
        %shift_right_logical3A_453 = arith.shrui %add3A_449, %shift_right_logical3A_452 : vector<16xi32>
        %and3A_454 = arith.constant 7 : i32
        %and3A_455 = vector.broadcast %and3A_454 : i32 to vector<16xi32>
        %and3A_456 = arith.andi %add3A_449, %and3A_455 : vector<16xi32>
        %mul3A_457 = arith.constant 128 : i32
        %mul3A_458 = vector.broadcast %mul3A_457 : i32 to vector<16xi32>
        %mul3A_459 = arith.muli %and3A_456, %mul3A_458 : vector<16xi32>
        %add3A_460 = arith.addi %mul3A_459, %add3A_387 : vector<16xi32>
        tpu.vector_store_idx %arg8[%add3A_381, %shift_right_logical3A_453, %add3A_383, %add3A_460], %gather3A_450 : memref<2x4x4x1024xf32, #tpu.memory_space<vmem>>[vector<16xi32>, vector<16xi32>, vector<16xi32>, vector<16xi32>], vector<16xf32>,
        %add3A_461 = arith.constant 0 : i32
        %add3A_462 = vector.broadcast %add3A_461 : i32 to vector<16xi32>
        %add3A_463 = arith.addi %and3A_40, %add3A_462 : vector<16xi32>
        %gather3A_464 = tpu.vector_load_idx %arg7[%add3A_390, %add3A_463] : memref<1024x32xf32, #tpu.memory_space<vmem>>[vector<16xi32>, vector<16xi32>], vector<16xf32>,
        %shift_right_logical3A_465 = arith.constant 3 : i32
        %shift_right_logical3A_466 = vector.broadcast %shift_right_logical3A_465 : i32 to vector<16xi32>
        %shift_right_logical3A_467 = arith.shrui %add3A_463, %shift_right_logical3A_466 : vector<16xi32>
        %and3A_468 = arith.constant 7 : i32
        %and3A_469 = vector.broadcast %and3A_468 : i32 to vector<16xi32>
        %and3A_470 = arith.andi %add3A_463, %and3A_469 : vector<16xi32>
        %mul3A_471 = arith.constant 128 : i32
        %mul3A_472 = vector.broadcast %mul3A_471 : i32 to vector<16xi32>
        %mul3A_473 = arith.muli %and3A_470, %mul3A_472 : vector<16xi32>
        %add3A_474 = arith.addi %mul3A_473, %add3A_387 : vector<16xi32>
        tpu.vector_store_idx %arg8[%add3A_381, %shift_right_logical3A_467, %add3A_383, %add3A_474], %gather3A_464 : memref<2x4x4x1024xf32, #tpu.memory_space<vmem>>[vector<16xi32>, vector<16xi32>, vector<16xi32>, vector<16xi32>], vector<16xf32>,
        %add3A_475 = arith.constant 0 : i32
        %add3A_476 = vector.broadcast %add3A_475 : i32 to vector<16xi32>
        %add3A_477 = arith.addi %and3A_46, %add3A_476 : vector<16xi32>
        %gather3A_478 = tpu.vector_load_idx %arg7[%add3A_390, %add3A_477] : memref<1024x32xf32, #tpu.memory_space<vmem>>[vector<16xi32>, vector<16xi32>], vector<16xf32>,
        %shift_right_logical3A_479 = arith.constant 3 : i32
        %shift_right_logical3A_480 = vector.broadcast %shift_right_logical3A_479 : i32 to vector<16xi32>
        %shift_right_logical3A_481 = arith.shrui %add3A_477, %shift_right_logical3A_480 : vector<16xi32>
        %and3A_482 = arith.constant 7 : i32
        %and3A_483 = vector.broadcast %and3A_482 : i32 to vector<16xi32>
        %and3A_484 = arith.andi %add3A_477, %and3A_483 : vector<16xi32>
        %mul3A_485 = arith.constant 128 : i32
        %mul3A_486 = vector.broadcast %mul3A_485 : i32 to vector<16xi32>
        %mul3A_487 = arith.muli %and3A_484, %mul3A_486 : vector<16xi32>
        %add3A_488 = arith.addi %mul3A_487, %add3A_387 : vector<16xi32>
        tpu.vector_store_idx %arg8[%add3A_381, %shift_right_logical3A_481, %add3A_383, %add3A_488], %gather3A_478 : memref<2x4x4x1024xf32, #tpu.memory_space<vmem>>[vector<16xi32>, vector<16xi32>, vector<16xi32>, vector<16xi32>], vector<16xf32>,
        %add3A_489 = arith.constant 0 : i32
        %add3A_490 = vector.broadcast %add3A_489 : i32 to vector<16xi32>
        %add3A_491 = arith.addi %and3A_52, %add3A_490 : vector<16xi32>
        %gather3A_492 = tpu.vector_load_idx %arg7[%add3A_390, %add3A_491] : memref<1024x32xf32, #tpu.memory_space<vmem>>[vector<16xi32>, vector<16xi32>], vector<16xf32>,
        %shift_right_logical3A_493 = arith.constant 3 : i32
        %shift_right_logical3A_494 = vector.broadcast %shift_right_logical3A_493 : i32 to vector<16xi32>
        %shift_right_logical3A_495 = arith.shrui %add3A_491, %shift_right_logical3A_494 : vector<16xi32>
        %and3A_496 = arith.constant 7 : i32
        %and3A_497 = vector.broadcast %and3A_496 : i32 to vector<16xi32>
        %and3A_498 = arith.andi %add3A_491, %and3A_497 : vector<16xi32>
        %mul3A_499 = arith.constant 128 : i32
        %mul3A_500 = vector.broadcast %mul3A_499 : i32 to vector<16xi32>
        %mul3A_501 = arith.muli %and3A_498, %mul3A_500 : vector<16xi32>
        %add3A_502 = arith.addi %mul3A_501, %add3A_387 : vector<16xi32>
        tpu.vector_store_idx %arg8[%add3A_381, %shift_right_logical3A_495, %add3A_383, %add3A_502], %gather3A_492 : memref<2x4x4x1024xf32, #tpu.memory_space<vmem>>[vector<16xi32>, vector<16xi32>, vector<16xi32>, vector<16xi32>], vector<16xf32>,
        %add3A_503 = arith.constant 0 : i32
        %add3A_504 = vector.broadcast %add3A_503 : i32 to vector<16xi32>
        %add3A_505 = arith.addi %and3A_58, %add3A_504 : vector<16xi32>
        %gather3A_506 = tpu.vector_load_idx %arg7[%add3A_390, %add3A_505] : memref<1024x32xf32, #tpu.memory_space<vmem>>[vector<16xi32>, vector<16xi32>], vector<16xf32>,
        %shift_right_logical3A_507 = arith.constant 3 : i32
        %shift_right_logical3A_508 = vector.broadcast %shift_right_logical3A_507 : i32 to vector<16xi32>
        %shift_right_logical3A_509 = arith.shrui %add3A_505, %shift_right_logical3A_508 : vector<16xi32>
        %and3A_510 = arith.constant 7 : i32
        %and3A_511 = vector.broadcast %and3A_510 : i32 to vector<16xi32>
        %and3A_512 = arith.andi %add3A_505, %and3A_511 : vector<16xi32>
        %mul3A_513 = arith.constant 128 : i32
        %mul3A_514 = vector.broadcast %mul3A_513 : i32 to vector<16xi32>
        %mul3A_515 = arith.muli %and3A_512, %mul3A_514 : vector<16xi32>
        %add3A_516 = arith.addi %mul3A_515, %add3A_387 : vector<16xi32>
        tpu.vector_store_idx %arg8[%add3A_381, %shift_right_logical3A_509, %add3A_383, %add3A_516], %gather3A_506 : memref<2x4x4x1024xf32, #tpu.memory_space<vmem>>[vector<16xi32>, vector<16xi32>, vector<16xi32>, vector<16xi32>], vector<16xf32>,
        %add3A_517 = arith.constant 0 : i32
        %add3A_518 = vector.broadcast %add3A_517 : i32 to vector<16xi32>
        %add3A_519 = arith.addi %and3A_64, %add3A_518 : vector<16xi32>
        %gather3A_520 = tpu.vector_load_idx %arg7[%add3A_390, %add3A_519] : memref<1024x32xf32, #tpu.memory_space<vmem>>[vector<16xi32>, vector<16xi32>], vector<16xf32>,
        %shift_right_logical3A_521 = arith.constant 3 : i32
        %shift_right_logical3A_522 = vector.broadcast %shift_right_logical3A_521 : i32 to vector<16xi32>
        %shift_right_logical3A_523 = arith.shrui %add3A_519, %shift_right_logical3A_522 : vector<16xi32>
        %and3A_524 = arith.constant 7 : i32
        %and3A_525 = vector.broadcast %and3A_524 : i32 to vector<16xi32>
        %and3A_526 = arith.andi %add3A_519, %and3A_525 : vector<16xi32>
        %mul3A_527 = arith.constant 128 : i32
        %mul3A_528 = vector.broadcast %mul3A_527 : i32 to vector<16xi32>
        %mul3A_529 = arith.muli %and3A_526, %mul3A_528 : vector<16xi32>
        %add3A_530 = arith.addi %mul3A_529, %add3A_387 : vector<16xi32>
        tpu.vector_store_idx %arg8[%add3A_381, %shift_right_logical3A_523, %add3A_383, %add3A_530], %gather3A_520 : memref<2x4x4x1024xf32, #tpu.memory_space<vmem>>[vector<16xi32>, vector<16xi32>, vector<16xi32>, vector<16xi32>], vector<16xf32>,
        %add3A_531 = arith.constant 0 : i32
        %add3A_532 = vector.broadcast %add3A_531 : i32 to vector<16xi32>
        %add3A_533 = arith.addi %and3A_70, %add3A_532 : vector<16xi32>
        %gather3A_534 = tpu.vector_load_idx %arg7[%add3A_390, %add3A_533] : memref<1024x32xf32, #tpu.memory_space<vmem>>[vector<16xi32>, vector<16xi32>], vector<16xf32>,
        %shift_right_logical3A_535 = arith.constant 3 : i32
        %shift_right_logical3A_536 = vector.broadcast %shift_right_logical3A_535 : i32 to vector<16xi32>
        %shift_right_logical3A_537 = arith.shrui %add3A_533, %shift_right_logical3A_536 : vector<16xi32>
        %and3A_538 = arith.constant 7 : i32
        %and3A_539 = vector.broadcast %and3A_538 : i32 to vector<16xi32>
        %and3A_540 = arith.andi %add3A_533, %and3A_539 : vector<16xi32>
        %mul3A_541 = arith.constant 128 : i32
        %mul3A_542 = vector.broadcast %mul3A_541 : i32 to vector<16xi32>
        %mul3A_543 = arith.muli %and3A_540, %mul3A_542 : vector<16xi32>
        %add3A_544 = arith.addi %mul3A_543, %add3A_387 : vector<16xi32>
        tpu.vector_store_idx %arg8[%add3A_381, %shift_right_logical3A_537, %add3A_383, %add3A_544], %gather3A_534 : memref<2x4x4x1024xf32, #tpu.memory_space<vmem>>[vector<16xi32>, vector<16xi32>, vector<16xi32>, vector<16xi32>], vector<16xf32>,
        %add3A_545 = arith.constant 0 : i32
        %add3A_546 = vector.broadcast %add3A_545 : i32 to vector<16xi32>
        %add3A_547 = arith.addi %and3A_76, %add3A_546 : vector<16xi32>
        %gather3A_548 = tpu.vector_load_idx %arg7[%add3A_390, %add3A_547] : memref<1024x32xf32, #tpu.memory_space<vmem>>[vector<16xi32>, vector<16xi32>], vector<16xf32>,
        %shift_right_logical3A_549 = arith.constant 3 : i32
        %shift_right_logical3A_550 = vector.broadcast %shift_right_logical3A_549 : i32 to vector<16xi32>
        %shift_right_logical3A_551 = arith.shrui %add3A_547, %shift_right_logical3A_550 : vector<16xi32>
        %and3A_552 = arith.constant 7 : i32
        %and3A_553 = vector.broadcast %and3A_552 : i32 to vector<16xi32>
        %and3A_554 = arith.andi %add3A_547, %and3A_553 : vector<16xi32>
        %mul3A_555 = arith.constant 128 : i32
        %mul3A_556 = vector.broadcast %mul3A_555 : i32 to vector<16xi32>
        %mul3A_557 = arith.muli %and3A_554, %mul3A_556 : vector<16xi32>
        %add3A_558 = arith.addi %mul3A_557, %add3A_387 : vector<16xi32>
        tpu.vector_store_idx %arg8[%add3A_381, %shift_right_logical3A_551, %add3A_383, %add3A_558], %gather3A_548 : memref<2x4x4x1024xf32, #tpu.memory_space<vmem>>[vector<16xi32>, vector<16xi32>, vector<16xi32>, vector<16xi32>], vector<16xf32>,
        %add3A_559 = arith.constant 0 : i32
        %add3A_560 = vector.broadcast %add3A_559 : i32 to vector<16xi32>
        %add3A_561 = arith.addi %and3A_82, %add3A_560 : vector<16xi32>
        %gather3A_562 = tpu.vector_load_idx %arg7[%add3A_390, %add3A_561] : memref<1024x32xf32, #tpu.memory_space<vmem>>[vector<16xi32>, vector<16xi32>], vector<16xf32>,
        %shift_right_logical3A_563 = arith.constant 3 : i32
        %shift_right_logical3A_564 = vector.broadcast %shift_right_logical3A_563 : i32 to vector<16xi32>
        %shift_right_logical3A_565 = arith.shrui %add3A_561, %shift_right_logical3A_564 : vector<16xi32>
        %and3A_566 = arith.constant 7 : i32
        %and3A_567 = vector.broadcast %and3A_566 : i32 to vector<16xi32>
        %and3A_568 = arith.andi %add3A_561, %and3A_567 : vector<16xi32>
        %mul3A_569 = arith.constant 128 : i32
        %mul3A_570 = vector.broadcast %mul3A_569 : i32 to vector<16xi32>
        %mul3A_571 = arith.muli %and3A_568, %mul3A_570 : vector<16xi32>
        %add3A_572 = arith.addi %mul3A_571, %add3A_387 : vector<16xi32>
        tpu.vector_store_idx %arg8[%add3A_381, %shift_right_logical3A_565, %add3A_383, %add3A_572], %gather3A_562 : memref<2x4x4x1024xf32, #tpu.memory_space<vmem>>[vector<16xi32>, vector<16xi32>, vector<16xi32>, vector<16xi32>], vector<16xf32>,
        %add3A_573 = arith.constant 0 : i32
        %add3A_574 = vector.broadcast %add3A_573 : i32 to vector<16xi32>
        %add3A_575 = arith.addi %and3A_88, %add3A_574 : vector<16xi32>
        %gather3A_576 = tpu.vector_load_idx %arg7[%add3A_390, %add3A_575] : memref<1024x32xf32, #tpu.memory_space<vmem>>[vector<16xi32>, vector<16xi32>], vector<16xf32>,
        %shift_right_logical3A_577 = arith.constant 3 : i32
        %shift_right_logical3A_578 = vector.broadcast %shift_right_logical3A_577 : i32 to vector<16xi32>
        %shift_right_logical3A_579 = arith.shrui %add3A_575, %shift_right_logical3A_578 : vector<16xi32>
        %and3A_580 = arith.constant 7 : i32
        %and3A_581 = vector.broadcast %and3A_580 : i32 to vector<16xi32>
        %and3A_582 = arith.andi %add3A_575, %and3A_581 : vector<16xi32>
        %mul3A_583 = arith.constant 128 : i32
        %mul3A_584 = vector.broadcast %mul3A_583 : i32 to vector<16xi32>
        %mul3A_585 = arith.muli %and3A_582, %mul3A_584 : vector<16xi32>
        %add3A_586 = arith.addi %mul3A_585, %add3A_387 : vector<16xi32>
        tpu.vector_store_idx %arg8[%add3A_381, %shift_right_logical3A_579, %add3A_383, %add3A_586], %gather3A_576 : memref<2x4x4x1024xf32, #tpu.memory_space<vmem>>[vector<16xi32>, vector<16xi32>, vector<16xi32>, vector<16xi32>], vector<16xf32>,
        %add3A_587 = arith.constant 0 : i32
        %add3A_588 = vector.broadcast %add3A_587 : i32 to vector<16xi32>
        %add3A_589 = arith.addi %and3A_94, %add3A_588 : vector<16xi32>
        %gather3A_590 = tpu.vector_load_idx %arg7[%add3A_390, %add3A_589] : memref<1024x32xf32, #tpu.memory_space<vmem>>[vector<16xi32>, vector<16xi32>], vector<16xf32>,
        %shift_right_logical3A_591 = arith.constant 3 : i32
        %shift_right_logical3A_592 = vector.broadcast %shift_right_logical3A_591 : i32 to vector<16xi32>
        %shift_right_logical3A_593 = arith.shrui %add3A_589, %shift_right_logical3A_592 : vector<16xi32>
        %and3A_594 = arith.constant 7 : i32
        %and3A_595 = vector.broadcast %and3A_594 : i32 to vector<16xi32>
        %and3A_596 = arith.andi %add3A_589, %and3A_595 : vector<16xi32>
        %mul3A_597 = arith.constant 128 : i32
        %mul3A_598 = vector.broadcast %mul3A_597 : i32 to vector<16xi32>
        %mul3A_599 = arith.muli %and3A_596, %mul3A_598 : vector<16xi32>
        %add3A_600 = arith.addi %mul3A_599, %add3A_387 : vector<16xi32>
        tpu.vector_store_idx %arg8[%add3A_381, %shift_right_logical3A_593, %add3A_383, %add3A_600], %gather3A_590 : memref<2x4x4x1024xf32, #tpu.memory_space<vmem>>[vector<16xi32>, vector<16xi32>, vector<16xi32>, vector<16xi32>], vector<16xf32>,
        %add3A_601 = arith.constant 0 : i32
        %add3A_602 = vector.broadcast %add3A_601 : i32 to vector<16xi32>
        %add3A_603 = arith.addi %and3A_100, %add3A_602 : vector<16xi32>
        %gather3A_604 = tpu.vector_load_idx %arg7[%add3A_390, %add3A_603] : memref<1024x32xf32, #tpu.memory_space<vmem>>[vector<16xi32>, vector<16xi32>], vector<16xf32>,
        %shift_right_logical3A_605 = arith.constant 3 : i32
        %shift_right_logical3A_606 = vector.broadcast %shift_right_logical3A_605 : i32 to vector<16xi32>
        %shift_right_logical3A_607 = arith.shrui %add3A_603, %shift_right_logical3A_606 : vector<16xi32>
        %and3A_608 = arith.constant 7 : i32
        %and3A_609 = vector.broadcast %and3A_608 : i32 to vector<16xi32>
        %and3A_610 = arith.andi %add3A_603, %and3A_609 : vector<16xi32>
        %mul3A_611 = arith.constant 128 : i32
        %mul3A_612 = vector.broadcast %mul3A_611 : i32 to vector<16xi32>
        %mul3A_613 = arith.muli %and3A_610, %mul3A_612 : vector<16xi32>
        %add3A_614 = arith.addi %mul3A_613, %add3A_387 : vector<16xi32>
        tpu.vector_store_idx %arg8[%add3A_381, %shift_right_logical3A_607, %add3A_383, %add3A_614], %gather3A_604 : memref<2x4x4x1024xf32, #tpu.memory_space<vmem>>[vector<16xi32>, vector<16xi32>, vector<16xi32>, vector<16xi32>], vector<16xf32>,
        %add3A_615 = arith.constant 16 : i32
        %add3A_616 = vector.broadcast %add3A_615 : i32 to vector<16xi32>
        %add3A_617 = arith.addi %and3A_10, %add3A_616 : vector<16xi32>
        %gather3A_618 = tpu.vector_load_idx %arg7[%add3A_390, %add3A_617] : memref<1024x32xf32, #tpu.memory_space<vmem>>[vector<16xi32>, vector<16xi32>], vector<16xf32>,
        %shift_right_logical3A_619 = arith.constant 3 : i32
        %shift_right_logical3A_620 = vector.broadcast %shift_right_logical3A_619 : i32 to vector<16xi32>
        %shift_right_logical3A_621 = arith.shrui %add3A_617, %shift_right_logical3A_620 : vector<16xi32>
        %and3A_622 = arith.constant 7 : i32
        %and3A_623 = vector.broadcast %and3A_622 : i32 to vector<16xi32>
        %and3A_624 = arith.andi %add3A_617, %and3A_623 : vector<16xi32>
        %mul3A_625 = arith.constant 128 : i32
        %mul3A_626 = vector.broadcast %mul3A_625 : i32 to vector<16xi32>
        %mul3A_627 = arith.muli %and3A_624, %mul3A_626 : vector<16xi32>
        %add3A_628 = arith.addi %mul3A_627, %add3A_387 : vector<16xi32>
        tpu.vector_store_idx %arg8[%add3A_381, %shift_right_logical3A_621, %add3A_383, %add3A_628], %gather3A_618 : memref<2x4x4x1024xf32, #tpu.memory_space<vmem>>[vector<16xi32>, vector<16xi32>, vector<16xi32>, vector<16xi32>], vector<16xf32>,
        %add3A_629 = arith.constant 16 : i32
        %add3A_630 = vector.broadcast %add3A_629 : i32 to vector<16xi32>
        %add3A_631 = arith.addi %and3A_16, %add3A_630 : vector<16xi32>
        %gather3A_632 = tpu.vector_load_idx %arg7[%add3A_390, %add3A_631] : memref<1024x32xf32, #tpu.memory_space<vmem>>[vector<16xi32>, vector<16xi32>], vector<16xf32>,
        %shift_right_logical3A_633 = arith.constant 3 : i32
        %shift_right_logical3A_634 = vector.broadcast %shift_right_logical3A_633 : i32 to vector<16xi32>
        %shift_right_logical3A_635 = arith.shrui %add3A_631, %shift_right_logical3A_634 : vector<16xi32>
        %and3A_636 = arith.constant 7 : i32
        %and3A_637 = vector.broadcast %and3A_636 : i32 to vector<16xi32>
        %and3A_638 = arith.andi %add3A_631, %and3A_637 : vector<16xi32>
        %mul3A_639 = arith.constant 128 : i32
        %mul3A_640 = vector.broadcast %mul3A_639 : i32 to vector<16xi32>
        %mul3A_641 = arith.muli %and3A_638, %mul3A_640 : vector<16xi32>
        %add3A_642 = arith.addi %mul3A_641, %add3A_387 : vector<16xi32>
        tpu.vector_store_idx %arg8[%add3A_381, %shift_right_logical3A_635, %add3A_383, %add3A_642], %gather3A_632 : memref<2x4x4x1024xf32, #tpu.memory_space<vmem>>[vector<16xi32>, vector<16xi32>, vector<16xi32>, vector<16xi32>], vector<16xf32>,
        %add3A_643 = arith.constant 16 : i32
        %add3A_644 = vector.broadcast %add3A_643 : i32 to vector<16xi32>
        %add3A_645 = arith.addi %and3A_22, %add3A_644 : vector<16xi32>
        %gather3A_646 = tpu.vector_load_idx %arg7[%add3A_390, %add3A_645] : memref<1024x32xf32, #tpu.memory_space<vmem>>[vector<16xi32>, vector<16xi32>], vector<16xf32>,
        %shift_right_logical3A_647 = arith.constant 3 : i32
        %shift_right_logical3A_648 = vector.broadcast %shift_right_logical3A_647 : i32 to vector<16xi32>
        %shift_right_logical3A_649 = arith.shrui %add3A_645, %shift_right_logical3A_648 : vector<16xi32>
        %and3A_650 = arith.constant 7 : i32
        %and3A_651 = vector.broadcast %and3A_650 : i32 to vector<16xi32>
        %and3A_652 = arith.andi %add3A_645, %and3A_651 : vector<16xi32>
        %mul3A_653 = arith.constant 128 : i32
        %mul3A_654 = vector.broadcast %mul3A_653 : i32 to vector<16xi32>
        %mul3A_655 = arith.muli %and3A_652, %mul3A_654 : vector<16xi32>
        %add3A_656 = arith.addi %mul3A_655, %add3A_387 : vector<16xi32>
        tpu.vector_store_idx %arg8[%add3A_381, %shift_right_logical3A_649, %add3A_383, %add3A_656], %gather3A_646 : memref<2x4x4x1024xf32, #tpu.memory_space<vmem>>[vector<16xi32>, vector<16xi32>, vector<16xi32>, vector<16xi32>], vector<16xf32>,
        %add3A_657 = arith.constant 16 : i32
        %add3A_658 = vector.broadcast %add3A_657 : i32 to vector<16xi32>
        %add3A_659 = arith.addi %and3A_28, %add3A_658 : vector<16xi32>
        %gather3A_660 = tpu.vector_load_idx %arg7[%add3A_390, %add3A_659] : memref<1024x32xf32, #tpu.memory_space<vmem>>[vector<16xi32>, vector<16xi32>], vector<16xf32>,
        %shift_right_logical3A_661 = arith.constant 3 : i32
        %shift_right_logical3A_662 = vector.broadcast %shift_right_logical3A_661 : i32 to vector<16xi32>
        %shift_right_logical3A_663 = arith.shrui %add3A_659, %shift_right_logical3A_662 : vector<16xi32>
        %and3A_664 = arith.constant 7 : i32
        %and3A_665 = vector.broadcast %and3A_664 : i32 to vector<16xi32>
        %and3A_666 = arith.andi %add3A_659, %and3A_665 : vector<16xi32>
        %mul3A_667 = arith.constant 128 : i32
        %mul3A_668 = vector.broadcast %mul3A_667 : i32 to vector<16xi32>
        %mul3A_669 = arith.muli %and3A_666, %mul3A_668 : vector<16xi32>
        %add3A_670 = arith.addi %mul3A_669, %add3A_387 : vector<16xi32>
        tpu.vector_store_idx %arg8[%add3A_381, %shift_right_logical3A_663, %add3A_383, %add3A_670], %gather3A_660 : memref<2x4x4x1024xf32, #tpu.memory_space<vmem>>[vector<16xi32>, vector<16xi32>, vector<16xi32>, vector<16xi32>], vector<16xf32>,
        %add3A_671 = arith.constant 16 : i32
        %add3A_672 = vector.broadcast %add3A_671 : i32 to vector<16xi32>
        %add3A_673 = arith.addi %and3A_34, %add3A_672 : vector<16xi32>
        %gather3A_674 = tpu.vector_load_idx %arg7[%add3A_390, %add3A_673] : memref<1024x32xf32, #tpu.memory_space<vmem>>[vector<16xi32>, vector<16xi32>], vector<16xf32>,
        %shift_right_logical3A_675 = arith.constant 3 : i32
        %shift_right_logical3A_676 = vector.broadcast %shift_right_logical3A_675 : i32 to vector<16xi32>
        %shift_right_logical3A_677 = arith.shrui %add3A_673, %shift_right_logical3A_676 : vector<16xi32>
        %and3A_678 = arith.constant 7 : i32
        %and3A_679 = vector.broadcast %and3A_678 : i32 to vector<16xi32>
        %and3A_680 = arith.andi %add3A_673, %and3A_679 : vector<16xi32>
        %mul3A_681 = arith.constant 128 : i32
        %mul3A_682 = vector.broadcast %mul3A_681 : i32 to vector<16xi32>
        %mul3A_683 = arith.muli %and3A_680, %mul3A_682 : vector<16xi32>
        %add3A_684 = arith.addi %mul3A_683, %add3A_387 : vector<16xi32>
        tpu.vector_store_idx %arg8[%add3A_381, %shift_right_logical3A_677, %add3A_383, %add3A_684], %gather3A_674 : memref<2x4x4x1024xf32, #tpu.memory_space<vmem>>[vector<16xi32>, vector<16xi32>, vector<16xi32>, vector<16xi32>], vector<16xf32>,
        %add3A_685 = arith.constant 16 : i32
        %add3A_686 = vector.broadcast %add3A_685 : i32 to vector<16xi32>
        %add3A_687 = arith.addi %and3A_40, %add3A_686 : vector<16xi32>
        %gather3A_688 = tpu.vector_load_idx %arg7[%add3A_390, %add3A_687] : memref<1024x32xf32, #tpu.memory_space<vmem>>[vector<16xi32>, vector<16xi32>], vector<16xf32>,
        %shift_right_logical3A_689 = arith.constant 3 : i32
        %shift_right_logical3A_690 = vector.broadcast %shift_right_logical3A_689 : i32 to vector<16xi32>
        %shift_right_logical3A_691 = arith.shrui %add3A_687, %shift_right_logical3A_690 : vector<16xi32>
        %and3A_692 = arith.constant 7 : i32
        %and3A_693 = vector.broadcast %and3A_692 : i32 to vector<16xi32>
        %and3A_694 = arith.andi %add3A_687, %and3A_693 : vector<16xi32>
        %mul3A_695 = arith.constant 128 : i32
        %mul3A_696 = vector.broadcast %mul3A_695 : i32 to vector<16xi32>
        %mul3A_697 = arith.muli %and3A_694, %mul3A_696 : vector<16xi32>
        %add3A_698 = arith.addi %mul3A_697, %add3A_387 : vector<16xi32>
        tpu.vector_store_idx %arg8[%add3A_381, %shift_right_logical3A_691, %add3A_383, %add3A_698], %gather3A_688 : memref<2x4x4x1024xf32, #tpu.memory_space<vmem>>[vector<16xi32>, vector<16xi32>, vector<16xi32>, vector<16xi32>], vector<16xf32>,
        %add3A_699 = arith.constant 16 : i32
        %add3A_700 = vector.broadcast %add3A_699 : i32 to vector<16xi32>
        %add3A_701 = arith.addi %and3A_46, %add3A_700 : vector<16xi32>
        %gather3A_702 = tpu.vector_load_idx %arg7[%add3A_390, %add3A_701] : memref<1024x32xf32, #tpu.memory_space<vmem>>[vector<16xi32>, vector<16xi32>], vector<16xf32>,
        %shift_right_logical3A_703 = arith.constant 3 : i32
        %shift_right_logical3A_704 = vector.broadcast %shift_right_logical3A_703 : i32 to vector<16xi32>
        %shift_right_logical3A_705 = arith.shrui %add3A_701, %shift_right_logical3A_704 : vector<16xi32>
        %and3A_706 = arith.constant 7 : i32
        %and3A_707 = vector.broadcast %and3A_706 : i32 to vector<16xi32>
        %and3A_708 = arith.andi %add3A_701, %and3A_707 : vector<16xi32>
        %mul3A_709 = arith.constant 128 : i32
        %mul3A_710 = vector.broadcast %mul3A_709 : i32 to vector<16xi32>
        %mul3A_711 = arith.muli %and3A_708, %mul3A_710 : vector<16xi32>
        %add3A_712 = arith.addi %mul3A_711, %add3A_387 : vector<16xi32>
        tpu.vector_store_idx %arg8[%add3A_381, %shift_right_logical3A_705, %add3A_383, %add3A_712], %gather3A_702 : memref<2x4x4x1024xf32, #tpu.memory_space<vmem>>[vector<16xi32>, vector<16xi32>, vector<16xi32>, vector<16xi32>], vector<16xf32>,
        %add3A_713 = arith.constant 16 : i32
        %add3A_714 = vector.broadcast %add3A_713 : i32 to vector<16xi32>
        %add3A_715 = arith.addi %and3A_52, %add3A_714 : vector<16xi32>
        %gather3A_716 = tpu.vector_load_idx %arg7[%add3A_390, %add3A_715] : memref<1024x32xf32, #tpu.memory_space<vmem>>[vector<16xi32>, vector<16xi32>], vector<16xf32>,
        %shift_right_logical3A_717 = arith.constant 3 : i32
        %shift_right_logical3A_718 = vector.broadcast %shift_right_logical3A_717 : i32 to vector<16xi32>
        %shift_right_logical3A_719 = arith.shrui %add3A_715, %shift_right_logical3A_718 : vector<16xi32>
        %and3A_720 = arith.constant 7 : i32
        %and3A_721 = vector.broadcast %and3A_720 : i32 to vector<16xi32>
        %and3A_722 = arith.andi %add3A_715, %and3A_721 : vector<16xi32>
        %mul3A_723 = arith.constant 128 : i32
        %mul3A_724 = vector.broadcast %mul3A_723 : i32 to vector<16xi32>
        %mul3A_725 = arith.muli %and3A_722, %mul3A_724 : vector<16xi32>
        %add3A_726 = arith.addi %mul3A_725, %add3A_387 : vector<16xi32>
        tpu.vector_store_idx %arg8[%add3A_381, %shift_right_logical3A_719, %add3A_383, %add3A_726], %gather3A_716 : memref<2x4x4x1024xf32, #tpu.memory_space<vmem>>[vector<16xi32>, vector<16xi32>, vector<16xi32>, vector<16xi32>], vector<16xf32>,
        %add3A_727 = arith.constant 16 : i32
        %add3A_728 = vector.broadcast %add3A_727 : i32 to vector<16xi32>
        %add3A_729 = arith.addi %and3A_58, %add3A_728 : vector<16xi32>
        %gather3A_730 = tpu.vector_load_idx %arg7[%add3A_390, %add3A_729] : memref<1024x32xf32, #tpu.memory_space<vmem>>[vector<16xi32>, vector<16xi32>], vector<16xf32>,
        %shift_right_logical3A_731 = arith.constant 3 : i32
        %shift_right_logical3A_732 = vector.broadcast %shift_right_logical3A_731 : i32 to vector<16xi32>
        %shift_right_logical3A_733 = arith.shrui %add3A_729, %shift_right_logical3A_732 : vector<16xi32>
        %and3A_734 = arith.constant 7 : i32
        %and3A_735 = vector.broadcast %and3A_734 : i32 to vector<16xi32>
        %and3A_736 = arith.andi %add3A_729, %and3A_735 : vector<16xi32>
        %mul3A_737 = arith.constant 128 : i32
        %mul3A_738 = vector.broadcast %mul3A_737 : i32 to vector<16xi32>
        %mul3A_739 = arith.muli %and3A_736, %mul3A_738 : vector<16xi32>
        %add3A_740 = arith.addi %mul3A_739, %add3A_387 : vector<16xi32>
        tpu.vector_store_idx %arg8[%add3A_381, %shift_right_logical3A_733, %add3A_383, %add3A_740], %gather3A_730 : memref<2x4x4x1024xf32, #tpu.memory_space<vmem>>[vector<16xi32>, vector<16xi32>, vector<16xi32>, vector<16xi32>], vector<16xf32>,
        %add3A_741 = arith.constant 16 : i32
        %add3A_742 = vector.broadcast %add3A_741 : i32 to vector<16xi32>
        %add3A_743 = arith.addi %and3A_64, %add3A_742 : vector<16xi32>
        %gather3A_744 = tpu.vector_load_idx %arg7[%add3A_390, %add3A_743] : memref<1024x32xf32, #tpu.memory_space<vmem>>[vector<16xi32>, vector<16xi32>], vector<16xf32>,
        %shift_right_logical3A_745 = arith.constant 3 : i32
        %shift_right_logical3A_746 = vector.broadcast %shift_right_logical3A_745 : i32 to vector<16xi32>
        %shift_right_logical3A_747 = arith.shrui %add3A_743, %shift_right_logical3A_746 : vector<16xi32>
        %and3A_748 = arith.constant 7 : i32
        %and3A_749 = vector.broadcast %and3A_748 : i32 to vector<16xi32>
        %and3A_750 = arith.andi %add3A_743, %and3A_749 : vector<16xi32>
        %mul3A_751 = arith.constant 128 : i32
        %mul3A_752 = vector.broadcast %mul3A_751 : i32 to vector<16xi32>
        %mul3A_753 = arith.muli %and3A_750, %mul3A_752 : vector<16xi32>
        %add3A_754 = arith.addi %mul3A_753, %add3A_387 : vector<16xi32>
        tpu.vector_store_idx %arg8[%add3A_381, %shift_right_logical3A_747, %add3A_383, %add3A_754], %gather3A_744 : memref<2x4x4x1024xf32, #tpu.memory_space<vmem>>[vector<16xi32>, vector<16xi32>, vector<16xi32>, vector<16xi32>], vector<16xf32>,
        %add3A_755 = arith.constant 16 : i32
        %add3A_756 = vector.broadcast %add3A_755 : i32 to vector<16xi32>
        %add3A_757 = arith.addi %and3A_70, %add3A_756 : vector<16xi32>
        %gather3A_758 = tpu.vector_load_idx %arg7[%add3A_390, %add3A_757] : memref<1024x32xf32, #tpu.memory_space<vmem>>[vector<16xi32>, vector<16xi32>], vector<16xf32>,
        %shift_right_logical3A_759 = arith.constant 3 : i32
        %shift_right_logical3A_760 = vector.broadcast %shift_right_logical3A_759 : i32 to vector<16xi32>
        %shift_right_logical3A_761 = arith.shrui %add3A_757, %shift_right_logical3A_760 : vector<16xi32>
        %and3A_762 = arith.constant 7 : i32
        %and3A_763 = vector.broadcast %and3A_762 : i32 to vector<16xi32>
        %and3A_764 = arith.andi %add3A_757, %and3A_763 : vector<16xi32>
        %mul3A_765 = arith.constant 128 : i32
        %mul3A_766 = vector.broadcast %mul3A_765 : i32 to vector<16xi32>
        %mul3A_767 = arith.muli %and3A_764, %mul3A_766 : vector<16xi32>
        %add3A_768 = arith.addi %mul3A_767, %add3A_387 : vector<16xi32>
        tpu.vector_store_idx %arg8[%add3A_381, %shift_right_logical3A_761, %add3A_383, %add3A_768], %gather3A_758 : memref<2x4x4x1024xf32, #tpu.memory_space<vmem>>[vector<16xi32>, vector<16xi32>, vector<16xi32>, vector<16xi32>], vector<16xf32>,
        %add3A_769 = arith.constant 16 : i32
        %add3A_770 = vector.broadcast %add3A_769 : i32 to vector<16xi32>
        %add3A_771 = arith.addi %and3A_76, %add3A_770 : vector<16xi32>
        %gather3A_772 = tpu.vector_load_idx %arg7[%add3A_390, %add3A_771] : memref<1024x32xf32, #tpu.memory_space<vmem>>[vector<16xi32>, vector<16xi32>], vector<16xf32>,
        %shift_right_logical3A_773 = arith.constant 3 : i32
        %shift_right_logical3A_774 = vector.broadcast %shift_right_logical3A_773 : i32 to vector<16xi32>
        %shift_right_logical3A_775 = arith.shrui %add3A_771, %shift_right_logical3A_774 : vector<16xi32>
        %and3A_776 = arith.constant 7 : i32
        %and3A_777 = vector.broadcast %and3A_776 : i32 to vector<16xi32>
        %and3A_778 = arith.andi %add3A_771, %and3A_777 : vector<16xi32>
        %mul3A_779 = arith.constant 128 : i32
        %mul3A_780 = vector.broadcast %mul3A_779 : i32 to vector<16xi32>
        %mul3A_781 = arith.muli %and3A_778, %mul3A_780 : vector<16xi32>
        %add3A_782 = arith.addi %mul3A_781, %add3A_387 : vector<16xi32>
        tpu.vector_store_idx %arg8[%add3A_381, %shift_right_logical3A_775, %add3A_383, %add3A_782], %gather3A_772 : memref<2x4x4x1024xf32, #tpu.memory_space<vmem>>[vector<16xi32>, vector<16xi32>, vector<16xi32>, vector<16xi32>], vector<16xf32>,
        %add3A_783 = arith.constant 16 : i32
        %add3A_784 = vector.broadcast %add3A_783 : i32 to vector<16xi32>
        %add3A_785 = arith.addi %and3A_82, %add3A_784 : vector<16xi32>
        %gather3A_786 = tpu.vector_load_idx %arg7[%add3A_390, %add3A_785] : memref<1024x32xf32, #tpu.memory_space<vmem>>[vector<16xi32>, vector<16xi32>], vector<16xf32>,
        %shift_right_logical3A_787 = arith.constant 3 : i32
        %shift_right_logical3A_788 = vector.broadcast %shift_right_logical3A_787 : i32 to vector<16xi32>
        %shift_right_logical3A_789 = arith.shrui %add3A_785, %shift_right_logical3A_788 : vector<16xi32>
        %and3A_790 = arith.constant 7 : i32
        %and3A_791 = vector.broadcast %and3A_790 : i32 to vector<16xi32>
        %and3A_792 = arith.andi %add3A_785, %and3A_791 : vector<16xi32>
        %mul3A_793 = arith.constant 128 : i32
        %mul3A_794 = vector.broadcast %mul3A_793 : i32 to vector<16xi32>
        %mul3A_795 = arith.muli %and3A_792, %mul3A_794 : vector<16xi32>
        %add3A_796 = arith.addi %mul3A_795, %add3A_387 : vector<16xi32>
        tpu.vector_store_idx %arg8[%add3A_381, %shift_right_logical3A_789, %add3A_383, %add3A_796], %gather3A_786 : memref<2x4x4x1024xf32, #tpu.memory_space<vmem>>[vector<16xi32>, vector<16xi32>, vector<16xi32>, vector<16xi32>], vector<16xf32>,
        %add3A_797 = arith.constant 16 : i32
        %add3A_798 = vector.broadcast %add3A_797 : i32 to vector<16xi32>
        %add3A_799 = arith.addi %and3A_88, %add3A_798 : vector<16xi32>
        %gather3A_800 = tpu.vector_load_idx %arg7[%add3A_390, %add3A_799] : memref<1024x32xf32, #tpu.memory_space<vmem>>[vector<16xi32>, vector<16xi32>], vector<16xf32>,
        %shift_right_logical3A_801 = arith.constant 3 : i32
        %shift_right_logical3A_802 = vector.broadcast %shift_right_logical3A_801 : i32 to vector<16xi32>
        %shift_right_logical3A_803 = arith.shrui %add3A_799, %shift_right_logical3A_802 : vector<16xi32>
        %and3A_804 = arith.constant 7 : i32
        %and3A_805 = vector.broadcast %and3A_804 : i32 to vector<16xi32>
        %and3A_806 = arith.andi %add3A_799, %and3A_805 : vector<16xi32>
        %mul3A_807 = arith.constant 128 : i32
        %mul3A_808 = vector.broadcast %mul3A_807 : i32 to vector<16xi32>
        %mul3A_809 = arith.muli %and3A_806, %mul3A_808 : vector<16xi32>
        %add3A_810 = arith.addi %mul3A_809, %add3A_387 : vector<16xi32>
        tpu.vector_store_idx %arg8[%add3A_381, %shift_right_logical3A_803, %add3A_383, %add3A_810], %gather3A_800 : memref<2x4x4x1024xf32, #tpu.memory_space<vmem>>[vector<16xi32>, vector<16xi32>, vector<16xi32>, vector<16xi32>], vector<16xf32>,
        %add3A_811 = arith.constant 16 : i32
        %add3A_812 = vector.broadcast %add3A_811 : i32 to vector<16xi32>
        %add3A_813 = arith.addi %and3A_94, %add3A_812 : vector<16xi32>
        %gather3A_814 = tpu.vector_load_idx %arg7[%add3A_390, %add3A_813] : memref<1024x32xf32, #tpu.memory_space<vmem>>[vector<16xi32>, vector<16xi32>], vector<16xf32>,
        %shift_right_logical3A_815 = arith.constant 3 : i32
        %shift_right_logical3A_816 = vector.broadcast %shift_right_logical3A_815 : i32 to vector<16xi32>
        %shift_right_logical3A_817 = arith.shrui %add3A_813, %shift_right_logical3A_816 : vector<16xi32>
        %and3A_818 = arith.constant 7 : i32
        %and3A_819 = vector.broadcast %and3A_818 : i32 to vector<16xi32>
        %and3A_820 = arith.andi %add3A_813, %and3A_819 : vector<16xi32>
        %mul3A_821 = arith.constant 128 : i32
        %mul3A_822 = vector.broadcast %mul3A_821 : i32 to vector<16xi32>
        %mul3A_823 = arith.muli %and3A_820, %mul3A_822 : vector<16xi32>
        %add3A_824 = arith.addi %mul3A_823, %add3A_387 : vector<16xi32>
        tpu.vector_store_idx %arg8[%add3A_381, %shift_right_logical3A_817, %add3A_383, %add3A_824], %gather3A_814 : memref<2x4x4x1024xf32, #tpu.memory_space<vmem>>[vector<16xi32>, vector<16xi32>, vector<16xi32>, vector<16xi32>], vector<16xf32>,
        %add3A_825 = arith.constant 16 : i32
        %add3A_826 = vector.broadcast %add3A_825 : i32 to vector<16xi32>
        %add3A_827 = arith.addi %and3A_100, %add3A_826 : vector<16xi32>
        %gather3A_828 = tpu.vector_load_idx %arg7[%add3A_390, %add3A_827] : memref<1024x32xf32, #tpu.memory_space<vmem>>[vector<16xi32>, vector<16xi32>], vector<16xf32>,
        %shift_right_logical3A_829 = arith.constant 3 : i32
        %shift_right_logical3A_830 = vector.broadcast %shift_right_logical3A_829 : i32 to vector<16xi32>
        %shift_right_logical3A_831 = arith.shrui %add3A_827, %shift_right_logical3A_830 : vector<16xi32>
        %and3A_832 = arith.constant 7 : i32
        %and3A_833 = vector.broadcast %and3A_832 : i32 to vector<16xi32>
        %and3A_834 = arith.andi %add3A_827, %and3A_833 : vector<16xi32>
        %mul3A_835 = arith.constant 128 : i32
        %mul3A_836 = vector.broadcast %mul3A_835 : i32 to vector<16xi32>
        %mul3A_837 = arith.muli %and3A_834, %mul3A_836 : vector<16xi32>
        %add3A_838 = arith.addi %mul3A_837, %add3A_387 : vector<16xi32>
        tpu.vector_store_idx %arg8[%add3A_381, %shift_right_logical3A_831, %add3A_383, %add3A_838], %gather3A_828 : memref<2x4x4x1024xf32, #tpu.memory_space<vmem>>[vector<16xi32>, vector<16xi32>, vector<16xi32>, vector<16xi32>], vector<16xf32>,
      }
      %scan3A_349 = arith.constant 32 : i32
      %ge3A = arith.constant 1 : i32
      %ge3A_350 = arith.cmpi sge, %add3A_329, %ge3A : i32
      %convert_element_type3A_351 = arith.extui %ge3A_350 : i1 to i32
      %cond3A_352 = arith.constant 0 : i32
      %cond3A_353 = arith.cmpi ne, %convert_element_type3A_351, %cond3A_352 : i32
      scf.if %cond3A_353 {
        %dma_wait3A_372 = arith.constant 0 : i32
        %dma_wait3A_373 = arith.constant 0 : i32
        %dma_wait3A_374 = arith.constant 0 : i32
        %dma_wait3A_375 = arith.constant 0 : i32
        %dma_wait3A_376 = arith.constant 0 : i32
        %dma_wait3A_377 = tpu.memref_slice %arg8[%dma_wait3A_372, %dma_wait3A_374, %dma_wait3A_375, %dma_wait3A_376] : memref<2x4x4x1024xf32, #tpu.memory_space<vmem>> -> memref<1x4x4x1024xf32, #tpu.memory_space<vmem>>
        %dma_wait3A_378 = tpu.memref_squeeze %dma_wait3A_377 : memref<1x4x4x1024xf32, #tpu.memory_space<vmem>> -> memref<4x4x1024xf32, #tpu.memory_space<vmem>>
        %dma_wait3A_379 = arith.constant 0 : i32
        %dma_wait3A_380 = arith.constant 0 : i32
        %dma_wait3A_381 = arith.constant 0 : i32
        %dma_wait3A_382 = tpu.memref_slice %arg4[%dma_wait3A_373, %dma_wait3A_379, %dma_wait3A_380, %dma_wait3A_381] : memref<50x4x128x1024xf32, #tpu.memory_space<hbm>> -> memref<1x4x4x1024xf32, #tpu.memory_space<hbm>>
        %dma_wait3A_383 = tpu.memref_squeeze %dma_wait3A_382 : memref<1x4x4x1024xf32, #tpu.memory_space<hbm>> -> memref<4x4x1024xf32, #tpu.memory_space<hbm>>
        %dma_wait3A_384 = arith.constant 0 : i32
        %dma_wait3A_385 = arith.constant 0 : i32
        %dma_wait3A_386 = arith.constant 0 : i32
        %dma_wait3A_387 = tpu.memref_slice %arg4[%dma_wait3A_373, %dma_wait3A_384, %dma_wait3A_385, %dma_wait3A_386] : memref<50x4x128x1024xf32, #tpu.memory_space<hbm>> -> memref<1x4x4x1024xf32, #tpu.memory_space<hbm>>
        %dma_wait3A_388 = tpu.memref_squeeze %dma_wait3A_387 : memref<1x4x4x1024xf32, #tpu.memory_space<hbm>> -> memref<4x4x1024xf32, #tpu.memory_space<hbm>>
        %dma_wait3A_389 = arith.constant 0 : i32
        %dma_wait3A_390 = arith.constant 0 : i32
        %dma_wait3A_391 = arith.constant 0 : i32
        %dma_wait3A_392 = tpu.memref_slice %arg8[%dma_wait3A_372, %dma_wait3A_389, %dma_wait3A_390, %dma_wait3A_391] : memref<2x4x4x1024xf32, #tpu.memory_space<vmem>> -> memref<1x4x4x1024xf32, #tpu.memory_space<vmem>>
        %dma_wait3A_393 = tpu.memref_squeeze %dma_wait3A_392 : memref<1x4x4x1024xf32, #tpu.memory_space<vmem>> -> memref<4x4x1024xf32, #tpu.memory_space<vmem>>
        tpu.wait_dma2 semaphore(%arg10 : memref<!tpu.dma_semaphore, #tpu.memory_space<semaphore_mem>>) src(%dma_wait3A_393 : memref<4x4x1024xf32, #tpu.memory_space<vmem>>) dst(%dma_wait3A_388 : memref<4x4x1024xf32, #tpu.memory_space<hbm>>)
      } else {
      }
      %dma_start3A_354 = arith.constant 0 : i32
      %dma_start3A_355 = arith.constant 0 : i32
      %dma_start3A_356 = arith.constant 0 : i32
      %dma_start3A_357 = tpu.memref_slice %arg8[%rem3A_330, %dma_start3A_354, %dma_start3A_355, %dma_start3A_356] : memref<2x4x4x1024xf32, #tpu.memory_space<vmem>> -> memref<1x4x4x1024xf32, #tpu.memory_space<vmem>>
      %dma_start3A_358 = tpu.memref_squeeze %dma_start3A_357 : memref<1x4x4x1024xf32, #tpu.memory_space<vmem>> -> memref<4x4x1024xf32, #tpu.memory_space<vmem>>
      %dma_start3A_359 = arith.constant 0 : i32
      %dma_start3A_360 = arith.constant 0 : i32
      %dma_start3A_361 = tpu.memref_slice %arg4[%add3A_329, %dma_start3A_359, %mul3A_2, %dma_start3A_360] : memref<50x4x128x1024xf32, #tpu.memory_space<hbm>> -> memref<1x4x4x1024xf32, #tpu.memory_space<hbm>>
      %dma_start3A_362 = tpu.memref_squeeze %dma_start3A_361 : memref<1x4x4x1024xf32, #tpu.memory_space<hbm>> -> memref<4x4x1024xf32, #tpu.memory_space<hbm>>
      %dma_start3A_363 = arith.constant 0 : i32
      %dma_start3A_364 = arith.constant 0 : i32
      %dma_start3A_365 = tpu.memref_slice %arg4[%add3A_329, %dma_start3A_363, %mul3A_2, %dma_start3A_364] : memref<50x4x128x1024xf32, #tpu.memory_space<hbm>> -> memref<1x4x4x1024xf32, #tpu.memory_space<hbm>>
      %dma_start3A_366 = tpu.memref_squeeze %dma_start3A_365 : memref<1x4x4x1024xf32, #tpu.memory_space<hbm>> -> memref<4x4x1024xf32, #tpu.memory_space<hbm>>
      %dma_start3A_367 = arith.constant 0 : i32
      %dma_start3A_368 = arith.constant 0 : i32
      %dma_start3A_369 = arith.constant 0 : i32
      %dma_start3A_370 = tpu.memref_slice %arg8[%rem3A_330, %dma_start3A_367, %dma_start3A_368, %dma_start3A_369] : memref<2x4x4x1024xf32, #tpu.memory_space<vmem>> -> memref<1x4x4x1024xf32, #tpu.memory_space<vmem>>
      %dma_start3A_371 = tpu.memref_squeeze %dma_start3A_370 : memref<1x4x4x1024xf32, #tpu.memory_space<vmem>> -> memref<4x4x1024xf32, #tpu.memory_space<vmem>>
      tpu.enqueue_dma source(%dma_start3A_371 : memref<4x4x1024xf32, #tpu.memory_space<vmem>>) target(%dma_start3A_366 : memref<4x4x1024xf32, #tpu.memory_space<hbm>>) target_semaphore(%arg10 : memref<!tpu.dma_semaphore, #tpu.memory_space<semaphore_mem>>)
    }
    %scan3A_303 = arith.constant 50 : i32
    %dma_wait3A = arith.constant 0 : i32
    %dma_wait3A_304 = arith.constant 0 : i32
    %dma_wait3A_305 = arith.constant 0 : i32
    %dma_wait3A_306 = arith.constant 0 : i32
    %dma_wait3A_307 = arith.constant 0 : i32
    %dma_wait3A_308 = tpu.memref_slice %arg8[%dma_wait3A, %dma_wait3A_305, %dma_wait3A_306, %dma_wait3A_307] : memref<2x4x4x1024xf32, #tpu.memory_space<vmem>> -> memref<1x4x4x1024xf32, #tpu.memory_space<vmem>>
    %dma_wait3A_309 = tpu.memref_squeeze %dma_wait3A_308 : memref<1x4x4x1024xf32, #tpu.memory_space<vmem>> -> memref<4x4x1024xf32, #tpu.memory_space<vmem>>
    %dma_wait3A_310 = arith.constant 0 : i32
    %dma_wait3A_311 = arith.constant 0 : i32
    %dma_wait3A_312 = arith.constant 0 : i32
    %dma_wait3A_313 = tpu.memref_slice %arg4[%dma_wait3A_304, %dma_wait3A_310, %dma_wait3A_311, %dma_wait3A_312] : memref<50x4x128x1024xf32, #tpu.memory_space<hbm>> -> memref<1x4x4x1024xf32, #tpu.memory_space<hbm>>
    %dma_wait3A_314 = tpu.memref_squeeze %dma_wait3A_313 : memref<1x4x4x1024xf32, #tpu.memory_space<hbm>> -> memref<4x4x1024xf32, #tpu.memory_space<hbm>>
    %dma_wait3A_315 = arith.constant 0 : i32
    %dma_wait3A_316 = arith.constant 0 : i32
    %dma_wait3A_317 = arith.constant 0 : i32
    %dma_wait3A_318 = tpu.memref_slice %arg4[%dma_wait3A_304, %dma_wait3A_315, %dma_wait3A_316, %dma_wait3A_317] : memref<50x4x128x1024xf32, #tpu.memory_space<hbm>> -> memref<1x4x4x1024xf32, #tpu.memory_space<hbm>>
    %dma_wait3A_319 = tpu.memref_squeeze %dma_wait3A_318 : memref<1x4x4x1024xf32, #tpu.memory_space<hbm>> -> memref<4x4x1024xf32, #tpu.memory_space<hbm>>
    %dma_wait3A_320 = arith.constant 0 : i32
    %dma_wait3A_321 = arith.constant 0 : i32
    %dma_wait3A_322 = arith.constant 0 : i32
    %dma_wait3A_323 = tpu.memref_slice %arg8[%dma_wait3A, %dma_wait3A_320, %dma_wait3A_321, %dma_wait3A_322] : memref<2x4x4x1024xf32, #tpu.memory_space<vmem>> -> memref<1x4x4x1024xf32, #tpu.memory_space<vmem>>
    %dma_wait3A_324 = tpu.memref_squeeze %dma_wait3A_323 : memref<1x4x4x1024xf32, #tpu.memory_space<vmem>> -> memref<4x4x1024xf32, #tpu.memory_space<vmem>>
    tpu.wait_dma2 semaphore(%arg10 : memref<!tpu.dma_semaphore, #tpu.memory_space<semaphore_mem>>) src(%dma_wait3A_324 : memref<4x4x1024xf32, #tpu.memory_space<vmem>>) dst(%dma_wait3A_319 : memref<4x4x1024xf32, #tpu.memory_space<hbm>>)
    return
  }
}

</mosaic_0001>

<sc_bundles>
// kernel: kernel.3.cloned.1.call-start
scs
__scs_entry_jumppad:
0x0: {  	(pc) =	sbr.rel $0x88, $3  }
0x1: {  	(tag) =	ssettag $0x0;
	lr =	simm.s32 $0x1  }
0x2: {  	[smem:$0x3F9F] =	sst lr;
	_ =	strace $0xD0000000  }
0x3: {  	_ = 	snop  }
0x4: {  	_ = 	snop  }
0x5: {  	_ = 	snop  }
0x6: {  	_ = 	snop  }
0x7: {  	_ = 	snop  }
__scs_overlays_trampoline_lowered:
0x8: {  	[smem:$0x3FAE] =	sst s0  }
0x9: {  	[smem:$0x3FAF] =	sst s1  }
0xa: {  	[smem:$0x3FB0] =	sst s2  }
0xb: {  	[smem:$0x3FB1] =	sst s3  }
0xc: {  	[smem:$0x3FB2] =	sst s4  }
0xd: {  	[smem:$0x3FB3] =	sst s5  }
0xe: {  	[smem:$0x3FB4] =	sst s6  }
0xf: {  	[smem:$0x3FB5] =	sst s7  }
0x10: {  	[smem:$0x3FB6] =	sst s8  }
0x11: {  	[smem:$0x3FB7] =	sst s9;
	s0 =	simm.s32 @!p0 $0x0  }
0x12: {  	s1 =	sld [smem:$0x3F9D];
	s0 =	simm.s32 @p0 $0x1  }
0x13: {  	[smem:$0x3FB8] =	sst s0;
	s0 =	simm.s32 @!p1 $0x0  }
0x14: {  	s2 =	sld [smem:$0x3F9C];
	s0 =	simm.s32 @p1 $0x1  }
0x15: {  	[smem:$0x3FB9] =	sst s0;
	s0 =	simm.s32 @!p2 $0x0  }
0x16: {  	s3 =	sld [smem:$0x3FDB];
	s0 =	simm.s32 @p2 $0x1  }
0x17: {  	s4 =	simm.s32 $0x1BF5;
	[smem:$0x3FBB] =	sst s0  }
0x18: {  	s0 =	sld [smem:$0x3F9E];
	_ =	swait.ge [sflag:s4], $0x0  }
0x19: {  	s7 =	sld [smem:$0x3F9F]  }
0x1a: {  	s8 =	sadd.s32 $0xFFFFE003, lr  }
0x1b: {  	s9 =	sadd.s32 $0xFFFFFEF7, lr;
	s5 =	simm.s32 $0xFFFFFFFF;
	p2 =	slt.u32 s8, $0xFFFFF086  }
0x1c: {  	p1 =	slt.u32 s9, $0xF7A;
	s5 =	simm.s32 @!p2 $0x0  }
0x1d: {  	s5 =	simm.s32 @p1 $0x1;
	p0 =	seq.s32 s7, s2  }
0x1e: {  	s7 =	smul.u32 @!p0 $0xF7A, s2;
	p2 =	seq.s32 @!p0 s5, $0x0  }
0x1f: {  	s9 =	smul.u32 $0xF7A, s1;
	s8 =	simm.s32 @!p0 $0x1BF5;
	p2 =	por !p2, p0  }
0x20: {  	[sflag:s8] =	ssyncset.s32 @!p0 $0xFFFFF086;
	s6 =	sadd.s32 @!p0 s3, s7;
	s7 =	simm.s32 @!p0 $0x108  }
0x21: {  	s3 =	sadd.s32 s3, s9;
	s6 =	sadd.s32 @!p0 $0x88, s6;
	s7 =	simm.s32 @p2 $0x1082  }
0x22: {  	[simem:s7], [sflag:s8] =	dma.local @!p0 [hbm:s6], $0xF7A  }
0x23: {  	s9 =	sor.u32 $0xD0000000, s2;
	s6 =	simm.s32 $0x108;
	_ =	swait.ge @!p0 [sflag:s8], $0x0  }
0x24: {  	s3 =	sadd.s32 $0x88, s3;
	s6 =	simm.s32 @!p1 $0x1082;
	[sflag:s4] =	ssyncset.s32 $0xFFFFF086  }
0x25: {  	[simem:s6], [sflag:s4] =	dma.local [hbm:s3], $0xF7A  }
0x26: {  	[smem:$0x3F9F] =	sst s1;
	(tag) =	ssettag s2;
	_ =	strace s9  }
0x27: {  	s1 =	sld [smem:$0x3FAF]  }
0x28: {  	s2 =	sld [smem:$0x3FB0]  }
0x29: {  	s4 =	sld [smem:$0x3FB2]  }
0x2a: {  	p0 =	seq.s32 s5, $0x0;
	s5 =	sld [smem:$0x3FB3]  }
0x2b: {  	s6 =	sld [smem:$0x3FB4]  }
0x2c: {  	s7 =	sld [smem:$0x3FB5]  }
0x2d: {  	s3 =	simm.s32 $0x108;
	s8 =	sld [smem:$0x3FB6]  }
0x2e: {  	s3 =	simm.s32 @!p0 $0x1082;
	s9 =	sld [smem:$0x3FB7]  }
0x2f: {  	lr =	sadd.s32 s0, s3;
	s0 =	sld [smem:$0x3FAE]  }
0x30: {  	s3 =	sld [smem:$0x3FB1]  }
0x31: {  	[smem:$0x3FBA] =	sst s10  }
0x32: {  	s10 =	sld [smem:$0x3FB8];
	_ =	sdelay $0x3  }
0x33: {  	p0 =	seq.s32 s10, $0x1;
	s10 =	sld [smem:$0x3FBA];
	_ =	sdelay $0x3  }
0x34: {  	[smem:$0x3FBA] =	sst s10  }
0x35: {  	s10 =	sld [smem:$0x3FB9];
	_ =	sdelay $0x3  }
0x36: {  	p1 =	seq.s32 s10, $0x1;
	s10 =	sld [smem:$0x3FBA];
	_ =	sdelay $0x3  }
0x37: {  	[smem:$0x3FBA] =	sst s10  }
0x38: {  	s10 =	sld [smem:$0x3FBB]  }
0x39: {  	_ = 	snop;
	(pc) =	sbr.ind lr, $3  }
0x3a: {  	_ = 	snop  }
0x3b: {  	_ = 	snop  }
0x3c: {  	p2 =	seq.s32 s10, $0x1;
	s10 =	sld [smem:$0x3FBA]  }
0x3d: {  	_ =	shalt  }
0x3e: {  	_ =	shalt  }
0x3f: {  	_ =	shalt  }
0x40: {  	_ =	shalt  }
0x41: {  	_ =	shalt  }
0x42: {  	_ =	shalt  }
0x43: {  	_ =	shalt  }
0x44: {  	_ =	shalt  }
0x45: {  	_ =	shalt  }
0x46: {  	_ =	shalt  }
0x47: {  	_ =	shalt  }
0x48: {  	_ =	shalt  }
0x49: {  	_ =	shalt  }
0x4a: {  	_ =	shalt  }
0x4b: {  	_ =	shalt  }
0x4c: {  	_ =	shalt  }
0x4d: {  	_ =	shalt  }
0x4e: {  	_ =	shalt  }
0x4f: {  	_ =	shalt  }
0x50: {  	_ =	shalt  }
0x51: {  	_ =	shalt  }
0x52: {  	_ =	shalt  }
0x53: {  	_ =	shalt  }
0x54: {  	_ =	shalt  }
0x55: {  	_ =	shalt  }
0x56: {  	_ =	shalt  }
0x57: {  	_ =	shalt  }
0x58: {  	_ =	shalt  }
0x59: {  	_ =	shalt  }
0x5a: {  	_ =	shalt  }
0x5b: {  	_ =	shalt  }
0x5c: {  	_ =	shalt  }
0x5d: {  	_ =	shalt  }
0x5e: {  	_ =	shalt  }
0x5f: {  	_ =	shalt  }
0x60: {  	_ =	shalt  }
0x61: {  	_ =	shalt  }
0x62: {  	_ =	shalt  }
0x63: {  	_ =	shalt  }
0x64: {  	_ =	shalt  }
0x65: {  	_ =	shalt  }
0x66: {  	_ =	shalt  }
0x67: {  	_ =	shalt  }
0x68: {  	_ =	shalt  }
0x69: {  	_ =	shalt  }
0x6a: {  	_ =	shalt  }
0x6b: {  	_ =	shalt  }
0x6c: {  	_ =	shalt  }
0x6d: {  	_ =	shalt  }
0x6e: {  	_ =	shalt  }
0x6f: {  	_ =	shalt  }
0x70: {  	_ =	shalt  }
0x71: {  	_ =	shalt  }
0x72: {  	_ =	shalt  }
0x73: {  	_ =	shalt  }
0x74: {  	_ =	shalt  }
0x75: {  	_ =	shalt  }
0x76: {  	_ =	shalt  }
0x77: {  	_ =	shalt  }
0x78: {  	_ =	shalt  }
0x79: {  	_ =	shalt  }
0x7a: {  	_ =	shalt  }
0x7b: {  	_ =	shalt  }
0x7c: {  	_ =	shalt  }
0x7d: {  	_ =	shalt  }
0x7e: {  	_ =	shalt  }
0x7f: {  	_ =	shalt  }
0x80: {  	_ =	shalt  }
0x81: {  	_ =	shalt  }
0x82: {  	_ =	shalt  }
0x83: {  	_ =	shalt  }
0x84: {  	_ =	shalt  }
0x85: {  	_ =	shalt  }
0x86: {  	_ =	shalt  }
0x87: {  	_ =	shalt  }
.Lfunc_end0:
.L_simem_size_0:
called_computation_lowered:
.L_overlay_start_0:
0x88: {  	s2 =	sld [smem:$0x3FD9]  }
0x89: {  	s3 =	sld [smem:$0x3FFE];
	_ =	sdelay $0x1  }
0x8a: {  	s1 =	srdreg.scid  }
0x8b: {  	s0 =	sand.u32 $0x1, s1  }
0x8c: {  	s17 =	sshll.u32 s0, $0xA;
	s2 =	sadd.s32 s3, s2  }
0x8d: {  	s2 =	sadd.s32 s2, s17  }
0x8e: {  	[smem:$0x3FC6] =	sst s2  }
0x8f: {  	_ = 	snop  }
0x90: {  	s2 =	sld [smem:$0x3FD0];
	(tm) =	ssettm $0x1  }
0x91: {  	s18 =	sld [smem:$0x3FFB];
	_ =	sdelay $0x3  }
0x92: {  	_ =	strace s18  }
0x93: {  	s3 =	sld [smem:$0x3FFC];
	_ =	sdelay $0x3  }
0x94: {  	_ =	strace s3  }
0x95: {  	s3 =	sld [smem:$0x3FFD];
	_ =	sdelay $0x3  }
0x96: {  	_ =	strace s3  }
0x97: {  	_ =	strace $0x8FFFFFFF  }
0x98: {  	s19 =	sld [smem:$0x3FDB];
	_ =	sdelay $0x1  }
0x99: {  	s4 =	simm.s32 $_scs_section_size  }
0x9a: {  	s5 =	simm.s32 $_size__tile_overlayer_lowered;
	s6 =	simm.s32 $_tile_overlayer_lowered  }
0x9b: {  	s22 =	simm.s32 $0x1BFF;
	s21 =	sshll.u32 s6, $0x1;
	s3 =	sadd.s32 s4, s19  }
0x9c: {  	s7 =	simm.s32 $0x0;
	s20 =	sshll.u32 s5, $0x1;
	s5 =	sadd.s32 s21, s3  }
0x9d: {  	[timem:s7], [sflag:s22] =	dma.local [hbm:s5], s20  }
0x9e: {  	_ =	swait.ge [sflag:s22], s20  }
0x9f: {  	s4 =	ssub.s32 $0x0, s20;
	[sflag:s22] =	ssyncset.done $0x0  }
0xa0: {  	[sflag:s22] =	ssyncadd.s32 s4;
	_ =	sdelay $0x1  }
0xa1: {  	s23 =	simm.s32 $0x1B8B  }
0xa2: {  	_ =	swait.ge [sflag:s23], $0x1  }
0xa3: {  	[sflag:s23] =	ssyncset.done $0x0  }
0xa4: {  	s25 =	simm.s32 $0x1B8E;
	s24 =	sld [smem:$0x3FFE];
	[sflag:s23] =	ssyncadd.s32 $0xFFFFFFFF  }
0xa5: {  	s26 =	simm.s32 $execute0_lowered;
	[smem:$0x3FD2] =	sst s25  }
0xa6: {  	s5 =	sshll.u32 s26, $0x1;
	_ =	strace $0x80000046;
	[dreg:$0x1] =	wrdreg $0xFFFFFFFF  }
0xa7: {  	s28 =	simm.s32 $_size_execute0_lowered;
	s3 =	sadd.s32 s3, s5;
	[dreg:$0x0] =	wrdreg $0x0  }
0xa8: {  	s5 =	sshll.u32 s28, $0x1;
	[dreg:$0x2] =	wrdreg s3  }
0xa9: {  	[dreg:$0x3] =	wrdreg s5  }
0xaa: {  	[dreg:$0x4] =	wrdreg $0xC0  }
0xab: {  	_ =	task [dreg:s7], $0x5FFFF  }
0xac: {  	[dreg:$0x1] =	wrdreg $0xFFFFFFFF  }
0xad: {  	[dreg:$0x0] =	wrdreg $0x60  }
0xae: {  	[dreg:$0x2] =	wrdreg s24  }
0xaf: {  	[dreg:$0x3] =	wrdreg s2  }
0xb0: {  	[dreg:$0x4] =	wrdreg $0x9  }
0xb1: {  	_ =	task.clear_ibuf [dreg:s7], $0x5FFFF;
	_ =	strace $0x90000046  }
0xb2: {  	s29 =	simm.s32 $0x9;
	_ =	strace $0x80000048  }
0xb3: {  	_ =	swait.ge [sflag:s29], $0x1  }
0xb4: {  	[sflag:s29] =	ssyncadd.s32 $0xFFFFFFFF  }
0xb5: {  	_ =	strace $0x90000048  }
0xb6: {  	_ =	sfence  }
0xb7: {  	s30 =	sld [smem:$0x0];
	_ =	sdelay $0x2  }
0xb8: {  	s31 =	sshll.u32 s1, $0xD;
	s1 =	sshrl.u32 s1, $0x2  }
0xb9: {  	s3 =	sand.u32 $0x4000, s31;
	s1 =	sadd.s32 s1, s30  }
0xba: {  	s0 =	sor.u32 s3, s0;
	s1 =	sshll.u32 s1, $0x11  }
0xbb: {  	s0 =	sor.u32 s1, s0  }
0xbc: {  	s0 =	sadd.s32 $0x8F2B, s0  }
0xbd: {  	[sflag:s0] =	ssyncadd.remote.s32 $0x1  }
0xbe: {  	_ =	sfence.sel $0xFFFF  }
0xbf: {  	[dreg:$0x0] =	wrdreg $0xFFFFFFFF;
	(pc) =	sbr.abs _section_cstart, $3  }
0xc0: {  	[dreg:$0x1] =	wrdreg $0xFFFFFFFF  }
0xc1: {  	_ =	task.clear_ibuf [dreg:s7], $0x2FFFF;
	_ =	strace $0x9FFFFFFF  }
0xc2: {  	(tm) =	ssettm $0x7FFFFFFF  }
0xc3: {  	_ =	shalt  }
tec
execute0_lowered:
.L_overlay_start_1:
0x0: {  	(tag) =	ssettag $0x1  }
0x1: {  	v0 =	vimm.s32 $0x76543210;
	v13 =	vlaneseq.u32;
	vm0 =	vcmask $0x1F00  }
0x2: {  	v52 =	vimm.s32 $0x543210;
	vm1 =	vcmask $0x2724;
	v2 =	vimm.s32 $0x6543210  }
0x3: {  	vm2 =	vcmask $0x2B28;
	vm3 =	vcmask $0x2F2C;
	vm4 =	vcmask $0x1700  }
0x4: {  	vm5 =	vcmask $0x1B00;
	vm6 =	vcmask $0x3330;
	vm7 =	vcmask $0x3734  }
0x5: {  	vm8 =	vcmask $0x3B38;
	v54 =	vimm.s32 $0x7060500;
	vm14 =	vcmask $0x1F14  }
0x6: {  	vm9 =	vcmask $0x1310;
	v57 =	vimm.s32 $0x20100;
	vm10 =	vcmask $0xF0C  }
0x7: {  	v58 =	vimm.s32 $0x43210;
	vm11 =	vcmask $0xB08;
	vm13 =	vcmask $0xB00  }
0x8: {  	vm12 =	vcmask $0x704;
	v3 =	vimm.s32 $0x1000;
	v6 =	vimm.s32 $0x1007  }
0x9: {  	v7 =	vimm.s32 $0x76543200;
	v8 =	vimm.s32 $0x3060504;
	vm15 =	vcmask $0x3B2C  }
0xa: {  	v62 =	vimm.s32 $0x7060504;
	v28 =	vimm.s32 $0x3020100;
	v30 =	vimm.s32 $0x0  }
0xb: {  	v42 =	vimm.s32 $0x3007;
	v43 =	vimm.s32 $0x388;
	v14 =	vmul.u32 $0x32, v13  }
0xc: {  	v46 =	vimm.s32 $0x8;
	v0 =	vunpack.c.l.s4.s8 v0;
	v2 =	vunpack.c.l.s4.s8 v2  }
0xd: {  	v56 =	vunpack.c.0.s8.s32 v54;
	v3 =	vsel vm12, $0x1001, v3;
	v1 =	vadd.s32 $0xC80, v14  }
0xe: {  	v7 =	vunpack.c.l.s4.s8 v7;
	v8 =	vunpack.c.0.s8.s32 v8;
	[tilespmem:$0x1FAD0] =	vst v1;
	v1 =	vunpack.c.l.s4.s8 v52  }
0xf: {  	v4 =	vsel vm11, $0x1002, v3;
	v15 =	vunpack.c.0.s8.s32 v0;
	v48 =	vadd.s32 $0x320, v14  }
0x10: {  	v49 =	vadd.s32 $0x640, v14;
	v50 =	vadd.s32 $0x960, v14;
	v1 =	vunpack.c.0.s8.s32 v1  }
0x11: {  	v2 =	vunpack.c.0.s8.s32 v2;
	v4 =	vsel vm10, $0x1003, v4;
	v7 =	vunpack.c.0.s8.s32 v7  }
0x12: {  	v5 =	vsel vm9, $0x1004, v4;
	v1 =	vnsel vm4, $0x7, v1;
	vm4 =	vcmask $0x1B18  }
0x13: {  	v2 =	vnsel vm5, $0x7, v2;
	vm5 =	vcmask $0x1F1C;
	v1 =	vsel vm4, $0x1006, v1  }
0x14: {  	v51 =	vnsel vm0, $0x1007, v15;
	vm0 =	vcmask $0x2320;
	v1 =	vsel vm5, $0x1007, v1  }
0x15: {  	v0 =	vsel vm0, $0x1000, v51;
	v2 =	vsel vm5, $0x1007, v2;
	v1 =	vsel vm0, $0x1000, v1  }
0x16: {  	v0 =	vsel vm1, $0x1001, v0;
	v2 =	vsel vm0, $0x1000, v2;
	v1 =	vsel vm1, $0x1001, v1  }
0x17: {  	v0 =	vsel vm2, $0x1002, v0;
	v2 =	vsel vm1, $0x1001, v2;
	v1 =	vsel vm2, $0x1002, v1  }
0x18: {  	v0 =	vsel vm3, $0x1003, v0;
	v2 =	vsel vm2, $0x1002, v2;
	v1 =	vsel vm3, $0x1003, v1  }
0x19: {  	v0 =	vsel vm6, $0x1004, v0;
	v2 =	vsel vm3, $0x1003, v2;
	v1 =	vsel vm6, $0x1004, v1  }
0x1a: {  	[tilespmem:$0x1FAA0] =	vst v48;
	v0 =	vsel vm7, $0x1005, v0;
	v53 =	vsel vm6, $0x1004, v2;
	v1 =	vsel vm7, $0x1005, v1  }
0x1b: {  	[tilespmem:$0x1FAB0] =	vst v49;
	v0 =	vsel vm8, $0x1006, v0;
	v55 =	vsel vm8, $0x6, v1;
	v1 =	vunpack.c.0.s8.s32 v57  }
0x1c: {  	v48 =	vimm.s32 $0xFEDCBA9;
	v49 =	vimm.s32 $0x88;
	[tilespmem:$0x1FAE0] =	vst v0;
	v0 =	vsel vm7, $0x1005, v53  }
0x1d: {  	[tilespmem:$0x1FAC0] =	vst v50;
	v50 =	vimm.s32 $0x87654321;
	v0 =	vsel vm8, $0x1006, v0;
	v1 =	vnsel vm13, $0x7, v1  }
0x1e: {  	v2 =	vunpack.c.l.s4.s8 v58;
	[tilespmem:$0x1FAF0] =	vst v0;
	v0 =	vsel vm14, v56, v5;
	v1 =	vsel vm10, $0x1003, v1  }
0x1f: {  	vm14 =	vcmask $0x300;
	vm13 =	vcmask $0x1714;
	v1 =	vsel vm9, $0x1004, v1  }
0x20: {  	v2 =	vunpack.c.0.s8.s32 v2;
	v6 =	vsel vm14, $0x1000, v6;
	v1 =	vsel vm13, $0x1005, v1  }
0x21: {  	v53 =	vimm.s32 $0x108;
	v9 =	vsel vm12, $0x1001, v6;
	v1 =	vsel vm4, $0x1006, v1  }
0x22: {  	v56 =	vimm.s32 $0x10FEDCBA;
	v10 =	vsel vm11, $0x1002, v9;
	v1 =	vsel vm5, $0x1007, v1  }
0x23: {  	v44 =	vsel vm14, $0x2000, v42;
	v11 =	vsel vm10, $0x1003, v10;
	v1 =	vsel vm0, $0x1000, v1  }
0x24: {  	v2 =	vsel vm13, $0x1005, v2;
	v59 =	vsel vm9, $0x1004, v11;
	v1 =	vsel vm1, $0x1001, v1  }
0x25: {  	v2 =	vsel vm4, $0x1006, v2;
	v60 =	vsel vm13, $0x1005, v59;
	v1 =	vsel vm2, $0x1002, v1  }
0x26: {  	v2 =	vsel vm5, $0x1007, v2;
	v1 =	vsel vm15, v8, v1;
	vm15 =	vcmask $0x1F08  }
0x27: {  	v12 =	vsel vm4, $0x1006, v60;
	v3 =	vsel vm15, v7, v3;
	vm15 =	vcmask $0x1F04  }
0x28: {  	v0 =	vcombine.low v2, v0;
	v8 =	vnsel vm15, $0x1000, v15;
	vm15 =	vcmask $0x3B1C  }
0x29: {  	v57 =	vimm.s32 $0x98765432;
	v61 =	vsel vm15, v15, v12;
	vm15 =	vcmask $0x3718  }
0x2a: {  	v5 =	vsel vm13, $0x1005, v5;
	[tilespmem:$0x1FB20] =	vst v0;
	v63 =	vsel vm15, v15, v60;
	vm15 =	vcmask $0x3314  }
0x2b: {  	v0 =	vunpack.c.0.s8.s32 v62;
	[tilespmem:$0x1FB10] =	vst v1;
	v1 =	vsel vm15, v15, v59;
	vm15 =	vcmask $0x2F10  }
0x2c: {  	v7 =	vunpack.c.0.s8.s32 v28;
	v11 =	vsel vm15, v15, v11;
	vm15 =	vcmask $0x2B0C  }
0x2d: {  	v12 =	vimm.s32 $0x100;
	v10 =	vsel vm15, v15, v10;
	vm15 =	vcmask $0x2708  }
0x2e: {  	v29 =	vsel vm9, $0x1004, v7;
	v9 =	vsel vm15, v15, v9;
	vm15 =	vcmask $0x2304  }
0x2f: {  	v12 =	vunpack.c.0.s8.s32 v12;
	v6 =	vsel vm15, v15, v6;
	vm15 =	vcmask $0x1F10  }
0x30: {  	v5 =	vsel vm4, $0x1006, v5;
	v0 =	vsel vm15, v0, v4;
	v4 =	vsel vm13, $0x1005, v29  }
0x31: {  	v34 =	vsel vm5, $0x1007, v5;
	v12 =	vsel vm11, $0x1002, v12;
	v4 =	vsel vm4, $0x1006, v4  }
0x32: {  	v7 =	vsel vm12, $0x1001, v30;
	v12 =	vsel vm10, $0x1003, v12;
	v4 =	vsel vm5, $0x1007, v4  }
0x33: {  	v7 =	vsel vm11, $0x1002, v7;
	v12 =	vsel vm9, $0x1004, v12;
	v0 =	vcombine.low v4, v0  }
0x34: {  	[tilespmem:$0x1FB00] =	vst v55;
	v35 =	vcombine.low v34, v15;
	v7 =	vsel vm10, $0x1003, v7;
	v31 =	vsel vm13, $0x1005, v12  }
0x35: {  	v55 =	vsel vm14, $0x180, v53;
	v32 =	vsel vm9, $0x1004, v7;
	[tilespmem:$0x1FB40] =	vst v0;
	v0 =	vsel vm4, $0x1006, v31  }
0x36: {  	[tilespmem:$0x1FB80] =	vst v35;
	v35 =	vimm.s32 $0x43210FED;
	v4 =	vsel vm13, $0x1005, v32;
	v0 =	vsel vm5, $0x1007, v0  }
0x37: {  	v30 =	vimm.s32 $0x3210FEDC;
	v4 =	vsel vm4, $0x1006, v4;
	v0 =	vcombine.low v0, v3  }
0x38: {  	[tilespmem:$0x1FB30] =	vst v61;
	v61 =	vimm.s32 $0x15141312;
	v37 =	vsel vm8, $0x1006, v63;
	v33 =	vsel vm5, $0x1007, v4  }
0x39: {  	v59 =	vimm.s32 $0x188;
	v62 =	vunpack.c.0.s8.s32 v61;
	[tilespmem:$0x1FB50] =	vst v0;
	v0 =	vcombine.low v33, v8  }
0x3a: {  	v36 =	vsel vm7, $0x1005, v1;
	v5 =	vsel vm14, $0x200, v59;
	v7 =	vimm.s32 $0xA9876543  }
0x3b: {  	v39 =	vsel vm6, $0x1004, v11;
	v38 =	vsel vm3, $0x1003, v10;
	[tilespmem:$0x1FB60] =	vst v0;
	v0 =	vsel vm8, $0x1006, v36  }
0x3c: {  	v1 =	vsel vm7, $0x1005, v39;
	v40 =	vsel vm2, $0x1002, v9;
	[tilespmem:$0x1FBA0] =	vst v0;
	v0 =	vsel vm6, $0x1004, v38  }
0x3d: {  	v1 =	vsel vm8, $0x1006, v1;
	v2 =	vsel vm3, $0x1003, v40;
	v0 =	vsel vm7, $0x1005, v0  }
0x3e: {  	[tilespmem:$0x1FBB0] =	vst v1;
	v1 =	vsel vm14, $0x0, v43;
	v41 =	vsel vm6, $0x1004, v2;
	v0 =	vsel vm8, $0x1006, v0  }
0x3f: {  	v45 =	vsel vm1, $0x1001, v6;
	v6 =	vimm.s32 $0x210FEDCB;
	[tilespmem:$0x1FBC0] =	vst v0;
	v0 =	vsel vm7, $0x1005, v41  }
0x40: {  	v1 =	vsel vm12, $0x80, v1;
	v2 =	vsel vm2, $0x1002, v45;
	v0 =	vsel vm8, $0x1006, v0  }
0x41: {  	v45 =	vimm.s32 $0xDCBA9876;
	v1 =	vsel vm11, $0x100, v1;
	[tilespmem:$0x1FBD0] =	vst v0;
	v0 =	vsel vm12, $0x2001, v44  }
0x42: {  	v2 =	vsel vm3, $0x1003, v2;
	v1 =	vsel vm10, $0x180, v1;
	v0 =	vsel vm11, $0x2002, v0  }
0x43: {  	v2 =	vsel vm6, $0x1004, v2;
	v32 =	vimm.s32 $0xBA987654;
	v0 =	vsel vm10, $0x2003, v0  }
0x44: {  	v1 =	vsel vm9, $0x200, v1;
	v2 =	vsel vm7, $0x1005, v2;
	v0 =	vsel vm9, $0x2004, v0  }
0x45: {  	v1 =	vsel vm13, $0x280, v1;
	v2 =	vsel vm8, $0x1006, v2;
	v0 =	vsel vm13, $0x2005, v0  }
0x46: {  	[tilespmem:$0x1FBE0] =	vst v2;
	v1 =	vsel vm4, $0x300, v1;
	v2 =	vsel vm14, $0x80, v46;
	v0 =	vsel vm4, $0x2006, v0  }
0x47: {  	v1 =	vsel vm5, $0x380, v1;
	v2 =	vsel vm12, $0x100, v2;
	v0 =	vsel vm5, $0x2007, v0  }
0x48: {  	v3 =	vunpack.c.l.s4.s8 v50;
	v1 =	vsel vm0, $0x8, v1;
	v0 =	vsel vm0, $0x3000, v0  }
0x49: {  	v2 =	vsel vm11, $0x180, v2;
	v1 =	vsel vm1, $0x88, v1;
	v0 =	vsel vm1, $0x3001, v0  }
0x4a: {  	v2 =	vsel vm10, $0x200, v2;
	v52 =	vunpack.c.0.s8.s32 v3;
	v0 =	vsel vm2, $0x3002, v0  }
0x4b: {  	v1 =	vsel vm2, $0x108, v1;
	v2 =	vsel vm9, $0x280, v2;
	v0 =	vsel vm3, $0x3003, v0  }
0x4c: {  	v1 =	vsel vm3, $0x188, v1;
	v2 =	vsel vm13, $0x300, v2;
	v0 =	vsel vm6, $0x3004, v0  }
0x4d: {  	v1 =	vsel vm6, $0x208, v1;
	v47 =	vsel vm4, $0x380, v2;
	v0 =	vsel vm7, $0x3005, v0  }
0x4e: {  	[tilespmem:$0x1FB70] =	vst v15;
	v2 =	vsel vm14, $0x100, v49;
	v1 =	vsel vm7, $0x288, v1;
	v0 =	vsel vm8, $0x3006, v0  }
0x4f: {  	v15 =	vsel vm8, $0x308, v1;
	v1 =	vunpack.c.l.s4.s8 v48;
	[tilespmem:$0x1FBF0] =	vst v0;
	v0 =	vsel vm5, $0x0, v47  }
0x50: {  	v3 =	vunpack.c.l.s4.s8 v57;
	v2 =	vsel vm12, $0x180, v2;
	v0 =	vsel vm0, $0x88, v0  }
0x51: {  	v2 =	vsel vm11, $0x200, v2;
	v1 =	vunpack.c.0.s8.s32 v1;
	v0 =	vsel vm1, $0x108, v0  }
0x52: {  	v31 =	vimm.s32 $0x208;
	v51 =	vsel vm10, $0x280, v2;
	v0 =	vsel vm2, $0x188, v0  }
0x53: {  	v58 =	vunpack.c.0.s8.s32 v3;
	[tilespmem:$0x1FC00] =	vst v1;
	v1 =	vsel vm9, $0x300, v51;
	v0 =	vsel vm3, $0x208, v0  }
0x54: {  	v3 =	vunpack.c.l.s4.s8 v7;
	v1 =	vsel vm13, $0x380, v1;
	v0 =	vsel vm6, $0x288, v0  }
0x55: {  	v54 =	vsel vm4, $0x0, v1;
	v1 =	vsel vm12, $0x200, v55;
	v0 =	vsel vm7, $0x308, v0  }
0x56: {  	v1 =	vsel vm11, $0x280, v1;
	v9 =	vsel vm8, $0x388, v0;
	v0 =	vsel vm5, $0x80, v54  }
0x57: {  	v2 =	vunpack.c.l.s4.s8 v56;
	v1 =	vsel vm10, $0x300, v1;
	v0 =	vsel vm0, $0x108, v0  }
0x58: {  	v36 =	vunpack.c.l.s4.s8 v35;
	v1 =	vsel vm9, $0x380, v1;
	v0 =	vsel vm1, $0x188, v0  }
0x59: {  	v2 =	vunpack.c.0.s8.s32 v2;
	v1 =	vsel vm13, $0x0, v1;
	v0 =	vsel vm2, $0x208, v0  }
0x5a: {  	v35 =	vadd.s32 $0xFA0, v14;
	v1 =	vsel vm4, $0x80, v1;
	v0 =	vsel vm3, $0x288, v0  }
0x5b: {  	[tilespmem:$0x1FC20] =	vst v2;
	v2 =	vunpack.c.l.s4.s8 v6;
	v1 =	vsel vm5, $0x100, v1;
	v0 =	vsel vm6, $0x308, v0  }
0x5c: {  	v4 =	vsel vm0, $0x188, v1;
	v1 =	vsel vm12, $0x280, v5;
	v0 =	vsel vm7, $0x388, v0  }
0x5d: {  	v1 =	vsel vm11, $0x300, v1;
	v60 =	vsel vm8, $0x8, v0;
	v0 =	vsel vm1, $0x208, v4  }
0x5e: {  	v2 =	vunpack.c.0.s8.s32 v2;
	v1 =	vsel vm10, $0x380, v1;
	v0 =	vsel vm2, $0x288, v0  }
0x5f: {  	v28 =	vunpack.c.0.s8.s32 v3;
	v1 =	vsel vm9, $0x0, v1;
	v0 =	vsel vm3, $0x308, v0  }
0x60: {  	[tilespmem:$0x1FC40] =	vst v2;
	v2 =	vsel vm14, $0x280, v31;
	v1 =	vsel vm13, $0x80, v1;
	v0 =	vsel vm6, $0x388, v0  }
0x61: {  	v29 =	vsel vm4, $0x100, v1;
	v1 =	vunpack.c.l.s4.s8 v30;
	v0 =	vsel vm7, $0x8, v0  }
0x62: {  	v2 =	vsel vm12, $0x300, v2;
	v19 =	vsel vm8, $0x88, v0;
	v0 =	vsel vm5, $0x180, v29  }
0x63: {  	v2 =	vsel vm11, $0x380, v2;
	v1 =	vunpack.c.0.s8.s32 v1;
	v0 =	vsel vm0, $0x208, v0  }
0x64: {  	v3 =	vunpack.c.l.s4.s8 v32;
	v33 =	vsel vm10, $0x0, v2;
	v0 =	vsel vm1, $0x288, v0  }
0x65: {  	v38 =	vimm.s32 $0x288;
	[tilespmem:$0x1FC60] =	vst v1;
	v1 =	vsel vm9, $0x80, v33;
	v0 =	vsel vm2, $0x308, v0  }
0x66: {  	v34 =	vunpack.c.0.s8.s32 v3;
	v1 =	vsel vm13, $0x100, v1;
	v0 =	vsel vm3, $0x388, v0  }
0x67: {  	v3 =	vsel vm14, $0x300, v38;
	v1 =	vsel vm4, $0x180, v1;
	v0 =	vsel vm6, $0x8, v0  }
0x68: {  	v40 =	vsel vm12, $0x380, v3;
	v1 =	vsel vm5, $0x200, v1;
	v0 =	vsel vm7, $0x88, v0  }
0x69: {  	[tilespmem:$0x1FB90] =	vst v37;
	v1 =	vsel vm0, $0x288, v1;
	v20 =	vsel vm8, $0x108, v0;
	v0 =	vunpack.c.0.s8.s32 v36  }
0x6a: {  	[tilespmem:$0x1FD50] =	vst v62;
	v48 =	vimm.s32 $0xFEDCBA98;
	v39 =	vsel vm1, $0x308, v1;
	v1 =	vsel vm11, $0x0, v40  }
0x6b: {  	v56 =	vimm.s32 $0x18171615;
	v1 =	vsel vm10, $0x80, v1;
	[tilespmem:$0x1FC80] =	vst v0;
	v0 =	vsel vm2, $0x388, v39  }
0x6c: {  	[tilespmem:$0x1FC10] =	vst v52;
	v3 =	vunpack.c.l.s4.s8 v45;
	v1 =	vsel vm9, $0x100, v1;
	v0 =	vsel vm3, $0x8, v0  }
0x6d: {  	[tilespmem:$0x1FDF0] =	vst v35;
	v38 =	vadd.s32 $0x1900, v14;
	v1 =	vsel vm13, $0x180, v1;
	v0 =	vsel vm6, $0x88, v0  }
0x6e: {  	[tilespmem:$0x1FC30] =	vst v58;
	v46 =	vunpack.c.0.s8.s32 v3;
	v42 =	vsel vm4, $0x200, v1;
	v0 =	vsel vm7, $0x108, v0  }
0x6f: {  	[tilespmem:$0x1FC50] =	vst v28;
	v3 =	vunpack.c.l.s4.s8 v48;
	v22 =	vsel vm8, $0x188, v0;
	v0 =	vsel vm5, $0x280, v42  }
0x70: {  	v37 =	vimm.s32 $0xCBA98765;
	v57 =	vunpack.c.0.s8.s32 v56;
	[tilespmem:$0x1FE20] =	vst v38;
	v0 =	vsel vm0, $0x308, v0  }
0x71: {  	v49 =	vimm.s32 $0xEDCBA987;
	[tilespmem:$0x1FC70] =	vst v34;
	v51 =	vunpack.c.0.s8.s32 v3;
	v0 =	vsel vm1, $0x388, v0  }
0x72: {  	v50 =	vunpack.c.l.s4.s8 v49;
	[tilespmem:$0x1FD20] =	vst v57;
	v2 =	vunpack.c.l.s4.s8 v37;
	v0 =	vsel vm2, $0x8, v0  }
0x73: {  	[tilespmem:$0x1FCB0] =	vst v46;
	v53 =	vand.u32 $0xF, v51;
	v37 =	vadd.s32 $0x15E0, v14;
	v0 =	vsel vm3, $0x88, v0  }
0x74: {  	[tilespmem:$0x1FCE0] =	vst v53;
	v5 =	vimm.s32 $0x1211101F;
	v2 =	vunpack.c.0.s8.s32 v2;
	v0 =	vsel vm6, $0x108, v0  }
0x75: {  	[tilespmem:$0x1FE10] =	vst v37;
	v6 =	vunpack.c.0.s8.s32 v5;
	v0 =	vsel vm7, $0x188, v0  }
0x76: {  	v41 =	vimm.s32 $0x308;
	[tilespmem:$0x1FC90] =	vst v2;
	v23 =	vsel vm8, $0x208, v0;
	v0 =	vunpack.c.0.s8.s32 v50  }
0x77: {  	v52 =	vimm.s32 $0x1C1B1A19;
	v44 =	vimm.s32 $0x543210FE;
	v2 =	vsel vm14, $0x380, v41;
	[tilespmem:$0x1FD80] =	vst v6  }
0x78: {  	v41 =	vadd.s32 $0x2260, v14;
	v2 =	vsel vm12, $0x0, v2;
	[tilespmem:$0x1FCD0] =	vst v0;
	v0 =	vunpack.c.0.s8.s32 v52  }
0x79: {  	[tilespmem:$0x1FE50] =	vst v41;
	v43 =	vsel vm11, $0x80, v2;
	v2 =	vunpack.c.l.s4.s8 v44;
	v54 =	vimm.s32 $0x101F1E1D  }
0x7a: {  	v44 =	vadd.s32 $0x2BC0, v14;
	[tilespmem:$0x1FCF0] =	vst v0;
	v0 =	vunpack.c.0.s8.s32 v54  }
0x7b: {  	v55 =	vimm.s32 $0x14131211;
	[tilespmem:$0x1FE80] =	vst v44;
	v2 =	vunpack.c.0.s8.s32 v2  }
0x7c: {  	v47 =	vimm.s32 $0x6543210F;
	v33 =	vimm.s32 $0x1B1A1918;
	[tilespmem:$0x1FD00] =	vst v0;
	v0 =	vunpack.c.0.s8.s32 v55  }
0x7d: {  	v58 =	vimm.s32 $0x1D1C1B1A;
	[tilespmem:$0x1FCA0] =	vst v2;
	v2 =	vunpack.c.l.s4.s8 v47;
	v34 =	vunpack.c.0.s8.s32 v33  }
0x7e: {  	[tilespmem:$0x1FD10] =	vst v0;
	v0 =	vunpack.c.0.s8.s32 v58  }
0x7f: {  	v59 =	vimm.s32 $0x11101F1E;
	v2 =	vunpack.c.0.s8.s32 v2;
	[tilespmem:$0x1FDE0] =	vst v34  }
0x80: {  	[tilespmem:$0x1FD30] =	vst v0;
	v0 =	vunpack.c.0.s8.s32 v59  }
0x81: {  	v63 =	vimm.s32 $0x19181716;
	[tilespmem:$0x1FCC0] =	vst v2  }
0x82: {  	v40 =	vadd.s32 $0x1F40, v14;
	[tilespmem:$0x1FD40] =	vst v0;
	v0 =	vunpack.c.0.s8.s32 v63  }
0x83: {  	[tilespmem:$0x1FE40] =	vst v40;
	v1 =	vsel vm10, $0x100, v43;
	v4 =	vimm.s32 $0x1E1D1C1B  }
0x84: {  	v43 =	vadd.s32 $0x28A0, v14;
	v29 =	vimm.s32 $0x1F1E1D1C;
	[tilespmem:$0x1FD60] =	vst v0;
	v0 =	vunpack.c.0.s8.s32 v4  }
0x85: {  	v7 =	vimm.s32 $0x16151413;
	[tilespmem:$0x1FE70] =	vst v43;
	v30 =	vunpack.c.0.s8.s32 v29  }
0x86: {  	[tilespmem:$0x1FD70] =	vst v0;
	v0 =	vunpack.c.0.s8.s32 v7  }
0x87: {  	v28 =	vimm.s32 $0x1A191817;
	[tilespmem:$0x1FDB0] =	vst v30  }
0x88: {  	v36 =	vadd.s32 $0x12C0, v14;
	[tilespmem:$0x1FD90] =	vst v0;
	v0 =	vunpack.c.0.s8.s32 v28  }
0x89: {  	v31 =	vimm.s32 $0x13121110;
	[tilespmem:$0x1FE00] =	vst v36  }
0x8a: {  	v39 =	vadd.s32 $0x1C20, v14;
	[tilespmem:$0x1FDA0] =	vst v0;
	v0 =	vunpack.c.0.s8.s32 v31  }
0x8b: {  	v32 =	vimm.s32 $0x17161514;
	[tilespmem:$0x1FE30] =	vst v39  }
0x8c: {  	s3 =	rddreg [dreg:$0x0];
	v42 =	vadd.s32 $0x2580, v14;
	[tilespmem:$0x1FDC0] =	vst v0;
	v0 =	vunpack.c.0.s8.s32 v32  }
0x8d: {  	s5 =	rddreg [dreg:$0x1];
	s2 =	simm.s32 $0x0;
	[tilespmem:$0x1FE60] =	vst v42  }
0x8e: {  	s1 =	srdreg.scid;
	[smem:$0x7FF] =	sst s2;
	v45 =	vadd.s32 $0x2EE0, v14;
	[tilespmem:$0x1FDD0] =	vst v0  }
0x8f: {  	s4 =	sand.u32 $0x1, s1;
	s1 =	rddreg [dreg:$0x2];
	v46 =	vadd.s32 $0x3200, v14;
	_ =	strace $0x80000047;
	[tilespmem:$0x1FE90] =	vst v45  }
0x90: {  	v47 =	vadd.s32 $0x3520, v14;
	[tilespmem:$0x1FEA0] =	vst v46  }
0x91: {  	v48 =	vadd.s32 $0x3840, v14;
	[tilespmem:$0x1FEB0] =	vst v47  }
0x92: {  	v49 =	vadd.s32 $0x3B60, v14;
	[tilespmem:$0x1FEC0] =	vst v48  }
0x93: {  	v50 =	vadd.s32 $0x3E80, v14;
	[tilespmem:$0x1FED0] =	vst v49  }
0x94: {  	v51 =	vadd.s32 $0x41A0, v14;
	[tilespmem:$0x1FEE0] =	vst v50  }
0x95: {  	v52 =	vadd.s32 $0x44C0, v14;
	[tilespmem:$0x1FEF0] =	vst v51  }
0x96: {  	v53 =	vadd.s32 $0x47E0, v14;
	[tilespmem:$0x1FF00] =	vst v52  }
0x97: {  	v1 =	vsel vm9, $0x180, v1;
	v54 =	vadd.s32 $0x4B00, v14;
	[tilespmem:$0x1FF10] =	vst v53  }
0x98: {  	v1 =	vsel vm13, $0x200, v1;
	v55 =	vadd.s32 $0x4E20, v14;
	[tilespmem:$0x1FF20] =	vst v54  }
0x99: {  	v57 =	vadd.s32 $0x5140, v14;
	v1 =	vsel vm4, $0x280, v1;
	[tilespmem:$0x1FF30] =	vst v55  }
0x9a: {  	v1 =	vsel vm5, $0x300, v1;
	v58 =	vadd.s32 $0x5460, v14;
	[tilespmem:$0x1FF40] =	vst v57  }
0x9b: {  	v1 =	vsel vm0, $0x388, v1;
	v59 =	vadd.s32 $0x5780, v14;
	[tilespmem:$0x1FF50] =	vst v58  }
0x9c: {  	v61 =	vadd.s32 $0x5AA0, v14;
	v56 =	vimm.s32 $0x2007;
	v1 =	vsel vm1, $0x8, v1;
	[tilespmem:$0x1FF60] =	vst v59  }
0x9d: {  	v1 =	vsel vm2, $0x88, v1;
	v0 =	vsel vm14, $0x2000, v56;
	[tilespmem:$0x1FF70] =	vst v61  }
0x9e: {  	s0 =	stileid.u32;
	s9 =	simm.s32 $0x6400;
	v62 =	vadd.s32 $0x5DC0, v14;
	v1 =	vsel vm3, $0x108, v1;
	[tilespmem:$0x1FF80] =	vst v0  }
0x9f: {  	s10 =	simm.s32 $0x6800;
	s11 =	simm.s32 $0x1;
	s12 =	simm.s32 $0xE800;
	v1 =	vsel vm6, $0x188, v1;
	[tilespmem:$0x1FF90] =	vst v62  }
0xa0: {  	s13 =	simm.s32 $0x1000;
	s14 =	simm.s32 $0x20000;
	s6 =	sshll.u32 s0, $0x1;
	v1 =	vsel vm7, $0x208, v1;
	v63 =	vadd.s32 $0x60E0, v14;
	[tilespmem:$0x1FFA0] =	vst v14  }
0xa1: {  	s15 =	simm.s32 $0x2;
	s6 =	sor.u32 s4, s6;
	s4 =	ssub.s32 $0x2, s4;
	v24 =	vsel vm8, $0x288, v1;
	[tilespmem:$0x1FFB0] =	vst v63  }
0xa2: {  	s7 =	smul.u32 $0xC80, s6;
	s8 =	sshrl.u32 s4, $0x1;
	s6 =	sshll.u32 s6, $0x9;
	[tilespmem:$0x1FFE0] =	vst v24  }
0xa3: {  	s16 =	simm.s32 $0x0;
	s8 =	ssub.s32 s4, s8;
	s5 =	sadd.s32 s5, s6;
	v0 =	vsel vm12, $0x2001, v0;
	[tilespmem:$0x1FFF0] =	vst v9  }
0xa4: {  	s7 =	sadd.s32 s7, s3;
	s3 =	sadd.s32 $0xF42A00, s3;
	s6 =	smax.u32 s8, $0x1;
	[tilespmem:$0x1FFC0] =	vst v0;
	v0 =	vsel vm11, $0x2002, v0  }
0xa5: {  	s8 =	simm.s32 $0x200;
	s4 =	sadd.s32 $0x600, s7;
	s7 =	simm.s32 $0x3;
	[tilespmem:$0x1FFD0] =	vst v0  }
.LBB2_1:
0xa6: {  	[tilespmem:s2], [sflag:$0x3] =	stream.linear.gather [hbm4b:s4+s2], $0x6400, $0x38;
	[tilespmem:$0x16800] =	vst v63  }
0xa7: {  	_ =	swait.ge [sflag:s7], $0x6400  }
0xa8: {  	v0 =	vld [tilespmem:$0x1FFA0];
	_ =	sdelay $0x5  }
0xa9: {  	[sflag:s7] =	ssyncset.done $0x0;
	v32 =	vld [tilespmem:$0x1FAA0]  }
0xaa: {  	[sflag:s7] =	ssyncadd.s32 $0xFFFF9C00  }
0xab: {  	v0 =	vld.idx.msk [tilespmem:v0+s2+$0x0], $0xffff;
	_ =	sdelay $0x3  }
0xac: {  	v33 =	vld [tilespmem:$0x1FAB0]  }
0xad: {  	[tilespmem:$0x6400] =	vst v0  }
0xae: {  	v0 =	vld.idx.msk [tilespmem:v32+s2+$0x0], $0xffff;
	_ =	sdelay $0x3  }
0xaf: {  	v34 =	vld [tilespmem:$0x1FAC0]  }
0xb0: {  	[tilespmem:$0x6410] =	vst v0  }
0xb1: {  	v0 =	vld.idx.msk [tilespmem:v33+s2+$0x0], $0xffff;
	_ =	sdelay $0x3  }
0xb2: {  	v35 =	vld [tilespmem:$0x1FAD0]  }
0xb3: {  	[tilespmem:$0x6420] =	vst v0  }
0xb4: {  	v0 =	vld.idx.msk [tilespmem:v34+s2+$0x0], $0xffff;
	_ =	sdelay $0x3  }
0xb5: {  	v36 =	vld [tilespmem:$0x1FDF0]  }
0xb6: {  	[tilespmem:$0x6430] =	vst v0  }
0xb7: {  	v0 =	vld.idx.msk [tilespmem:v35+s2+$0x0], $0xffff;
	_ =	sdelay $0x3  }
0xb8: {  	v37 =	vld [tilespmem:$0x1FE00]  }
0xb9: {  	[tilespmem:$0x6440] =	vst v0  }
0xba: {  	v0 =	vld.idx.msk [tilespmem:v36+s2+$0x0], $0xffff;
	_ =	sdelay $0x3  }
0xbb: {  	v38 =	vld [tilespmem:$0x1FE10]  }
0xbc: {  	[tilespmem:$0x6450] =	vst v0  }
0xbd: {  	v0 =	vld.idx.msk [tilespmem:v37+s2+$0x0], $0xffff;
	_ =	sdelay $0x3  }
0xbe: {  	v39 =	vld [tilespmem:$0x1FE20]  }
0xbf: {  	[tilespmem:$0x6460] =	vst v0  }
0xc0: {  	v0 =	vld.idx.msk [tilespmem:v38+s2+$0x0], $0xffff;
	_ =	sdelay $0x3  }
0xc1: {  	v40 =	vld [tilespmem:$0x1FE30]  }
0xc2: {  	[tilespmem:$0x6470] =	vst v0  }
0xc3: {  	v0 =	vld.idx.msk [tilespmem:v39+s2+$0x0], $0xffff;
	_ =	sdelay $0x3  }
0xc4: {  	v41 =	vld [tilespmem:$0x1FE40]  }
0xc5: {  	[tilespmem:$0x6480] =	vst v0  }
0xc6: {  	v0 =	vld.idx.msk [tilespmem:v40+s2+$0x0], $0xffff;
	_ =	sdelay $0x3  }
0xc7: {  	v42 =	vld [tilespmem:$0x1FE50]  }
0xc8: {  	[tilespmem:$0x6490] =	vst v0  }
0xc9: {  	v0 =	vld.idx.msk [tilespmem:v41+s2+$0x0], $0xffff;
	_ =	sdelay $0x3  }
0xca: {  	v43 =	vld [tilespmem:$0x1FE60]  }
0xcb: {  	[tilespmem:$0x64A0] =	vst v0  }
0xcc: {  	v0 =	vld.idx.msk [tilespmem:v42+s2+$0x0], $0xffff;
	_ =	sdelay $0x3  }
0xcd: {  	v44 =	vld [tilespmem:$0x1FE70]  }
0xce: {  	[tilespmem:$0x64B0] =	vst v0  }
0xcf: {  	v0 =	vld.idx.msk [tilespmem:v43+s2+$0x0], $0xffff;
	_ =	sdelay $0x3  }
0xd0: {  	v45 =	vld [tilespmem:$0x1FE80]  }
0xd1: {  	[tilespmem:$0x64C0] =	vst v0  }
0xd2: {  	v0 =	vld.idx.msk [tilespmem:v44+s2+$0x0], $0xffff;
	_ =	sdelay $0x3  }
0xd3: {  	v46 =	vld [tilespmem:$0x1FE90]  }
0xd4: {  	[tilespmem:$0x64D0] =	vst v0  }
0xd5: {  	v0 =	vld.idx.msk [tilespmem:v45+s2+$0x0], $0xffff;
	_ =	sdelay $0x3  }
0xd6: {  	v47 =	vld [tilespmem:$0x1FEA0]  }
0xd7: {  	[tilespmem:$0x64E0] =	vst v0  }
0xd8: {  	v0 =	vld.idx.msk [tilespmem:v46+s2+$0x0], $0xffff;
	_ =	sdelay $0x3  }
0xd9: {  	v48 =	vld [tilespmem:$0x1FEB0]  }
0xda: {  	[tilespmem:$0x64F0] =	vst v0  }
0xdb: {  	v0 =	vld.idx.msk [tilespmem:v47+s2+$0x0], $0xffff;
	_ =	sdelay $0x3  }
0xdc: {  	v49 =	vld [tilespmem:$0x1FEC0]  }
0xdd: {  	[tilespmem:$0x6500] =	vst v0  }
0xde: {  	v0 =	vld.idx.msk [tilespmem:v48+s2+$0x0], $0xffff;
	_ =	sdelay $0x3  }
0xdf: {  	v50 =	vld [tilespmem:$0x1FED0]  }
0xe0: {  	[tilespmem:$0x6510] =	vst v0  }
0xe1: {  	v0 =	vld.idx.msk [tilespmem:v49+s2+$0x0], $0xffff;
	_ =	sdelay $0x3  }
0xe2: {  	v51 =	vld [tilespmem:$0x1FEE0]  }
0xe3: {  	[tilespmem:$0x6520] =	vst v0  }
0xe4: {  	v0 =	vld.idx.msk [tilespmem:v50+s2+$0x0], $0xffff;
	_ =	sdelay $0x3  }
0xe5: {  	v52 =	vld [tilespmem:$0x1FEF0]  }
0xe6: {  	[tilespmem:$0x6530] =	vst v0  }
0xe7: {  	v0 =	vld.idx.msk [tilespmem:v51+s2+$0x0], $0xffff;
	_ =	sdelay $0x3  }
0xe8: {  	v53 =	vld [tilespmem:$0x1FF00]  }
0xe9: {  	[tilespmem:$0x6540] =	vst v0  }
0xea: {  	v0 =	vld.idx.msk [tilespmem:v52+s2+$0x0], $0xffff;
	_ =	sdelay $0x3  }
0xeb: {  	v54 =	vld [tilespmem:$0x1FF10]  }
0xec: {  	[tilespmem:$0x6550] =	vst v0  }
0xed: {  	v0 =	vld.idx.msk [tilespmem:v53+s2+$0x0], $0xffff;
	_ =	sdelay $0x3  }
0xee: {  	v55 =	vld [tilespmem:$0x1FF20]  }
0xef: {  	[tilespmem:$0x6560] =	vst v0  }
0xf0: {  	v0 =	vld.idx.msk [tilespmem:v54+s2+$0x0], $0xffff;
	_ =	sdelay $0x3  }
0xf1: {  	v56 =	vld [tilespmem:$0x1FF30]  }
0xf2: {  	[tilespmem:$0x6570] =	vst v0  }
0xf3: {  	v0 =	vld.idx.msk [tilespmem:v55+s2+$0x0], $0xffff;
	_ =	sdelay $0x3  }
0xf4: {  	v57 =	vld [tilespmem:$0x1FF40]  }
0xf5: {  	[tilespmem:$0x6580] =	vst v0  }
0xf6: {  	v0 =	vld.idx.msk [tilespmem:v56+s2+$0x0], $0xffff;
	_ =	sdelay $0x3  }
0xf7: {  	v58 =	vld [tilespmem:$0x1FF50]  }
0xf8: {  	[tilespmem:$0x6590] =	vst v0  }
0xf9: {  	v0 =	vld.idx.msk [tilespmem:v57+s2+$0x0], $0xffff;
	_ =	sdelay $0x3  }
0xfa: {  	v59 =	vld [tilespmem:$0x1FF60]  }
0xfb: {  	[tilespmem:$0x65A0] =	vst v0  }
0xfc: {  	v0 =	vld.idx.msk [tilespmem:v58+s2+$0x0], $0xffff;
	_ =	sdelay $0x3  }
0xfd: {  	v61 =	vld [tilespmem:$0x1FF70]  }
0xfe: {  	[tilespmem:$0x65B0] =	vst v0  }
0xff: {  	v0 =	vld.idx.msk [tilespmem:v59+s2+$0x0], $0xffff;
	_ =	sdelay $0x3  }
0x100: {  	v62 =	vld [tilespmem:$0x1FF90]  }
0x101: {  	[tilespmem:$0x65C0] =	vst v0  }
0x102: {  	v0 =	vld.idx.msk [tilespmem:v61+s2+$0x0], $0xffff;
	_ =	sdelay $0x3  }
0x103: {  	v63 =	vld [tilespmem:$0x1FFB0]  }
0x104: {  	[tilespmem:$0x65D0] =	vst v0  }
0x105: {  	v0 =	vld.idx.msk [tilespmem:v62+s2+$0x0], $0xffff;
	_ =	sdelay $0x4  }
0x106: {  	[tilespmem:$0x65E0] =	vst v0  }
0x107: {  	v0 =	vld.idx.msk [tilespmem:v63+s2+$0x0], $0xffff;
	_ =	sdelay $0x4  }
0x108: {  	p0 =	por $0x0, $0x0;
	s17 =	simm.s32 $0x0;
	[tilespmem:$0x65F0] =	vst v0  }
0x109: {  	[tilespmem:s10], [sflag:$0x1] =	stream.indirect.gather [hbm4b:s3+s8], $0x20, s9, s8, $0xb8;
	[tilespmem:$0x16800] =	vst v63  }
.LBB2_2:
0x10a: {  	p1 =	seq.s32 s17, $0x31  }
.Ltmp0:
0x10b: {  	_ = 	snop;
	(pc) =	sbr.rel @p1 .LBB2_4-.Ltmp0, $4  }
0x10c: {  	_ = 	snop  }
0x10d: {  	_ =	swait.ge [sflag:s11], $0x4000  }
0x10e: {  	[sflag:s11] =	ssyncset.done $0x0  }
0x10f: {  	s19 =	sand.u32 $0x1, s17;
	s18 =	sadd.s32 $0x1, s17;
	[sflag:s11] =	ssyncadd.s32 $0xFFFFC000  }
0x110: {  	v2 =	vld [tilespmem:$0x1FFA0];
	_ =	sdelay $0x4  }
0x111: {  	v0 =	vadd.s32 s18, v2;
	_ =	sdelay $0x4  }
0x112: {  	s20 =	sadd.s32 $0x321, s17;
	v0 =	vld.idx.msk [tilespmem:v0+s2+$0x0], $0xffff  }
0x113: {  	v1 =	vadd.s32 s20, v2;
	_ =	sdelay $0x1  }
0x114: {  	s21 =	sshll.u32 s19, $0x9  }
0x115: {  	s20 =	ssub.s32 $0x6600, s21  }
0x116: {  	[tilespmem:s20+$0x0] =	vst v0  }
0x117: {  	s22 =	sadd.s32 $0x641, s17;
	v0 =	vld.idx.msk [tilespmem:v1+s2+$0x0], $0xffff  }
0x118: {  	v33 =	vadd.s32 s22, v2;
	_ =	sdelay $0x2  }
0x119: {  	s26 =	ssub.s32 $0x6610, s21  }
0x11a: {  	[tilespmem:s26+$0x0] =	vst v0  }
0x11b: {  	s28 =	sadd.s32 $0x961, s17;
	v0 =	vld.idx.msk [tilespmem:v33+s2+$0x0], $0xffff  }
0x11c: {  	v34 =	vadd.s32 s28, v2;
	_ =	sdelay $0x2  }
0x11d: {  	s29 =	ssub.s32 $0x6620, s21  }
0x11e: {  	[tilespmem:s29+$0x0] =	vst v0  }
0x11f: {  	s30 =	sadd.s32 $0xC81, s17;
	v0 =	vld.idx.msk [tilespmem:v34+s2+$0x0], $0xffff  }
0x120: {  	v35 =	vadd.s32 s30, v2;
	_ =	sdelay $0x2  }
0x121: {  	s31 =	ssub.s32 $0x6630, s21  }
0x122: {  	[tilespmem:s31+$0x0] =	vst v0  }
0x123: {  	s23 =	sadd.s32 $0xFA1, s17;
	v0 =	vld.idx.msk [tilespmem:v35+s2+$0x0], $0xffff  }
0x124: {  	v36 =	vadd.s32 s23, v2;
	_ =	sdelay $0x2  }
0x125: {  	s24 =	ssub.s32 $0x6640, s21  }
0x126: {  	[tilespmem:s24+$0x0] =	vst v0  }
0x127: {  	s25 =	sadd.s32 $0x12C1, s17;
	v0 =	vld.idx.msk [tilespmem:v36+s2+$0x0], $0xffff  }
0x128: {  	v37 =	vadd.s32 s25, v2;
	_ =	sdelay $0x2  }
0x129: {  	s26 =	ssub.s32 $0x6650, s21  }
0x12a: {  	[tilespmem:s26+$0x0] =	vst v0  }
0x12b: {  	s28 =	sadd.s32 $0x15E1, s17;
	v0 =	vld.idx.msk [tilespmem:v37+s2+$0x0], $0xffff  }
0x12c: {  	v38 =	vadd.s32 s28, v2;
	_ =	sdelay $0x2  }
0x12d: {  	s29 =	ssub.s32 $0x6660, s21  }
0x12e: {  	[tilespmem:s29+$0x0] =	vst v0  }
0x12f: {  	s30 =	sadd.s32 $0x1901, s17;
	v0 =	vld.idx.msk [tilespmem:v38+s2+$0x0], $0xffff  }
0x130: {  	v39 =	vadd.s32 s30, v2;
	_ =	sdelay $0x2  }
0x131: {  	s31 =	ssub.s32 $0x6670, s21  }
0x132: {  	[tilespmem:s31+$0x0] =	vst v0  }
0x133: {  	s23 =	sadd.s32 $0x1C21, s17;
	v0 =	vld.idx.msk [tilespmem:v39+s2+$0x0], $0xffff  }
0x134: {  	v40 =	vadd.s32 s23, v2;
	_ =	sdelay $0x2  }
0x135: {  	s24 =	ssub.s32 $0x6680, s21  }
0x136: {  	[tilespmem:s24+$0x0] =	vst v0  }
0x137: {  	s25 =	sadd.s32 $0x1F41, s17;
	v0 =	vld.idx.msk [tilespmem:v40+s2+$0x0], $0xffff  }
0x138: {  	v41 =	vadd.s32 s25, v2;
	_ =	sdelay $0x2  }
0x139: {  	s26 =	ssub.s32 $0x6690, s21  }
0x13a: {  	[tilespmem:s26+$0x0] =	vst v0  }
0x13b: {  	s28 =	sadd.s32 $0x2261, s17;
	v0 =	vld.idx.msk [tilespmem:v41+s2+$0x0], $0xffff  }
0x13c: {  	v42 =	vadd.s32 s28, v2;
	_ =	sdelay $0x2  }
0x13d: {  	s29 =	ssub.s32 $0x66A0, s21  }
0x13e: {  	[tilespmem:s29+$0x0] =	vst v0  }
0x13f: {  	s30 =	sadd.s32 $0x2581, s17;
	v0 =	vld.idx.msk [tilespmem:v42+s2+$0x0], $0xffff  }
0x140: {  	v43 =	vadd.s32 s30, v2;
	_ =	sdelay $0x2  }
0x141: {  	s31 =	ssub.s32 $0x66B0, s21  }
0x142: {  	[tilespmem:s31+$0x0] =	vst v0  }
0x143: {  	s23 =	sadd.s32 $0x28A1, s17;
	v0 =	vld.idx.msk [tilespmem:v43+s2+$0x0], $0xffff  }
0x144: {  	v44 =	vadd.s32 s23, v2;
	_ =	sdelay $0x2  }
0x145: {  	s24 =	ssub.s32 $0x66C0, s21  }
0x146: {  	[tilespmem:s24+$0x0] =	vst v0  }
0x147: {  	s25 =	sadd.s32 $0x2BC1, s17;
	v0 =	vld.idx.msk [tilespmem:v44+s2+$0x0], $0xffff  }
0x148: {  	v45 =	vadd.s32 s25, v2;
	_ =	sdelay $0x2  }
0x149: {  	s26 =	ssub.s32 $0x66D0, s21  }
0x14a: {  	[tilespmem:s26+$0x0] =	vst v0  }
0x14b: {  	s28 =	sadd.s32 $0x2EE1, s17;
	v0 =	vld.idx.msk [tilespmem:v45+s2+$0x0], $0xffff  }
0x14c: {  	v46 =	vadd.s32 s28, v2;
	_ =	sdelay $0x2  }
0x14d: {  	s29 =	ssub.s32 $0x66E0, s21  }
0x14e: {  	[tilespmem:s29+$0x0] =	vst v0  }
0x14f: {  	s30 =	sadd.s32 $0x3201, s17;
	v0 =	vld.idx.msk [tilespmem:v46+s2+$0x0], $0xffff  }
0x150: {  	v47 =	vadd.s32 s30, v2;
	_ =	sdelay $0x2  }
0x151: {  	s31 =	ssub.s32 $0x66F0, s21  }
0x152: {  	[tilespmem:s31+$0x0] =	vst v0  }
0x153: {  	s23 =	sadd.s32 $0x3521, s17;
	v0 =	vld.idx.msk [tilespmem:v47+s2+$0x0], $0xffff  }
0x154: {  	v48 =	vadd.s32 s23, v2;
	_ =	sdelay $0x2  }
0x155: {  	s24 =	ssub.s32 $0x6700, s21  }
0x156: {  	[tilespmem:s24+$0x0] =	vst v0  }
0x157: {  	s25 =	sadd.s32 $0x3841, s17;
	v0 =	vld.idx.msk [tilespmem:v48+s2+$0x0], $0xffff  }
0x158: {  	v49 =	vadd.s32 s25, v2;
	_ =	sdelay $0x2  }
0x159: {  	s26 =	ssub.s32 $0x6710, s21  }
0x15a: {  	[tilespmem:s26+$0x0] =	vst v0  }
0x15b: {  	s28 =	sadd.s32 $0x3B61, s17;
	v0 =	vld.idx.msk [tilespmem:v49+s2+$0x0], $0xffff  }
0x15c: {  	v50 =	vadd.s32 s28, v2;
	_ =	sdelay $0x2  }
0x15d: {  	s29 =	ssub.s32 $0x6720, s21  }
0x15e: {  	[tilespmem:s29+$0x0] =	vst v0  }
0x15f: {  	s30 =	sadd.s32 $0x3E81, s17;
	v0 =	vld.idx.msk [tilespmem:v50+s2+$0x0], $0xffff  }
0x160: {  	v51 =	vadd.s32 s30, v2;
	_ =	sdelay $0x2  }
0x161: {  	s31 =	ssub.s32 $0x6730, s21  }
0x162: {  	[tilespmem:s31+$0x0] =	vst v0  }
0x163: {  	s23 =	sadd.s32 $0x41A1, s17;
	v0 =	vld.idx.msk [tilespmem:v51+s2+$0x0], $0xffff  }
0x164: {  	v52 =	vadd.s32 s23, v2;
	_ =	sdelay $0x2  }
0x165: {  	s24 =	ssub.s32 $0x6740, s21  }
0x166: {  	[tilespmem:s24+$0x0] =	vst v0  }
0x167: {  	s25 =	sadd.s32 $0x44C1, s17;
	v0 =	vld.idx.msk [tilespmem:v52+s2+$0x0], $0xffff  }
0x168: {  	v53 =	vadd.s32 s25, v2;
	_ =	sdelay $0x2  }
0x169: {  	s26 =	ssub.s32 $0x6750, s21  }
0x16a: {  	[tilespmem:s26+$0x0] =	vst v0  }
0x16b: {  	s28 =	sadd.s32 $0x47E1, s17;
	v0 =	vld.idx.msk [tilespmem:v53+s2+$0x0], $0xffff  }
0x16c: {  	v54 =	vadd.s32 s28, v2;
	_ =	sdelay $0x2  }
0x16d: {  	s29 =	ssub.s32 $0x6760, s21  }
0x16e: {  	[tilespmem:s29+$0x0] =	vst v0  }
0x16f: {  	s30 =	sadd.s32 $0x4B01, s17;
	v0 =	vld.idx.msk [tilespmem:v54+s2+$0x0], $0xffff  }
0x170: {  	v55 =	vadd.s32 s30, v2;
	_ =	sdelay $0x2  }
0x171: {  	s31 =	ssub.s32 $0x6770, s21  }
0x172: {  	[tilespmem:s31+$0x0] =	vst v0  }
0x173: {  	s23 =	sadd.s32 $0x4E21, s17;
	v0 =	vld.idx.msk [tilespmem:v55+s2+$0x0], $0xffff  }
0x174: {  	v56 =	vadd.s32 s23, v2;
	_ =	sdelay $0x2  }
0x175: {  	s24 =	ssub.s32 $0x6780, s21  }
0x176: {  	[tilespmem:s24+$0x0] =	vst v0  }
0x177: {  	s25 =	sadd.s32 $0x5141, s17;
	v0 =	vld.idx.msk [tilespmem:v56+s2+$0x0], $0xffff  }
0x178: {  	v57 =	vadd.s32 s25, v2;
	_ =	sdelay $0x2  }
0x179: {  	s26 =	ssub.s32 $0x6790, s21  }
0x17a: {  	[tilespmem:s26+$0x0] =	vst v0  }
0x17b: {  	s28 =	sadd.s32 $0x5461, s17;
	v0 =	vld.idx.msk [tilespmem:v57+s2+$0x0], $0xffff  }
0x17c: {  	v58 =	vadd.s32 s28, v2;
	_ =	sdelay $0x2  }
0x17d: {  	s29 =	ssub.s32 $0x67A0, s21  }
0x17e: {  	[tilespmem:s29+$0x0] =	vst v0  }
0x17f: {  	s30 =	sadd.s32 $0x5781, s17;
	v0 =	vld.idx.msk [tilespmem:v58+s2+$0x0], $0xffff  }
0x180: {  	v59 =	vadd.s32 s30, v2;
	_ =	sdelay $0x2  }
0x181: {  	s31 =	ssub.s32 $0x67B0, s21  }
0x182: {  	[tilespmem:s31+$0x0] =	vst v0  }
0x183: {  	s23 =	sadd.s32 $0x5AA1, s17;
	v0 =	vld.idx.msk [tilespmem:v59+s2+$0x0], $0xffff  }
0x184: {  	v61 =	vadd.s32 s23, v2;
	_ =	sdelay $0x2  }
0x185: {  	s24 =	ssub.s32 $0x67C0, s21  }
0x186: {  	[tilespmem:s24+$0x0] =	vst v0  }
0x187: {  	s25 =	sadd.s32 $0x5DC1, s17;
	v0 =	vld.idx.msk [tilespmem:v61+s2+$0x0], $0xffff  }
0x188: {  	v62 =	vadd.s32 s25, v2;
	_ =	sdelay $0x2  }
0x189: {  	s26 =	ssub.s32 $0x67D0, s21  }
0x18a: {  	[tilespmem:s26+$0x0] =	vst v0  }
0x18b: {  	s28 =	sadd.s32 $0x60E1, s17;
	v0 =	vld.idx.msk [tilespmem:v62+s2+$0x0], $0xffff  }
0x18c: {  	v63 =	vadd.s32 s28, v2;
	_ =	sdelay $0x2  }
0x18d: {  	s29 =	ssub.s32 $0x67E0, s21  }
0x18e: {  	[tilespmem:s29+$0x0] =	vst v0  }
0x18f: {  	v0 =	vld.idx.msk [tilespmem:v63+s2+$0x0], $0xffff;
	_ =	sdelay $0x2  }
0x190: {  	s30 =	ssub.s32 $0x200, s21  }
0x191: {  	s22 =	sshll.u32 s30, $0x5;
	s21 =	ssub.s32 $0x67F0, s21  }
0x192: {  	s31 =	sadd.s32 $0x6800, s22;
	[tilespmem:s21+$0x0] =	vst v0  }
0x193: {  	[tilespmem:s31], [sflag:$0x1] =	stream.indirect.gather [hbm4b:s3+s8], $0x20, s20, s8, $0xb8;
	[tilespmem:$0x16800] =	vst v63  }
.LBB2_4:
0x194: {  	s20 =	simm.s32 $0x1  }
0x195: {  	s20 =	simm.s32 @!p0 $0x0  }
0x196: {  	s20 =	sshll.u32 s20, $0x9  }
0x197: {  	s21 =	sadd.s32 $0x0, s20  }
0x198: {  	v1 =	vmul.u32 $0x20, v13;
	v7 =	vld [tilespmem:$0x1FC00];
	v0 =	vmov s21  }
0x199: {  	v8 =	vld [tilespmem:$0x1FC10];
	v0 =	vshll.u32 v0, $0x5  }
0x19a: {  	[tilespmem:$0x1F8C0] =	vst v1;
	v16 =	vor.u32 v1, v0;
	v1 =	vld [tilespmem:$0x1FAE0];
	_ =	sdelay $0x3  }
0x19b: {  	s19 =	sshll.u32 s19, $0xE;
	s23 =	simm.s32 $0x0;
	v2 =	vcombine.low v8, v7  }
0x19c: {  	s21 =	sand.u32 $0xFFFFFC00, s23;
	v1 =	vor.u32 s19, v1  }
0x19d: {  	[tilespmem:$0x1F8D0] =	vst v1;
	v3 =	vor.u32 s21, v1;
	v1 =	vand.u32 $0xF, v2  }
0x19e: {  	[tilespmem:$0x1F8E0] =	vst v1;
	v2 =	vor.u32 v1, v16;
	v1 =	vld [tilespmem:$0x1FAF0]  }
0x19f: {  	v0 =	vor.u32 v13, v16;
	_ =	sdelay $0x1  }
0x1a0: {  	s31 =	simm.s32 $0x0  }
0x1a1: {  	v10 =	vld [tilespmem:$0x1FC30];
	s22 =	sand.u32 $0x70, s31  }
0x1a2: {  	v38 =	vor.u32 s22, v15;
	v5 =	vor.u32 s19, v1;
	v1 =	vld [tilespmem:$0x1FC20]  }
0x1a3: {  	v0 =	vld.idx.msk [tilespmem:v0+s10+$0x0], $0xffff;
	v3 =	vor.u32 v38, v3;
	_ =	sdelay $0x3  }
0x1a4: {  	v12 =	vld [tilespmem:$0x1FC40];
	v4 =	vcombine.low v10, v1  }
0x1a5: {  	v14 =	vld [tilespmem:$0x1FC50];
	[tilespmem:v3+s12+$0x0] =	vst.idx.msk $0xffff, v0  }
0x1a6: {  	v37 =	vor.u32 s22, v9;
	v3 =	vor.u32 s21, v5;
	v2 =	vld.idx.msk [tilespmem:v2+s10+$0x0], $0xffff;
	v0 =	vand.u32 $0xF, v4  }
0x1a7: {  	v3 =	vor.u32 v37, v3;
	[tilespmem:$0x1F900] =	vst v0;
	v4 =	vor.u32 v0, v16;
	v0 =	vld [tilespmem:$0x1FB00];
	_ =	sdelay $0x3  }
0x1a8: {  	v21 =	vld [tilespmem:$0x1FC60];
	[tilespmem:$0x1F8F0] =	vst v5;
	v5 =	vcombine.low v14, v12  }
0x1a9: {  	v25 =	vld [tilespmem:$0x1FC70];
	[tilespmem:v3+s12+$0x0] =	vst.idx.msk $0xffff, v2;
	v0 =	vor.u32 s19, v0  }
0x1aa: {  	v29 =	vor.u32 s22, v60;
	v3 =	vld.idx.msk [tilespmem:v4+s10+$0x0], $0xffff;
	[tilespmem:$0x1F910] =	vst v0;
	v2 =	vor.u32 s21, v0;
	v0 =	vand.u32 $0xF, v5  }
0x1ab: {  	v2 =	vor.u32 v29, v2;
	[tilespmem:$0x1F920] =	vst v0;
	v4 =	vor.u32 v0, v16;
	v0 =	vld [tilespmem:$0x1FB20];
	_ =	sdelay $0x3  }
0x1ac: {  	v28 =	vld [tilespmem:$0x1FC80];
	v5 =	vcombine.low v25, v21  }
0x1ad: {  	v30 =	vld [tilespmem:$0x1FC90];
	v0 =	vor.u32 s19, v0;
	[tilespmem:v2+s12+$0x0] =	vst.idx.msk $0xffff, v3  }
0x1ae: {  	[tilespmem:$0x1F930] =	vst v0;
	v2 =	vor.u32 s21, v0;
	v3 =	vld.idx.msk [tilespmem:v4+s10+$0x0], $0xffff;
	v0 =	vand.u32 $0xF, v5  }
0x1af: {  	v27 =	vor.u32 s22, v19;
	[tilespmem:$0x1F940] =	vst v0;
	v4 =	vor.u32 v0, v16;
	v0 =	vld [tilespmem:$0x1FB40]  }
0x1b0: {  	v2 =	vor.u32 v27, v2;
	_ =	sdelay $0x3  }
0x1b1: {  	v31 =	vld [tilespmem:$0x1FCA0];
	v5 =	vcombine.low v30, v28;
	v0 =	vor.u32 s19, v0  }
0x1b2: {  	v33 =	vld [tilespmem:$0x1FCB0];
	v32 =	vor.u32 s22, v20;
	[tilespmem:v2+s12+$0x0] =	vst.idx.msk $0xffff, v3;
	v2 =	vor.u32 s21, v0  }
0x1b3: {  	[tilespmem:$0x1F950] =	vst v0;
	v3 =	vld.idx.msk [tilespmem:v4+s10+$0x0], $0xffff;
	v0 =	vand.u32 $0xF, v5;
	v2 =	vor.u32 v32, v2  }
0x1b4: {  	[tilespmem:$0x1F960] =	vst v0;
	v4 =	vor.u32 v0, v16;
	v0 =	vld [tilespmem:$0x1FB10];
	_ =	sdelay $0x3  }
0x1b5: {  	v34 =	vld [tilespmem:$0x1FCD0];
	v5 =	vcombine.low v33, v31;
	[tilespmem:v2+s12+$0x0] =	vst.idx.msk $0xffff, v3  }
0x1b6: {  	v0 =	vor.u32 s19, v0;
	v3 =	vld.idx.msk [tilespmem:v4+s10+$0x0], $0xffff  }
0x1b7: {  	v35 =	vor.u32 s22, v22;
	[tilespmem:$0x1F970] =	vst v0;
	v2 =	vor.u32 s21, v0;
	v0 =	vand.u32 $0xF, v5;
	v4 =	vld [tilespmem:$0x1FCC0]  }
0x1b8: {  	v2 =	vor.u32 v35, v2;
	[tilespmem:$0x1F980] =	vst v0;
	v5 =	vor.u32 v0, v16;
	v0 =	vld [tilespmem:$0x1FB50];
	_ =	sdelay $0x3  }
0x1b9: {  	v6 =	vcombine.low v34, v4  }
0x1ba: {  	v0 =	vor.u32 s19, v0;
	[tilespmem:v2+s12+$0x0] =	vst.idx.msk $0xffff, v3  }
0x1bb: {  	[tilespmem:$0x1F990] =	vst v0;
	v2 =	vor.u32 s21, v0;
	v3 =	vld.idx.msk [tilespmem:v5+s10+$0x0], $0xffff;
	v0 =	vand.u32 $0xF, v6  }
0x1bc: {  	v36 =	vor.u32 s22, v23;
	[tilespmem:$0x1F9A0] =	vst v0;
	v5 =	vor.u32 v0, v16;
	v0 =	vld [tilespmem:$0x1FB60]  }
0x1bd: {  	v2 =	vor.u32 v36, v2;
	_ =	sdelay $0x3  }
0x1be: {  	v6 =	vor.u32 s19, v0;
	v0 =	vld [tilespmem:$0x1FB70]  }
0x1bf: {  	[tilespmem:v2+s12+$0x0] =	vst.idx.msk $0xffff, v3;
	v3 =	vld [tilespmem:$0x1FCE0];
	_ =	sdelay $0x4  }
0x1c0: {  	v0 =	vcombine.low v3, v0  }
0x1c1: {  	v18 =	vmov v60;
	v60 =	vor.u32 s22, v24;
	v2 =	vor.u32 s21, v6;
	v48 =	vld.idx.msk [tilespmem:v5+s10+$0x0], $0xffff  }
0x1c2: {  	v2 =	vor.u32 v60, v2;
	[tilespmem:$0x1F9C0] =	vst v0;
	v5 =	vor.u32 v0, v16;
	v0 =	vld [tilespmem:$0x1FB80];
	_ =	sdelay $0x3  }
0x1c3: {  	[tilespmem:$0x1F9B0] =	vst v6;
	v6 =	vcombine.low v7, v8  }
0x1c4: {  	[tilespmem:v2+s12+$0x0] =	vst.idx.msk $0xffff, v48;
	v0 =	vor.u32 s19, v0  }
0x1c5: {  	[tilespmem:$0x1F9D0] =	vst v0;
	v2 =	vor.u32 s21, v0;
	v0 =	vand.u32 $0xF, v6  }
0x1c6: {  	[tilespmem:$0x1F9E0] =	vst v0;
	v8 =	vor.u32 v0, v16;
	v0 =	vld [tilespmem:$0x1FB30]  }
0x1c7: {  	v7 =	vld.idx.msk [tilespmem:v5+s10+$0x0], $0xffff;
	v2 =	vor.u32 v38, v2;
	_ =	sdelay $0x2  }
0x1c8: {  	v6 =	vcombine.low v1, v10  }
0x1c9: {  	v0 =	vor.u32 s19, v0  }
0x1ca: {  	[tilespmem:v2+s12+$0x0] =	vst.idx.msk $0xffff, v7;
	v5 =	vmov v0;
	v2 =	vor.u32 s21, v0;
	v0 =	vand.u32 $0xF, v6  }
0x1cb: {  	v24 =	vmov v0;
	v6 =	vor.u32 v0, v16;
	v0 =	vld [tilespmem:$0x1FB90]  }
0x1cc: {  	v1 =	vld.idx.msk [tilespmem:v8+s10+$0x0], $0xffff;
	v2 =	vor.u32 v37, v2;
	_ =	sdelay $0x2  }
0x1cd: {  	v7 =	vcombine.low v12, v14  }
0x1ce: {  	v0 =	vor.u32 s19, v0  }
0x1cf: {  	[tilespmem:v2+s12+$0x0] =	vst.idx.msk $0xffff, v1;
	v47 =	vmov v0;
	v2 =	vor.u32 s21, v0;
	v0 =	vand.u32 $0xF, v7  }
0x1d0: {  	v26 =	vmov v0;
	v7 =	vor.u32 v0, v16;
	v0 =	vld [tilespmem:$0x1FBA0]  }
0x1d1: {  	v6 =	vld.idx.msk [tilespmem:v6+s10+$0x0], $0xffff;
	v2 =	vor.u32 v29, v2;
	_ =	sdelay $0x3  }
0x1d2: {  	v8 =	vcombine.low v21, v25;
	v0 =	vor.u32 s19, v0  }
0x1d3: {  	[tilespmem:v2+s12+$0x0] =	vst.idx.msk $0xffff, v6;
	v3 =	vmov v0;
	v2 =	vor.u32 s21, v0;
	v0 =	vld [tilespmem:$0x1FBB0]  }
0x1d4: {  	v40 =	vmov v29;
	[tilespmem:$0x1FA40] =	vst v29;
	v29 =	vand.u32 $0xF, v8;
	v6 =	vld.idx.msk [tilespmem:v7+s10+$0x0], $0xffff;
	v2 =	vor.u32 v27, v2  }
0x1d5: {  	v7 =	vor.u32 v29, v16;
	_ =	sdelay $0x2  }
0x1d6: {  	v54 =	vmov v27;
	[tilespmem:$0x1FA50] =	vst v27;
	v8 =	vcombine.low v28, v30;
	v27 =	vor.u32 s19, v0  }
0x1d7: {  	v0 =	vld [tilespmem:$0x1FBC0];
	[tilespmem:v2+s12+$0x0] =	vst.idx.msk $0xffff, v6;
	v2 =	vor.u32 s21, v27  }
0x1d8: {  	v57 =	vmov v32;
	[tilespmem:$0x1FA60] =	vst v32;
	v6 =	vld.idx.msk [tilespmem:v7+s10+$0x0], $0xffff;
	v2 =	vor.u32 v32, v2;
	v32 =	vand.u32 $0xF, v8  }
0x1d9: {  	v7 =	vor.u32 v32, v16  }
0x1da: {  	v21 =	vld [tilespmem:$0x1FFD0];
	_ =	sdelay $0x1  }
0x1db: {  	v30 =	vor.u32 s19, v0  }
0x1dc: {  	v8 =	vcombine.low v31, v33;
	v0 =	vld [tilespmem:$0x1FBD0];
	[tilespmem:v2+s12+$0x0] =	vst.idx.msk $0xffff, v6;
	v2 =	vor.u32 s21, v30  }
0x1dd: {  	v6 =	vld.idx.msk [tilespmem:v7+s10+$0x0], $0xffff;
	v2 =	vor.u32 v35, v2  }
0x1de: {  	v33 =	vand.u32 $0xF, v8;
	v8 =	vsel vm10, $0x2003, v21  }
0x1df: {  	v49 =	vsel vm9, $0x2004, v8;
	v7 =	vor.u32 v33, v16  }
0x1e0: {  	v50 =	vsel vm13, $0x2005, v49  }
0x1e1: {  	[tilespmem:$0x1FA70] =	vst v35;
	v12 =	vsel vm4, $0x2006, v50  }
0x1e2: {  	v63 =	vmovc v35;
	v11 =	vcombine.low v4, v34;
	v35 =	vor.u32 s19, v0;
	[tilespmem:v2+s12+$0x0] =	vst.idx.msk $0xffff, v6;
	v6 =	vsel vm5, $0x3007, v12  }
0x1e3: {  	v0 =	vld [tilespmem:$0x1FBE0];
	v2 =	vor.u32 s21, v35;
	v6 =	vsel vm0, $0x3000, v6  }
0x1e4: {  	[tilespmem:$0x1F9F0] =	vst v36;
	v7 =	vld.idx.msk [tilespmem:v7+s10+$0x0], $0xffff;
	v2 =	vor.u32 v36, v2;
	v36 =	vand.u32 $0xF, v11;
	v6 =	vsel vm1, $0x3001, v6  }
0x1e5: {  	v11 =	vor.u32 v36, v16;
	v6 =	vsel vm2, $0x3002, v6  }
0x1e6: {  	v56 =	vld [tilespmem:$0x1FCF0];
	v6 =	vsel vm3, $0x3003, v6  }
0x1e7: {  	v41 =	vor.u32 $0x10, v13;
	v4 =	vld [tilespmem:$0x1FD10];
	v6 =	vsel vm6, $0x3004, v6  }
0x1e8: {  	v43 =	vmovc v38;
	[tilespmem:$0x1FA10] =	vst v38;
	v1 =	vld [tilespmem:$0x1FD00];
	v10 =	vsel vm4, $0x3006, v50;
	v38 =	vor.u32 s19, v0;
	v6 =	vsel vm7, $0x3005, v6  }
0x1e9: {  	v0 =	vld [tilespmem:$0x1FBF0];
	[tilespmem:v2+s12+$0x0] =	vst.idx.msk $0xffff, v7;
	v2 =	vor.u32 s21, v38;
	v7 =	vsel vm5, $0x3007, v10;
	v6 =	vsel vm8, $0x3006, v6  }
0x1ea: {  	v51 =	vld.idx.msk [tilespmem:v11+s10+$0x0], $0xffff;
	v2 =	vor.u32 v60, v2;
	v39 =	vor.u32 s19, v6;
	v6 =	vsel vm13, $0x3005, v49  }
0x1eb: {  	v17 =	vmovc v9;
	v52 =	vor.u32 v41, v16;
	v7 =	vsel vm0, $0x3000, v7;
	v9 =	vsel vm4, $0x3006, v6;
	v6 =	vld [tilespmem:$0x1FD20]  }
0x1ec: {  	v7 =	vsel vm1, $0x3001, v7  }
0x1ed: {  	v59 =	vld [tilespmem:$0x1FD30];
	v7 =	vsel vm2, $0x3002, v7  }
0x1ee: {  	v61 =	vld [tilespmem:$0x1FD60];
	v8 =	vsel vm9, $0x3004, v8;
	v42 =	vor.u32 s19, v0;
	v7 =	vsel vm3, $0x3003, v7  }
0x1ef: {  	v14 =	vld [tilespmem:$0x1FD50];
	v0 =	vsel vm15, v1, v56;
	v7 =	vsel vm6, $0x3004, v7;
	[tilespmem:v2+s12+$0x0] =	vst.idx.msk $0xffff, v51;
	v2 =	vor.u32 s21, v42  }
0x1f0: {  	v7 =	vsel vm7, $0x3005, v7;
	v10 =	vld.idx.msk [tilespmem:v52+s10+$0x0], $0xffff;
	v2 =	vor.u32 v43, v2;
	v62 =	vsel vm15, v6, v4  }
0x1f1: {  	v12 =	vsel vm8, $0x2006, v7;
	v7 =	vsel vm13, $0x3005, v8;
	v8 =	vld [tilespmem:$0x1FD40];
	v44 =	vcombine.low v62, v0  }
0x1f2: {  	v9 =	vsel vm5, $0x3007, v9  }
0x1f3: {  	v9 =	vsel vm0, $0x3000, v9;
	v53 =	vor.u32 v44, v16  }
0x1f4: {  	v9 =	vsel vm1, $0x3001, v9  }
0x1f5: {  	v34 =	vsel vm15, v61, v14;
	[tilespmem:$0x1FA00] =	vst v0;
	v9 =	vsel vm2, $0x3002, v9;
	v49 =	vor.u32 s19, v12;
	v12 =	vld [tilespmem:$0x1FD70]  }
0x1f6: {  	v9 =	vsel vm3, $0x3003, v9;
	v28 =	vsel vm4, $0x3006, v7;
	v7 =	vld [tilespmem:$0x1FDA0];
	v0 =	vsel vm15, v8, v59;
	[tilespmem:v2+s12+$0x0] =	vst.idx.msk $0xffff, v10  }
0x1f7: {  	v28 =	vsel vm5, $0x3007, v28;
	v2 =	vor.u32 s21, v39;
	[tilespmem:$0x1FA20] =	vst v0;
	v45 =	vcombine.low v34, v0;
	v0 =	vld [tilespmem:$0x1FD90]  }
0x1f8: {  	v9 =	vsel vm6, $0x3004, v9;
	v55 =	vsel vm0, $0x3000, v28;
	v2 =	vor.u32 v37, v2;
	v11 =	vld.idx.msk [tilespmem:v53+s10+$0x0], $0xffff  }
0x1f9: {  	v10 =	vsel vm1, $0x3001, v55;
	v58 =	vor.u32 v45, v16;
	v53 =	vsel vm10, $0x3003, v21;
	v21 =	vld [tilespmem:$0x1FD80]  }
0x1fa: {  	v50 =	vld [tilespmem:$0x1FDC0];
	v9 =	vsel vm7, $0x2005, v9;
	v10 =	vsel vm2, $0x3002, v10  }
0x1fb: {  	v52 =	vld [tilespmem:$0x1FDD0];
	v9 =	vsel vm8, $0x2006, v9;
	v46 =	vsel vm3, $0x3003, v10  }
0x1fc: {  	v48 =	vor.u32 s19, v9;
	v55 =	vld [tilespmem:$0x1FFC0];
	v9 =	vsel vm6, $0x2004, v46  }
0x1fd: {  	v9 =	vsel vm7, $0x2005, v9;
	v10 =	vsel vm9, $0x3004, v53;
	v53 =	vld [tilespmem:$0x1FDE0];
	[tilespmem:v2+s12+$0x0] =	vst.idx.msk $0xffff, v11  }
0x1fe: {  	[tilespmem:$0x1FA30] =	vst v37;
	v43 =	vsel vm15, v7, v0;
	v28 =	vsel vm15, v21, v12;
	v2 =	vor.u32 s21, v49;
	v37 =	vld.idx.msk [tilespmem:v58+s10+$0x0], $0xffff  }
0x1ff: {  	v10 =	vsel vm13, $0x3005, v10;
	v51 =	vcombine.low v43, v28;
	v2 =	vor.u32 v40, v2;
	v58 =	vld [tilespmem:$0x1FDB0]  }
0x200: {  	v9 =	vsel vm8, $0x2006, v9;
	v10 =	vsel vm4, $0x3006, v10  }
0x201: {  	v10 =	vsel vm5, $0x3007, v10;
	v11 =	vsel vm11, $0x3002, v55;
	v40 =	vor.u32 v51, v16  }
0x202: {  	v10 =	vsel vm0, $0x3000, v10;
	v0 =	vsel vm15, v0, v21;
	v11 =	vsel vm10, $0x3003, v11  }
0x203: {  	v10 =	vsel vm1, $0x3001, v10;
	v25 =	vsel vm15, v53, v52;
	v46 =	vsel vm9, $0x3004, v11  }
0x204: {  	v10 =	vsel vm2, $0x3002, v10;
	v31 =	vsel vm15, v50, v58;
	[tilespmem:v2+s12+$0x0] =	vst.idx.msk $0xffff, v37;
	v2 =	vor.u32 s21, v48  }
0x205: {  	v50 =	vsel vm15, v52, v50;
	v52 =	vcombine.low v25, v31;
	v2 =	vor.u32 v54, v2;
	v54 =	vld [tilespmem:$0x1FF80]  }
0x206: {  	v10 =	vsel vm3, $0x2003, v10;
	v11 =	vsel vm15, v58, v53;
	v53 =	vsel vm13, $0x3005, v46;
	v46 =	vld.idx.msk [tilespmem:v40+s10+$0x0], $0xffff  }
0x207: {  	v10 =	vsel vm6, $0x2004, v10;
	v50 =	vcombine.low v11, v50;
	v55 =	vor.u32 v52, v16  }
0x208: {  	v37 =	vsel vm4, $0x3006, v53;
	v53 =	vor.u32 s19, v9;
	v9 =	vsel vm7, $0x2005, v10  }
0x209: {  	v37 =	vsel vm5, $0x3007, v37;
	v40 =	vsel vm15, v56, v6;
	v9 =	vsel vm8, $0x2006, v9  }
0x20a: {  	v10 =	vsel vm0, $0x3000, v37;
	v37 =	vsel vm15, v4, v1;
	v1 =	vimm.s32 $0x2007  }
0x20b: {  	v58 =	vsel vm12, $0x3001, v54;
	v54 =	vcombine.low v40, v37;
	[tilespmem:v2+s12+$0x0] =	vst.idx.msk $0xffff, v46;
	v46 =	vor.u32 s21, v53  }
0x20c: {  	v10 =	vsel vm1, $0x3001, v10;
	v2 =	vsel vm11, $0x3002, v58;
	v56 =	vld.idx.msk [tilespmem:v55+s10+$0x0], $0xffff;
	v57 =	vor.u32 v57, v46  }
0x20d: {  	v10 =	vsel vm2, $0x2002, v10;
	v2 =	vsel vm10, $0x3003, v2;
	v58 =	vor.u32 v54, v16  }
0x20e: {  	v10 =	vsel vm3, $0x2003, v10;
	v55 =	vor.u32 s19, v9;
	v2 =	vsel vm9, $0x3004, v2  }
0x20f: {  	v9 =	vsel vm6, $0x2004, v10;
	v46 =	vsel vm15, v14, v8;
	v2 =	vsel vm13, $0x3005, v2  }
0x210: {  	v14 =	vsel vm15, v59, v61;
	v61 =	vor.u32 s21, v55;
	v2 =	vsel vm4, $0x3006, v2  }
0x211: {  	v9 =	vsel vm7, $0x2005, v9;
	v10 =	vsel vm5, $0x3007, v2;
	[tilespmem:v57+s12+$0x0] =	vst.idx.msk $0xffff, v56;
	v56 =	vcombine.low v14, v46  }
0x212: {  	v59 =	vor.u32 v63, v61;
	v9 =	vsel vm8, $0x2006, v9;
	v10 =	vsel vm0, $0x3000, v10;
	v58 =	vld.idx.msk [tilespmem:v58+s10+$0x0], $0xffff  }
0x213: {  	v21 =	vld [tilespmem:$0x1F9F0];
	v57 =	vsel vm14, $0x3000, v1;
	v10 =	vsel vm1, $0x2001, v10;
	v61 =	vor.u32 v56, v16  }
0x214: {  	v2 =	vsel vm15, v12, v7;
	v11 =	vsel vm12, $0x3001, v57;
	v10 =	vsel vm2, $0x2002, v10  }
0x215: {  	v57 =	vor.u32 s19, v9;
	v63 =	vsel vm11, $0x3002, v11;
	v10 =	vsel vm3, $0x2003, v10  }
0x216: {  	[tilespmem:$0x1FA90] =	vst v0;
	v11 =	vor.u32 s21, v57;
	v63 =	vsel vm10, $0x3003, v63;
	v1 =	vsel vm6, $0x2004, v10  }
0x217: {  	v10 =	vsel vm9, $0x3004, v63;
	[tilespmem:v59+s12+$0x0] =	vst.idx.msk $0xffff, v58;
	v58 =	vcombine.low v2, v0;
	v0 =	vimm.s32 $0x3007  }
0x218: {  	v63 =	vor.u32 v21, v11;
	v59 =	vsel vm13, $0x3005, v10;
	v61 =	vld.idx.msk [tilespmem:v61+s10+$0x0], $0xffff;
	v12 =	vsel vm14, $0x3000, v0  }
0x219: {  	v59 =	vsel vm4, $0x3006, v59;
	v11 =	vsel vm12, $0x3001, v12;
	v4 =	vor.u32 v58, v16  }
0x21a: {  	v1 =	vsel vm7, $0x2005, v1;
	v59 =	vsel vm5, $0x3007, v59;
	v10 =	vsel vm11, $0x3002, v11  }
0x21b: {  	v1 =	vsel vm8, $0x2006, v1;
	v0 =	vsel vm0, $0x2000, v59;
	v9 =	vsel vm10, $0x3003, v10  }
0x21c: {  	[tilespmem:$0x1FA80] =	vst v2;
	v59 =	vor.u32 s19, v1;
	v0 =	vsel vm1, $0x2001, v0;
	v8 =	vsel vm9, $0x3004, v9  }
0x21d: {  	v0 =	vsel vm2, $0x2002, v0;
	[tilespmem:v63+s12+$0x0] =	vst.idx.msk $0xffff, v61;
	v2 =	vsel vm13, $0x3005, v8;
	v61 =	vor.u32 s21, v59  }
0x21e: {  	v0 =	vsel vm3, $0x2003, v0;
	v4 =	vld.idx.msk [tilespmem:v4+s10+$0x0], $0xffff;
	v63 =	vor.u32 v60, v61;
	v61 =	vsel vm4, $0x3006, v2  }
0x21f: {  	v0 =	vsel vm6, $0x2004, v0;
	v61 =	vsel vm5, $0x2007, v61  }
0x220: {  	v0 =	vsel vm7, $0x2005, v0;
	v61 =	vsel vm0, $0x2000, v61  }
0x221: {  	v0 =	vsel vm8, $0x2006, v0;
	v1 =	vsel vm1, $0x2001, v61  }
0x222: {  	v61 =	vor.u32 s19, v0;
	v0 =	vsel vm2, $0x2002, v1;
	v1 =	vld [tilespmem:$0x1FA00]  }
0x223: {  	v6 =	vor.u32 v50, v16;
	[tilespmem:v63+s12+$0x0] =	vst.idx.msk $0xffff, v4;
	v4 =	vld [tilespmem:$0x1FA10];
	_ =	sdelay $0x3  }
0x224: {  	v62 =	vcombine.low v1, v62;
	v1 =	vor.u32 s21, v61  }
0x225: {  	v1 =	vor.u32 v4, v1;
	v4 =	vld.idx.msk [tilespmem:v6+s10+$0x0], $0xffff;
	_ =	sdelay $0x3  }
0x226: {  	v0 =	vsel vm3, $0x2003, v0  }
0x227: {  	v0 =	vsel vm6, $0x2004, v0;
	v7 =	vor.u32 v62, v16;
	[tilespmem:v1+s12+$0x0] =	vst.idx.msk $0xffff, v4;
	v4 =	vld [tilespmem:$0x1FA30]  }
0x228: {  	v2 =	vsel vm4, $0x2006, v2;
	v0 =	vsel vm7, $0x2005, v0  }
0x229: {  	v2 =	vsel vm5, $0x2007, v2;
	v0 =	vsel vm8, $0x2006, v0  }
0x22a: {  	v2 =	vsel vm0, $0x2000, v2;
	v63 =	vor.u32 s19, v0;
	v1 =	vld [tilespmem:$0x1FA20]  }
0x22b: {  	v0 =	vsel vm1, $0x2001, v2;
	v2 =	vor.u32 s21, v63  }
0x22c: {  	v0 =	vsel vm2, $0x2002, v0;
	v7 =	vld.idx.msk [tilespmem:v7+s10+$0x0], $0xffff;
	v2 =	vor.u32 v4, v2;
	v4 =	vsel vm13, $0x2005, v8  }
0x22d: {  	v6 =	vcombine.low v28, v43;
	v8 =	vsel vm9, $0x2004, v9;
	v4 =	vsel vm4, $0x2006, v4  }
0x22e: {  	v0 =	vsel vm3, $0x2003, v0;
	v8 =	vsel vm13, $0x2005, v8;
	v4 =	vsel vm5, $0x2007, v4  }
0x22f: {  	v1 =	vcombine.low v1, v34;
	v8 =	vsel vm4, $0x2006, v8;
	v4 =	vsel vm0, $0x2000, v4  }
0x230: {  	v0 =	vsel vm6, $0x2004, v0;
	v8 =	vsel vm5, $0x2007, v8;
	v4 =	vsel vm1, $0x2001, v4  }
0x231: {  	v43 =	vor.u32 v1, v16;
	[tilespmem:v2+s12+$0x0] =	vst.idx.msk $0xffff, v7;
	v2 =	vsel vm2, $0x2002, v4;
	v4 =	vsel vm0, $0x2000, v8;
	v8 =	vld [tilespmem:$0x1FA40]  }
0x232: {  	v0 =	vsel vm7, $0x2005, v0  }
0x233: {  	v0 =	vsel vm8, $0x3006, v0  }
0x234: {  	v0 =	vor.u32 s19, v0  }
0x235: {  	v7 =	vor.u32 s21, v0  }
0x236: {  	v7 =	vor.u32 v8, v7;
	v8 =	vld.idx.msk [tilespmem:v43+s10+$0x0], $0xffff;
	_ =	sdelay $0x3  }
0x237: {  	v2 =	vsel vm3, $0x2003, v2;
	v4 =	vsel vm1, $0x2001, v4  }
0x238: {  	v34 =	vor.u32 v6, v16;
	v2 =	vsel vm6, $0x2004, v2;
	v4 =	vsel vm2, $0x2002, v4;
	[tilespmem:v7+s12+$0x0] =	vst.idx.msk $0xffff, v8;
	v8 =	vld [tilespmem:$0x1FA50]  }
0x239: {  	v25 =	vcombine.low v31, v25;
	v2 =	vsel vm7, $0x3005, v2;
	v4 =	vsel vm3, $0x2003, v4  }
0x23a: {  	v10 =	vsel vm10, $0x2003, v10;
	v2 =	vsel vm8, $0x3006, v2;
	v4 =	vsel vm6, $0x3004, v4  }
0x23b: {  	v28 =	vor.u32 s19, v2;
	v2 =	vsel vm7, $0x3005, v4;
	v4 =	vsel vm9, $0x2004, v10  }
0x23c: {  	v2 =	vsel vm8, $0x3006, v2;
	v4 =	vsel vm13, $0x2005, v4;
	v7 =	vor.u32 s21, v28  }
0x23d: {  	v31 =	vor.u32 s19, v2;
	v2 =	vsel vm4, $0x2006, v4;
	v4 =	vld.idx.msk [tilespmem:v34+s10+$0x0], $0xffff;
	v7 =	vor.u32 v8, v7  }
0x23e: {  	v34 =	vld [tilespmem:$0x1FA60];
	v8 =	vor.u32 v25, v16;
	_ =	sdelay $0x2  }
0x23f: {  	v2 =	vsel vm5, $0x2007, v2  }
0x240: {  	v43 =	vor.u32 s21, v31;
	v2 =	vsel vm0, $0x2000, v2;
	[tilespmem:v7+s12+$0x0] =	vst.idx.msk $0xffff, v4  }
0x241: {  	v2 =	vsel vm1, $0x2001, v2;
	v9 =	vor.u32 v34, v43;
	v8 =	vld.idx.msk [tilespmem:v8+s10+$0x0], $0xffff  }
0x242: {  	v2 =	vsel vm2, $0x2002, v2  }
0x243: {  	v37 =	vcombine.low v37, v40;
	v40 =	vsel vm11, $0x2002, v11;
	v2 =	vsel vm3, $0x3003, v2  }
0x244: {  	v10 =	vsel vm10, $0x2003, v40;
	v2 =	vsel vm6, $0x3004, v2;
	v43 =	vsel vm12, $0x2001, v12  }
0x245: {  	v34 =	vcombine.low v46, v14;
	v4 =	vsel vm9, $0x2004, v10;
	v7 =	vsel vm11, $0x2002, v43  }
0x246: {  	v46 =	vor.u32 v37, v16;
	v4 =	vsel vm13, $0x2005, v4;
	v7 =	vsel vm10, $0x2003, v7;
	[tilespmem:v9+s12+$0x0] =	vst.idx.msk $0xffff, v8;
	v8 =	vld [tilespmem:$0x1FA70]  }
0x247: {  	v2 =	vsel vm7, $0x3005, v2;
	v4 =	vsel vm4, $0x2006, v4;
	v7 =	vsel vm9, $0x2004, v7  }
0x248: {  	v2 =	vsel vm8, $0x3006, v2;
	v4 =	vsel vm5, $0x2007, v4;
	v7 =	vsel vm13, $0x2005, v7  }
0x249: {  	v40 =	vor.u32 s19, v2;
	v4 =	vsel vm0, $0x2000, v4;
	v7 =	vsel vm4, $0x2006, v7  }
0x24a: {  	v43 =	vld [tilespmem:$0x1FA80];
	v2 =	vsel vm1, $0x2001, v4;
	v4 =	vsel vm5, $0x2007, v7;
	v7 =	vor.u32 s21, v40  }
0x24b: {  	v7 =	vor.u32 v8, v7;
	v8 =	vld.idx.msk [tilespmem:v46+s10+$0x0], $0xffff  }
0x24c: {  	v2 =	vsel vm2, $0x3002, v2;
	v4 =	vsel vm0, $0x2000, v4;
	v46 =	vld [tilespmem:$0x1FA90]  }
0x24d: {  	v2 =	vsel vm3, $0x3003, v2;
	v4 =	vsel vm1, $0x3001, v4  }
0x24e: {  	v9 =	vor.u32 v34, v16;
	v2 =	vsel vm6, $0x3004, v2;
	v4 =	vsel vm2, $0x3002, v4  }
0x24f: {  	v2 =	vsel vm7, $0x3005, v2;
	v4 =	vsel vm3, $0x3003, v4  }
0x250: {  	v2 =	vsel vm8, $0x3006, v2;
	v4 =	vsel vm6, $0x3004, v4  }
0x251: {  	v43 =	vcombine.low v46, v43;
	v46 =	vor.u32 s19, v2;
	v2 =	vsel vm7, $0x3005, v4  }
0x252: {  	s24 =	simm.s32 $0x2;
	[tilespmem:v7+s12+$0x0] =	vst.idx.msk $0xffff, v8;
	v2 =	vsel vm8, $0x3006, v2;
	v4 =	vor.u32 s21, v46  }
0x253: {  	s22 =	simm.s32 $0x1;
	s25 =	sadd.s32 $0x10, s20;
	s23 =	simm.s32 $0x10;
	v7 =	vor.u32 v21, v4;
	v21 =	vor.u32 s19, v2;
	v2 =	vld.idx.msk [tilespmem:v9+s10+$0x0], $0xffff;
	v4 =	vor.u32 v43, v16  }
.LBB2_5:
0x254: {  	_ =	sdelay $0x3  }
0x255: {  	[tilespmem:v7+s12+$0x0] =	vst.idx.msk $0xffff, v2  }
0x256: {  	v7 =	vld.idx.msk [tilespmem:v4+s10+$0x0], $0xffff  }
0x257: {  	v4 =	vld [tilespmem:$0x1F8C0];
	_ =	sdelay $0x2  }
0x258: {  	v8 =	vmov s25  }
0x259: {  	v2 =	vshll.u32 v8, $0x5;
	v8 =	vor.u32 s21, v21  }
0x25a: {  	v4 =	vor.u32 v4, v2;
	v2 =	vor.u32 v60, v8  }
0x25b: {  	v8 =	vor.u32 v13, v4;
	_ =	sdelay $0x3  }
0x25c: {  	[tilespmem:v2+s12+$0x0] =	vst.idx.msk $0xffff, v7  }
0x25d: {  	v7 =	vld.idx.msk [tilespmem:v8+s10+$0x0], $0xffff  }
0x25e: {  	v8 =	vld [tilespmem:$0x1F8D0];
	_ =	sdelay $0x1  }
0x25f: {  	v9 =	vld [tilespmem:$0x1F8E0]  }
0x260: {  	s30 =	sshll.u32 s22, $0x7  }
0x261: {  	s31 =	sand.u32 $0x70, s23;
	s21 =	sand.u32 $0xFFFFFC00, s30  }
0x262: {  	v2 =	vor.u32 s31, v15;
	v8 =	vor.u32 s21, v8  }
0x263: {  	v8 =	vor.u32 v2, v8  }
0x264: {  	v60 =	vld [tilespmem:$0x1F8F0];
	v9 =	vor.u32 v9, v4;
	_ =	sdelay $0x1  }
0x265: {  	v10 =	vld [tilespmem:$0x1F900];
	_ =	sdelay $0x1  }
0x266: {  	[tilespmem:v8+s12+$0x0] =	vst.idx.msk $0xffff, v7  }
0x267: {  	v7 =	vor.u32 s31, v17;
	v8 =	vld.idx.msk [tilespmem:v9+s10+$0x0], $0xffff;
	v9 =	vor.u32 s21, v60  }
0x268: {  	v9 =	vor.u32 v7, v9  }
0x269: {  	v10 =	vor.u32 v10, v4;
	v60 =	vld [tilespmem:$0x1F910];
	_ =	sdelay $0x1  }
0x26a: {  	v11 =	vld [tilespmem:$0x1F920];
	_ =	sdelay $0x1  }
0x26b: {  	[tilespmem:v9+s12+$0x0] =	vst.idx.msk $0xffff, v8  }
0x26c: {  	v8 =	vor.u32 s31, v18;
	v9 =	vld.idx.msk [tilespmem:v10+s10+$0x0], $0xffff;
	v10 =	vor.u32 s21, v60  }
0x26d: {  	v10 =	vor.u32 v8, v10  }
0x26e: {  	v11 =	vor.u32 v11, v4;
	v60 =	vld [tilespmem:$0x1F930];
	_ =	sdelay $0x1  }
0x26f: {  	v12 =	vld [tilespmem:$0x1F940];
	_ =	sdelay $0x1  }
0x270: {  	[tilespmem:v10+s12+$0x0] =	vst.idx.msk $0xffff, v9  }
0x271: {  	v9 =	vor.u32 s31, v19;
	v10 =	vld.idx.msk [tilespmem:v11+s10+$0x0], $0xffff;
	v11 =	vor.u32 s21, v60  }
0x272: {  	v11 =	vor.u32 v9, v11  }
0x273: {  	v12 =	vor.u32 v12, v4;
	_ =	sdelay $0x3  }
0x274: {  	[tilespmem:v11+s12+$0x0] =	vst.idx.msk $0xffff, v10  }
0x275: {  	v11 =	vld.idx.msk [tilespmem:v12+s10+$0x0], $0xffff  }
0x276: {  	v12 =	vld [tilespmem:$0x1F950];
	_ =	sdelay $0x1  }
0x277: {  	v13 =	vld [tilespmem:$0x1F960];
	_ =	sdelay $0x2  }
0x278: {  	v10 =	vor.u32 s31, v20;
	v12 =	vor.u32 s21, v12  }
0x279: {  	v12 =	vor.u32 v10, v12  }
0x27a: {  	v60 =	vor.u32 v13, v4  }
0x27b: {  	v13 =	vld [tilespmem:$0x1F970];
	_ =	sdelay $0x2  }
0x27c: {  	[tilespmem:v12+s12+$0x0] =	vst.idx.msk $0xffff, v11  }
0x27d: {  	v12 =	vld.idx.msk [tilespmem:v60+s10+$0x0], $0xffff  }
0x27e: {  	v11 =	vor.u32 s31, v22;
	v60 =	vor.u32 s21, v13;
	v13 =	vld [tilespmem:$0x1F980]  }
0x27f: {  	v14 =	vld [tilespmem:$0x1F990];
	v60 =	vor.u32 v11, v60;
	_ =	sdelay $0x3  }
0x280: {  	v13 =	vor.u32 v13, v4  }
0x281: {  	[tilespmem:v60+s12+$0x0] =	vst.idx.msk $0xffff, v12;
	v60 =	vor.u32 s21, v14;
	v14 =	vld [tilespmem:$0x1F9A0];
	_ =	sdelay $0x2  }
0x282: {  	v12 =	vor.u32 s31, v23  }
0x283: {  	v60 =	vor.u32 v12, v60;
	v13 =	vld.idx.msk [tilespmem:v13+s10+$0x0], $0xffff  }
0x284: {  	v14 =	vor.u32 v14, v4;
	_ =	sdelay $0x3  }
0x285: {  	[tilespmem:v60+s12+$0x0] =	vst.idx.msk $0xffff, v13  }
0x286: {  	v13 =	vld.idx.msk [tilespmem:v14+s10+$0x0], $0xffff  }
0x287: {  	v14 =	vld [tilespmem:$0x1FFE0];
	_ =	sdelay $0x4  }
0x288: {  	v60 =	vor.u32 s31, v14;
	v14 =	vld [tilespmem:$0x1F9B0];
	_ =	sdelay $0x1  }
0x289: {  	v16 =	vmov v15;
	v15 =	vld [tilespmem:$0x1F9C0];
	_ =	sdelay $0x2  }
0x28a: {  	v14 =	vor.u32 s21, v14  }
0x28b: {  	v14 =	vor.u32 v60, v14  }
0x28c: {  	v15 =	vor.u32 v15, v4;
	_ =	sdelay $0x3  }
0x28d: {  	[tilespmem:v14+s12+$0x0] =	vst.idx.msk $0xffff, v13;
	v14 =	vld [tilespmem:$0x1F9D0]  }
0x28e: {  	v13 =	vld.idx.msk [tilespmem:v15+s10+$0x0], $0xffff  }
0x28f: {  	v15 =	vld [tilespmem:$0x1F9E0];
	_ =	sdelay $0x2  }
0x290: {  	v14 =	vor.u32 s21, v14  }
0x291: {  	v14 =	vor.u32 v2, v14  }
0x292: {  	v15 =	vor.u32 v15, v4;
	_ =	sdelay $0x3  }
0x293: {  	[tilespmem:v14+s12+$0x0] =	vst.idx.msk $0xffff, v13;
	v14 =	vor.u32 s21, v5  }
0x294: {  	v13 =	vld.idx.msk [tilespmem:v15+s10+$0x0], $0xffff;
	v14 =	vor.u32 v7, v14  }
0x295: {  	v15 =	vor.u32 v24, v4;
	_ =	sdelay $0x3  }
0x296: {  	[tilespmem:v14+s12+$0x0] =	vst.idx.msk $0xffff, v13;
	v14 =	vor.u32 s21, v47  }
0x297: {  	v13 =	vld.idx.msk [tilespmem:v15+s10+$0x0], $0xffff;
	v14 =	vor.u32 v8, v14  }
0x298: {  	v15 =	vor.u32 v26, v4;
	_ =	sdelay $0x3  }
0x299: {  	[tilespmem:v14+s12+$0x0] =	vst.idx.msk $0xffff, v13;
	v14 =	vor.u32 s21, v3  }
0x29a: {  	v13 =	vld.idx.msk [tilespmem:v15+s10+$0x0], $0xffff;
	v14 =	vor.u32 v9, v14  }
0x29b: {  	v15 =	vor.u32 v29, v4;
	_ =	sdelay $0x3  }
0x29c: {  	[tilespmem:v14+s12+$0x0] =	vst.idx.msk $0xffff, v13;
	v14 =	vor.u32 s21, v27  }
0x29d: {  	v13 =	vld.idx.msk [tilespmem:v15+s10+$0x0], $0xffff;
	v14 =	vor.u32 v10, v14  }
0x29e: {  	v15 =	vor.u32 v32, v4;
	_ =	sdelay $0x3  }
0x29f: {  	[tilespmem:v14+s12+$0x0] =	vst.idx.msk $0xffff, v13;
	v14 =	vor.u32 s21, v30  }
0x2a0: {  	v13 =	vld.idx.msk [tilespmem:v15+s10+$0x0], $0xffff;
	v14 =	vor.u32 v11, v14  }
0x2a1: {  	v15 =	vor.u32 v33, v4;
	_ =	sdelay $0x3  }
0x2a2: {  	[tilespmem:v14+s12+$0x0] =	vst.idx.msk $0xffff, v13;
	v14 =	vor.u32 s21, v35  }
0x2a3: {  	v13 =	vld.idx.msk [tilespmem:v15+s10+$0x0], $0xffff;
	v14 =	vor.u32 v12, v14  }
0x2a4: {  	v15 =	vor.u32 v36, v4;
	_ =	sdelay $0x3  }
0x2a5: {  	[tilespmem:v14+s12+$0x0] =	vst.idx.msk $0xffff, v13;
	v14 =	vor.u32 s21, v38  }
0x2a6: {  	v13 =	vld.idx.msk [tilespmem:v15+s10+$0x0], $0xffff;
	v14 =	vor.u32 v60, v14  }
0x2a7: {  	v15 =	vor.u32 v41, v4;
	_ =	sdelay $0x3  }
0x2a8: {  	[tilespmem:v14+s12+$0x0] =	vst.idx.msk $0xffff, v13;
	v14 =	vor.u32 s21, v42  }
0x2a9: {  	v13 =	vld.idx.msk [tilespmem:v15+s10+$0x0], $0xffff;
	v14 =	vor.u32 v2, v14  }
0x2aa: {  	v15 =	vor.u32 v44, v4;
	_ =	sdelay $0x3  }
0x2ab: {  	[tilespmem:v14+s12+$0x0] =	vst.idx.msk $0xffff, v13;
	v14 =	vor.u32 s21, v39  }
0x2ac: {  	v13 =	vld.idx.msk [tilespmem:v15+s10+$0x0], $0xffff;
	v14 =	vor.u32 v7, v14  }
0x2ad: {  	v15 =	vor.u32 v45, v4;
	_ =	sdelay $0x3  }
0x2ae: {  	[tilespmem:v14+s12+$0x0] =	vst.idx.msk $0xffff, v13;
	v14 =	vor.u32 s21, v49  }
0x2af: {  	v13 =	vld.idx.msk [tilespmem:v15+s10+$0x0], $0xffff;
	v14 =	vor.u32 v8, v14  }
0x2b0: {  	v15 =	vor.u32 v51, v4;
	_ =	sdelay $0x3  }
0x2b1: {  	[tilespmem:v14+s12+$0x0] =	vst.idx.msk $0xffff, v13;
	v14 =	vor.u32 s21, v48  }
0x2b2: {  	v13 =	vld.idx.msk [tilespmem:v15+s10+$0x0], $0xffff;
	v14 =	vor.u32 v9, v14  }
0x2b3: {  	v15 =	vor.u32 v52, v4;
	_ =	sdelay $0x3  }
0x2b4: {  	[tilespmem:v14+s12+$0x0] =	vst.idx.msk $0xffff, v13;
	v14 =	vor.u32 s21, v53  }
0x2b5: {  	v13 =	vld.idx.msk [tilespmem:v15+s10+$0x0], $0xffff;
	v14 =	vor.u32 v10, v14  }
0x2b6: {  	v15 =	vor.u32 v54, v4;
	_ =	sdelay $0x3  }
0x2b7: {  	[tilespmem:v14+s12+$0x0] =	vst.idx.msk $0xffff, v13;
	v14 =	vor.u32 s21, v55  }
0x2b8: {  	v13 =	vld.idx.msk [tilespmem:v15+s10+$0x0], $0xffff;
	v14 =	vor.u32 v11, v14  }
0x2b9: {  	v15 =	vor.u32 v56, v4;
	_ =	sdelay $0x3  }
0x2ba: {  	[tilespmem:v14+s12+$0x0] =	vst.idx.msk $0xffff, v13;
	v14 =	vor.u32 s21, v57  }
0x2bb: {  	v13 =	vld.idx.msk [tilespmem:v15+s10+$0x0], $0xffff;
	v14 =	vor.u32 v12, v14  }
0x2bc: {  	v15 =	vor.u32 v58, v4;
	_ =	sdelay $0x3  }
0x2bd: {  	[tilespmem:v14+s12+$0x0] =	vst.idx.msk $0xffff, v13;
	v14 =	vor.u32 s21, v59  }
0x2be: {  	v13 =	vld.idx.msk [tilespmem:v15+s10+$0x0], $0xffff;
	v14 =	vor.u32 v60, v14  }
0x2bf: {  	v15 =	vor.u32 v50, v4;
	_ =	sdelay $0x3  }
0x2c0: {  	[tilespmem:v14+s12+$0x0] =	vst.idx.msk $0xffff, v13;
	v14 =	vor.u32 s21, v61  }
0x2c1: {  	v13 =	vld.idx.msk [tilespmem:v15+s10+$0x0], $0xffff;
	v2 =	vor.u32 v2, v14  }
0x2c2: {  	v14 =	vor.u32 v62, v4;
	_ =	sdelay $0x3  }
0x2c3: {  	[tilespmem:v2+s12+$0x0] =	vst.idx.msk $0xffff, v13;
	v13 =	vor.u32 s21, v63  }
0x2c4: {  	v2 =	vld.idx.msk [tilespmem:v14+s10+$0x0], $0xffff;
	v7 =	vor.u32 v7, v13  }
0x2c5: {  	v13 =	vor.u32 v1, v4;
	_ =	sdelay $0x3  }
0x2c6: {  	[tilespmem:v7+s12+$0x0] =	vst.idx.msk $0xffff, v2;
	v7 =	vor.u32 s21, v0  }
0x2c7: {  	v2 =	vld.idx.msk [tilespmem:v13+s10+$0x0], $0xffff;
	v7 =	vor.u32 v8, v7  }
0x2c8: {  	v8 =	vor.u32 v6, v4;
	_ =	sdelay $0x3  }
0x2c9: {  	[tilespmem:v7+s12+$0x0] =	vst.idx.msk $0xffff, v2;
	v7 =	vor.u32 s21, v28  }
0x2ca: {  	v2 =	vld.idx.msk [tilespmem:v8+s10+$0x0], $0xffff;
	v7 =	vor.u32 v9, v7  }
0x2cb: {  	v8 =	vor.u32 v25, v4;
	_ =	sdelay $0x3  }
0x2cc: {  	[tilespmem:v7+s12+$0x0] =	vst.idx.msk $0xffff, v2;
	v7 =	vor.u32 s21, v31  }
0x2cd: {  	v2 =	vld.idx.msk [tilespmem:v8+s10+$0x0], $0xffff;
	v7 =	vor.u32 v10, v7  }
0x2ce: {  	v8 =	vor.u32 v37, v4;
	_ =	sdelay $0x3  }
0x2cf: {  	[tilespmem:v7+s12+$0x0] =	vst.idx.msk $0xffff, v2;
	v7 =	vor.u32 s21, v40  }
0x2d0: {  	v2 =	vld.idx.msk [tilespmem:v8+s10+$0x0], $0xffff;
	v7 =	vor.u32 v11, v7  }
0x2d1: {  	p1 =	sne.s32 s24, $0x1F;
	v8 =	vor.u32 v34, v4  }
.Ltmp1:
0x2d2: {  	_ = 	snop;
	(pc) =	sbr.rel @p1 .LBB2_5-.Ltmp1, $3  }
0x2d3: {  	_ =	sdelay $0x1  }
0x2d4: {  	s23 =	sadd.s32 $0x10, s23;
	[tilespmem:v7+s12+$0x0] =	vst.idx.msk $0xffff, v2;
	v7 =	vor.u32 s21, v46  }
0x2d5: {  	s22 =	smov.u32 s24;
	s24 =	sadd.s32 $0x1, s24;
	s25 =	sadd.s32 s23, s20;
	v15 =	vmovc v16;
	v13 =	vlaneseq.u32;
	v4 =	vor.u32 v43, v4;
	v2 =	vld.idx.msk [tilespmem:v8+s10+$0x0], $0xffff;
	v7 =	vor.u32 v12, v7  }
0x2d6: {  	_ =	sdelay $0x2  }
0x2d7: {  	v8 =	vmov s25  }
0x2d8: {  	[tilespmem:v7+s12+$0x0] =	vst.idx.msk $0xffff, v2;
	v2 =	vshll.u32 v8, $0x5;
	v8 =	vld [tilespmem:$0x1F8C0];
	_ =	sdelay $0x3  }
0x2d9: {  	v7 =	vor.u32 s21, v21;
	v4 =	vld.idx.msk [tilespmem:v4+s10+$0x0], $0xffff  }
0x2da: {  	v7 =	vor.u32 v60, v7;
	v60 =	vld [tilespmem:$0x1F8D0];
	v2 =	vor.u32 v8, v2  }
0x2db: {  	v8 =	vor.u32 v13, v2  }
0x2dc: {  	v9 =	vld [tilespmem:$0x1F8E0]  }
0x2dd: {  	s20 =	sshll.u32 s22, $0x7  }
0x2de: {  	s30 =	sand.u32 $0x70, s23;
	s20 =	sand.u32 $0xFFFFFC00, s20  }
0x2df: {  	[tilespmem:v7+s12+$0x0] =	vst.idx.msk $0xffff, v4;
	v4 =	vor.u32 s20, v60;
	v7 =	vor.u32 s30, v15;
	v60 =	vld [tilespmem:$0x1F8F0]  }
0x2e0: {  	v4 =	vor.u32 v7, v4;
	v8 =	vld.idx.msk [tilespmem:v8+s10+$0x0], $0xffff  }
0x2e1: {  	v9 =	vor.u32 v9, v2;
	_ =	sdelay $0x3  }
0x2e2: {  	[tilespmem:v4+s12+$0x0] =	vst.idx.msk $0xffff, v8;
	v4 =	vor.u32 s20, v60;
	v8 =	vor.u32 s30, v17  }
0x2e3: {  	v9 =	vld.idx.msk [tilespmem:v9+s10+$0x0], $0xffff;
	v4 =	vor.u32 v8, v4  }
0x2e4: {  	v10 =	vld [tilespmem:$0x1F900];
	_ =	sdelay $0x3  }
0x2e5: {  	[tilespmem:v4+s12+$0x0] =	vst.idx.msk $0xffff, v9;
	v9 =	vld [tilespmem:$0x1F910]  }
0x2e6: {  	v10 =	vor.u32 v10, v2;
	_ =	sdelay $0x3  }
0x2e7: {  	v4 =	vor.u32 s30, v18;
	v9 =	vor.u32 s20, v9  }
0x2e8: {  	v10 =	vld.idx.msk [tilespmem:v10+s10+$0x0], $0xffff;
	v9 =	vor.u32 v4, v9  }
0x2e9: {  	v11 =	vld [tilespmem:$0x1F920];
	_ =	sdelay $0x3  }
0x2ea: {  	[tilespmem:v9+s12+$0x0] =	vst.idx.msk $0xffff, v10;
	v10 =	vld [tilespmem:$0x1F930]  }
0x2eb: {  	v11 =	vor.u32 v11, v2;
	_ =	sdelay $0x3  }
0x2ec: {  	v9 =	vor.u32 s30, v19;
	v10 =	vor.u32 s20, v10  }
0x2ed: {  	v11 =	vld.idx.msk [tilespmem:v11+s10+$0x0], $0xffff;
	v10 =	vor.u32 v9, v10  }
0x2ee: {  	v12 =	vld [tilespmem:$0x1F940];
	_ =	sdelay $0x3  }
0x2ef: {  	[tilespmem:v10+s12+$0x0] =	vst.idx.msk $0xffff, v11;
	v11 =	vld [tilespmem:$0x1F950]  }
0x2f0: {  	v12 =	vor.u32 v12, v2;
	_ =	sdelay $0x3  }
0x2f1: {  	v10 =	vor.u32 s30, v20;
	v11 =	vor.u32 s20, v11  }
0x2f2: {  	v12 =	vld.idx.msk [tilespmem:v12+s10+$0x0], $0xffff;
	v11 =	vor.u32 v10, v11  }
0x2f3: {  	v13 =	vld [tilespmem:$0x1F960];
	_ =	sdelay $0x3  }
0x2f4: {  	[tilespmem:v11+s12+$0x0] =	vst.idx.msk $0xffff, v12;
	v12 =	vld [tilespmem:$0x1F970]  }
0x2f5: {  	v13 =	vor.u32 v13, v2;
	_ =	sdelay $0x3  }
0x2f6: {  	v11 =	vor.u32 s30, v22;
	v12 =	vor.u32 s20, v12  }
0x2f7: {  	v13 =	vld.idx.msk [tilespmem:v13+s10+$0x0], $0xffff;
	v12 =	vor.u32 v11, v12  }
0x2f8: {  	v14 =	vld [tilespmem:$0x1F980];
	_ =	sdelay $0x3  }
0x2f9: {  	[tilespmem:v12+s12+$0x0] =	vst.idx.msk $0xffff, v13;
	v13 =	vld [tilespmem:$0x1F990]  }
0x2fa: {  	v14 =	vor.u32 v14, v2;
	_ =	sdelay $0x3  }
0x2fb: {  	v12 =	vor.u32 s30, v23;
	v13 =	vor.u32 s20, v13  }
0x2fc: {  	v14 =	vld.idx.msk [tilespmem:v14+s10+$0x0], $0xffff;
	v13 =	vor.u32 v12, v13  }
0x2fd: {  	v15 =	vld [tilespmem:$0x1F9A0];
	_ =	sdelay $0x2  }
0x2fe: {  	v60 =	vmov v18;
	v18 =	vld [tilespmem:$0x1FFE0]  }
0x2ff: {  	[tilespmem:v13+s12+$0x0] =	vst.idx.msk $0xffff, v14;
	v14 =	vld [tilespmem:$0x1F9B0]  }
0x300: {  	v15 =	vor.u32 v15, v2  }
0x301: {  	v17 =	vld [tilespmem:$0x1F9C0];
	_ =	sdelay $0x2  }
0x302: {  	v13 =	vor.u32 s30, v18;
	v14 =	vor.u32 s20, v14  }
0x303: {  	v15 =	vld.idx.msk [tilespmem:v15+s10+$0x0], $0xffff;
	v14 =	vor.u32 v13, v14  }
0x304: {  	v17 =	vor.u32 v17, v2;
	_ =	sdelay $0x3  }
0x305: {  	[tilespmem:v14+s12+$0x0] =	vst.idx.msk $0xffff, v15;
	v14 =	vld [tilespmem:$0x1F9D0]  }
0x306: {  	v15 =	vld.idx.msk [tilespmem:v17+s10+$0x0], $0xffff  }
0x307: {  	v17 =	vld [tilespmem:$0x1F9E0];
	_ =	sdelay $0x2  }
0x308: {  	v14 =	vor.u32 s20, v14  }
0x309: {  	v14 =	vor.u32 v7, v14  }
0x30a: {  	v17 =	vor.u32 v17, v2;
	_ =	sdelay $0x3  }
0x30b: {  	[tilespmem:v14+s12+$0x0] =	vst.idx.msk $0xffff, v15;
	v14 =	vor.u32 s20, v5  }
0x30c: {  	v15 =	vld.idx.msk [tilespmem:v17+s10+$0x0], $0xffff;
	v14 =	vor.u32 v8, v14  }
0x30d: {  	v5 =	vor.u32 v24, v2;
	_ =	sdelay $0x3  }
0x30e: {  	[tilespmem:v14+s12+$0x0] =	vst.idx.msk $0xffff, v15;
	v14 =	vor.u32 s20, v47  }
0x30f: {  	v5 =	vld.idx.msk [tilespmem:v5+s10+$0x0], $0xffff;
	v14 =	vor.u32 v4, v14  }
0x310: {  	v15 =	vor.u32 v26, v2;
	_ =	sdelay $0x3  }
0x311: {  	v3 =	vor.u32 s20, v3;
	[tilespmem:v14+s12+$0x0] =	vst.idx.msk $0xffff, v5  }
0x312: {  	v3 =	vor.u32 v9, v3;
	v5 =	vld.idx.msk [tilespmem:v15+s10+$0x0], $0xffff  }
0x313: {  	v14 =	vor.u32 v29, v2;
	_ =	sdelay $0x3  }
0x314: {  	v29 =	vor.u32 s20, v27;
	[tilespmem:v3+s12+$0x0] =	vst.idx.msk $0xffff, v5  }
0x315: {  	v3 =	vor.u32 v10, v29;
	v5 =	vld.idx.msk [tilespmem:v14+s10+$0x0], $0xffff  }
0x316: {  	v14 =	vor.u32 v32, v2;
	_ =	sdelay $0x3  }
0x317: {  	v32 =	vor.u32 s20, v30;
	[tilespmem:v3+s12+$0x0] =	vst.idx.msk $0xffff, v5  }
0x318: {  	v3 =	vor.u32 v11, v32;
	v5 =	vld.idx.msk [tilespmem:v14+s10+$0x0], $0xffff  }
0x319: {  	v14 =	vor.u32 v33, v2;
	_ =	sdelay $0x3  }
0x31a: {  	v35 =	vor.u32 s20, v35;
	[tilespmem:v3+s12+$0x0] =	vst.idx.msk $0xffff, v5  }
0x31b: {  	v3 =	vor.u32 v12, v35;
	v5 =	vld.idx.msk [tilespmem:v14+s10+$0x0], $0xffff  }
0x31c: {  	v14 =	vor.u32 v36, v2;
	_ =	sdelay $0x3  }
0x31d: {  	v36 =	vor.u32 s20, v38;
	[tilespmem:v3+s12+$0x0] =	vst.idx.msk $0xffff, v5  }
0x31e: {  	v3 =	vor.u32 v13, v36;
	v5 =	vld.idx.msk [tilespmem:v14+s10+$0x0], $0xffff  }
0x31f: {  	v14 =	vor.u32 v41, v2;
	_ =	sdelay $0x3  }
0x320: {  	v38 =	vor.u32 s20, v42;
	[tilespmem:v3+s12+$0x0] =	vst.idx.msk $0xffff, v5  }
0x321: {  	v3 =	vor.u32 v7, v38;
	v5 =	vld.idx.msk [tilespmem:v14+s10+$0x0], $0xffff  }
0x322: {  	v14 =	vor.u32 v44, v2;
	_ =	sdelay $0x3  }
0x323: {  	v41 =	vor.u32 s20, v39;
	[tilespmem:v3+s12+$0x0] =	vst.idx.msk $0xffff, v5  }
0x324: {  	v3 =	vor.u32 v8, v41;
	v5 =	vld.idx.msk [tilespmem:v14+s10+$0x0], $0xffff  }
0x325: {  	v14 =	vor.u32 v45, v2;
	_ =	sdelay $0x3  }
0x326: {  	v42 =	vor.u32 s20, v49;
	[tilespmem:v3+s12+$0x0] =	vst.idx.msk $0xffff, v5  }
0x327: {  	v3 =	vor.u32 v4, v42;
	v5 =	vld.idx.msk [tilespmem:v14+s10+$0x0], $0xffff  }
0x328: {  	v14 =	vor.u32 v51, v2;
	_ =	sdelay $0x3  }
0x329: {  	v44 =	vor.u32 s20, v48;
	[tilespmem:v3+s12+$0x0] =	vst.idx.msk $0xffff, v5  }
0x32a: {  	v3 =	vor.u32 v9, v44;
	v5 =	vld.idx.msk [tilespmem:v14+s10+$0x0], $0xffff  }
0x32b: {  	v14 =	vor.u32 v52, v2;
	_ =	sdelay $0x3  }
0x32c: {  	v45 =	vor.u32 s20, v53;
	[tilespmem:v3+s12+$0x0] =	vst.idx.msk $0xffff, v5  }
0x32d: {  	v3 =	vor.u32 v10, v45;
	v5 =	vld.idx.msk [tilespmem:v14+s10+$0x0], $0xffff  }
0x32e: {  	v14 =	vor.u32 v54, v2;
	_ =	sdelay $0x3  }
0x32f: {  	v47 =	vor.u32 s20, v55;
	[tilespmem:v3+s12+$0x0] =	vst.idx.msk $0xffff, v5  }
0x330: {  	v3 =	vor.u32 v11, v47;
	v5 =	vld.idx.msk [tilespmem:v14+s10+$0x0], $0xffff  }
0x331: {  	v14 =	vor.u32 v56, v2;
	_ =	sdelay $0x3  }
0x332: {  	v48 =	vor.u32 s20, v57;
	[tilespmem:v3+s12+$0x0] =	vst.idx.msk $0xffff, v5  }
0x333: {  	v3 =	vor.u32 v12, v48;
	v5 =	vld.idx.msk [tilespmem:v14+s10+$0x0], $0xffff  }
0x334: {  	v14 =	vor.u32 v58, v2;
	_ =	sdelay $0x3  }
0x335: {  	v49 =	vor.u32 s20, v59;
	[tilespmem:v3+s12+$0x0] =	vst.idx.msk $0xffff, v5  }
0x336: {  	v3 =	vor.u32 v13, v49;
	v5 =	vld.idx.msk [tilespmem:v14+s10+$0x0], $0xffff  }
0x337: {  	v14 =	vor.u32 v50, v2;
	_ =	sdelay $0x3  }
0x338: {  	v51 =	vor.u32 s20, v61;
	[tilespmem:v3+s12+$0x0] =	vst.idx.msk $0xffff, v5  }
0x339: {  	v3 =	vor.u32 v7, v51;
	v5 =	vld.idx.msk [tilespmem:v14+s10+$0x0], $0xffff  }
0x33a: {  	v52 =	vor.u32 v62, v2;
	_ =	sdelay $0x3  }
0x33b: {  	v53 =	vor.u32 s20, v63;
	[tilespmem:v3+s12+$0x0] =	vst.idx.msk $0xffff, v5  }
0x33c: {  	v3 =	vor.u32 v8, v53;
	v5 =	vld.idx.msk [tilespmem:v52+s10+$0x0], $0xffff  }
0x33d: {  	v1 =	vor.u32 v1, v2;
	_ =	sdelay $0x3  }
0x33e: {  	v0 =	vor.u32 s20, v0;
	[tilespmem:v3+s12+$0x0] =	vst.idx.msk $0xffff, v5  }
0x33f: {  	v0 =	vor.u32 v4, v0;
	v1 =	vld.idx.msk [tilespmem:v1+s10+$0x0], $0xffff  }
0x340: {  	v54 =	vor.u32 v6, v2;
	_ =	sdelay $0x3  }
0x341: {  	v55 =	vor.u32 s20, v28;
	[tilespmem:v0+s12+$0x0] =	vst.idx.msk $0xffff, v1  }
0x342: {  	v0 =	vor.u32 v9, v55;
	v1 =	vld.idx.msk [tilespmem:v54+s10+$0x0], $0xffff  }
0x343: {  	v56 =	vor.u32 v25, v2;
	_ =	sdelay $0x3  }
0x344: {  	v57 =	vor.u32 s20, v31;
	[tilespmem:v0+s12+$0x0] =	vst.idx.msk $0xffff, v1  }
0x345: {  	v0 =	vor.u32 v10, v57;
	v1 =	vld.idx.msk [tilespmem:v56+s10+$0x0], $0xffff  }
0x346: {  	v58 =	vor.u32 v37, v2;
	_ =	sdelay $0x3  }
0x347: {  	v59 =	vor.u32 s20, v40;
	[tilespmem:v0+s12+$0x0] =	vst.idx.msk $0xffff, v1  }
0x348: {  	v0 =	vor.u32 v11, v59;
	v1 =	vld.idx.msk [tilespmem:v58+s10+$0x0], $0xffff  }
0x349: {  	v61 =	vor.u32 v34, v2;
	_ =	sdelay $0x3  }
0x34a: {  	v62 =	vor.u32 s20, v46;
	[tilespmem:v0+s12+$0x0] =	vst.idx.msk $0xffff, v1  }
0x34b: {  	v0 =	vor.u32 v12, v62;
	v1 =	vld.idx.msk [tilespmem:v61+s10+$0x0], $0xffff  }
0x34c: {  	v2 =	vor.u32 v43, v2;
	_ =	sdelay $0x3  }
0x34d: {  	v63 =	vor.u32 s20, v21;
	[tilespmem:v0+s12+$0x0] =	vst.idx.msk $0xffff, v1  }
0x34e: {  	v0 =	vor.u32 v13, v63;
	v1 =	vld.idx.msk [tilespmem:v2+s10+$0x0], $0xffff;
	_ =	sdelay $0x3  }
0x34f: {  	p1 =	seq.s32 s17, $0x0  }
0x350: {  	s20 =	simm.s32 @!p1 $0x2;
	[tilespmem:v0+s12+$0x0] =	vst.idx.msk $0xffff, v1  }
0x351: {  	_ =	swait.ge @!p1 [sflag:s20], $0x4000  }
0x352: {  	[sflag:s20] =	ssyncset.done @!p1 $0x0  }
0x353: {  	[sflag:s20] =	ssyncadd.s32 @!p1 $0xFFFFC000;
	p1 =	sne.s32 s18, $0x32  }
.Ltmp2:
0x354: {  	_ = 	snop;
	(pc) =	sbr.rel @p1 .LBB2_2-.Ltmp2, $4  }
0x355: {  	s31 =	sshll.u32 s17, $0x10  }
0x356: {  	s19 =	sadd.s32 $0xE800, s19;
	s17 =	sadd.s32 s31, s5  }
0x357: {  	[hbm4b:s17+s13] =	stream.strided.scatter [tilespmem:s19], [sflag:$0x2], $0x4000, s14, s13, $0x38;
	[tilespmem:$0x16800] =	vst v63  }
0x358: {  	p0 =	por !p0, !p0;
	v24 =	vmov v18;
	v15 =	vmov v16;
	v13 =	vlaneseq.u32;
	v9 =	vld [tilespmem:$0x1FFF0];
	s17 =	smov.u32 s18  }
0x359: {  	s16 =	sadd.s32 $0x1, s16  }
0x35a: {  	p0 =	sne.s32 s16, s6  }
.Ltmp3:
0x35b: {  	_ = 	snop;
	(pc) =	sbr.rel @p0 .LBB2_1-.Ltmp3, $4  }
0x35c: {  	_ = 	snop  }
0x35d: {  	_ =	swait.ge [sflag:s15], $0x4000  }
0x35e: {  	[sflag:s15] =	ssyncset.done $0x0  }
0x35f: {  	[sflag:s15] =	ssyncadd.s32 $0xFFFFC000  }
0x360: {  	_ =	sfence.sel $0x180000  }
0x361: {  	[bflag:$0x0] =	sbarrier.arrive $0xFFFF  }
0x362: {  	p0 =	sne.s32 s0, $0x0;
	_ =	strace $0x90000047  }
0x363: {  	s0 =	sadd.s32 @!p0 $0x100000, s1;
	[bflag:$0x2] =	sbarrier.arrive $0xFFFF  }
0x364: {  	[sflag:s0] =	ssyncadd.tile.s32 @!p0 $0x1;
	_ =	shalt  }
.Lfunc_end2:
_tile_overlayer_lowered:
.L_overlay_start_2:
0x365: {  	(tag) =	ssettag $0x2  }
0x366: {  	s0 =	rddreg [dreg:$0x0];
	s2 =	stileid.u32  }
0x367: {  	s1 =	rddreg [dreg:$0x1];
	p0 =	sne.s32 s2, $0x0  }
0x368: {  	s3 =	rddreg [dreg:$0x2];
	[bflag:$0x3] =	sbarrier.arrive $0xFFFF;
	s2 =	simm.s32 @!p0 $0x1C03  }
0x369: {  	[timem:s3], [sflag:s2] =	dma.local @!p0 [hbm:s0], s1  }
0x36a: {  	s0 =	simm.s32 @!p0 $0x3  }
0x36b: {  	_ =	swait.ge @!p0 [sflag:s0], s1  }
0x36c: {  	s1 =	ssub.s32 @!p0 $0x0, s1;
	[sflag:s0] =	ssyncset.done @!p0 $0x0  }
0x36d: {  	[sflag:s0] =	ssyncadd.s32 @!p0 s1  }
0x36e: {  	[bflag:$0x3] =	sbarrier.arrive $0xFFFF  }
0x36f: {  	_ =	shalt  }

</sc_bundles>
